<compile_context>
chip_gen: v7x
topology: tpu7x:2x2x1
jax: 0.10.2.dev20260603
libtpu: 0.0.44.dev20260713+nightly
codegen_flags: <defaults>
</compile_context>

<pallas_src>
import functools

import jax
import jax.numpy as jnp
import numpy as np
from jax import lax
from jax.experimental import pallas as pl
from jax.experimental.pallas import tpu as pltpu
from jax.experimental.pallas import tpu_sc as plsc

_B, _L, _C = 8, 4096, 128
_NP, _PLEN = 32, 256
_NC, _NS = 2, 16
_NW = _NC * _NS

_STARTS = np.array([
    [2244, 1554, 951, 1729, 2189, 1899, 2177, 807, 3334, 1026, 552, 754, 1945, 3291, 2252, 1810, 3403, 2434, 835, 1799, 3382, 2443, 268, 707, 1644, 2321, 752, 1051, 3612, 1079, 1029, 3492],
    [1237, 1838, 2611, 2324, 1582, 2994, 3153, 493, 3079, 3396, 3735, 3709, 1145, 1472, 2876, 164, 3107, 2573, 148, 3035, 3282, 2163, 3064, 1719, 1291, 850, 347, 3001, 25, 1030, 544, 2440],
    [3715, 2937, 820, 1376, 1858, 441, 2476, 2373, 2291, 3373, 3236, 1276, 46, 1450, 305, 2657, 3607, 1744, 437, 556, 177, 824, 600, 1592, 424, 1790, 1119, 661, 2366, 2488, 1939, 3289],
    [3063, 2271, 3770, 1761, 2353, 1372, 1061, 2596, 3199, 1484, 2110, 802, 2457, 2457, 1403, 2815, 291, 188, 577, 2915, 3717, 776, 3166, 2147, 387, 1344, 2, 2883, 1634, 212, 206, 3206],
    [2385, 1372, 535, 3490, 162, 3421, 3823, 3046, 857, 1386, 3281, 1089, 455, 1100, 1435, 2140, 3218, 678, 1579, 2307, 113, 2337, 3271, 1842, 363, 2352, 3232, 1363, 1454, 1937, 1419, 154],
    [814, 852, 2838, 2387, 3214, 1243, 2895, 2335, 3224, 3119, 39, 628, 740, 1761, 1302, 1551, 878, 3528, 3618, 1843, 2564, 3173, 3062, 1543, 1919, 902, 3781, 1656, 172, 2453, 877, 1197],
    [1716, 2445, 343, 211, 1344, 3019, 182, 3006, 1257, 553, 3249, 2405, 3551, 3120, 1218, 98, 1263, 353, 105, 1359, 537, 2996, 1879, 1459, 2045, 3186, 1995, 2809, 1156, 1228, 1777, 1963],
    [1520, 621, 1312, 20, 2396, 52, 2941, 3273, 1183, 3545, 3766, 3243, 488, 3540, 1719, 1381, 3573, 1984, 544, 506, 401, 2937, 21, 216, 576, 1962, 930, 993, 2044, 1767, 1274, 1552],
], dtype=np.int32)

_X_ROWS = _B * _NP * _PLEN
_X_IDX = (
    (np.arange(_B)[:, None, None] * _L + _STARTS[:, :, None]
     + np.arange(_PLEN)[None, None, :])
    .reshape(_X_ROWS // 128, 128)
    .astype(np.int32)
)
_CHUNKS_PER_W = (_X_ROWS // 128) // _NW
_PATCH_PER_W = (_B * _NP) // _NW
_PATCH_START = np.zeros((_NW, 16), np.int32)
_PATCH_START[:, :_PATCH_PER_W] = (
    np.arange(_B)[:, None] * _L + _STARTS
).reshape(_NW, _PATCH_PER_W).astype(np.int32)
_YWIN = 272
_NBUF = 7
_SLAG = 5

_mesh = plsc.VectorSubcoreMesh(
    core_axis_name="c", subcore_axis_name="s", num_cores=_NC, num_subcores=_NS
)


@functools.partial(
    pl.kernel,
    out_type=(
        jax.ShapeDtypeStruct((_X_ROWS, _C), jnp.float32),
        jax.ShapeDtypeStruct((_X_ROWS,), jnp.float32),
    ),
    mesh=_mesh,
    scratch_types=[
        pltpu.VMEM((_CHUNKS_PER_W, 128), jnp.int32),
        pltpu.VMEM((1, 16), jnp.int32),
        pltpu.VMEM((_NBUF, 128, _C), jnp.float32),
        pltpu.VMEM((_PATCH_PER_W * _YWIN,), jnp.float32),
        pltpu.VMEM((_PATCH_PER_W * _PLEN,), jnp.float32),
        pltpu.SemaphoreType.DMA,
        pltpu.SemaphoreType.DMA,
        pltpu.SemaphoreType.DMA,
    ],
)
def _patch_copy(x2d, yf, xidx, pstart, outx, outy, xidx_v, pstart_v, xbuf,
                ywin_v, yout_v, gsem, ssem, ysem):
    wid = lax.axis_index("s") * _NC + lax.axis_index("c")
    base = wid * _CHUNKS_PER_W

    pltpu.sync_copy(xidx.at[pl.ds(base, _CHUNKS_PER_W)], xidx_v)
    pltpu.sync_copy(pstart.at[pl.ds(wid, 1)], pstart_v)
    ps = pstart_v[0]
    ps_al = ps & -8
    ps_skew = ps - ps_al

    def gather(c):
        pltpu.async_copy(x2d.at[xidx_v.at[c]], xbuf.at[c % _NBUF], gsem)

    def wait_gather(c):
        pltpu.make_async_copy(
            x2d.at[xidx_v.at[c]], xbuf.at[c % _NBUF], gsem
        ).wait()

    def scatter(c):
        pltpu.async_copy(
            xbuf.at[c % _NBUF],
            outx.at[pl.ds(base * 128 + c * 128, 128)],
            ssem,
        )

    def wait_scatter(c):
        pltpu.make_async_copy(
            xbuf.at[c % _NBUF],
            outx.at[pl.ds(base * 128 + c * 128, 128)],
            ssem,
        ).wait()

    for c in range(min(_NBUF - _SLAG + 1, _CHUNKS_PER_W)):
        gather(c)

    for j in range(_PATCH_PER_W):
        o_al = pl.multiple_of(ps_al[j], 8)
        pltpu.async_copy(
            yf.at[pl.ds(o_al, _YWIN)],
            ywin_v.at[pl.ds(j * _YWIN, _YWIN)],
            ysem,
        )

    last_waited = -1
    for c in range(_CHUNKS_PER_W):
        wait_gather(c)
        scatter(c)
        if c - (_SLAG - 1) >= 0:
            wait_scatter(c - (_SLAG - 1))
            last_waited = c - (_SLAG - 1)
        g = c + _NBUF - _SLAG + 1
        if _NBUF - _SLAG + 1 <= g < _CHUNKS_PER_W:
            gather(g)
    pltpu.make_async_copy(
        yf.at[pl.ds(0, _PATCH_PER_W * _YWIN)], ywin_v, ysem
    ).wait()
    for j in range(_PATCH_PER_W):
        r = ps_skew[j]
        for t in range(_PLEN // 16):
            seg = ywin_v[pl.ds(j * _YWIN + t * 16 + r, 16)]
            yout_v[pl.ds(j * _PLEN + t * 16, 16)] = seg
    yo = outy.at[pl.ds(wid * _PATCH_PER_W * _PLEN, _PATCH_PER_W * _PLEN)]
    pltpu.async_copy(yout_v, yo, ysem)
    for c in range(last_waited + 1, _CHUNKS_PER_W):
        wait_scatter(c)
    pltpu.make_async_copy(yout_v, yo, ysem).wait()


def kernel(x, y):
    outx, outy = _patch_copy(
        x.reshape(_B * _L, _C),
        y.reshape(-1),
        jnp.asarray(_X_IDX),
        jnp.asarray(_PATCH_START),
    )
    return (
        outx.reshape(_B, _NP, _PLEN, _C),
        outy.reshape(_B, _NP, _PLEN),
    )

# --- scband reference (transcript-rebuilt; emitter-appended) ---
"""Pipeline reference for scband-patch-sampler1d-51651276702081 (READ-ONLY COPY).

The authoritative reference and input builder live on the scoring server;
editing this copy changes nothing except your own understanding.
"""

import jax, jax.numpy as jnp
import numpy as np

N_PATCHES = 32
PATCH_LEN = 256


def setup_inputs(seed: int = 0) -> dict:
    key = jax.random.key(seed)
    k1, k2 = jax.random.split(key)
    x = jax.random.normal(k1, (8, 4096, 128), dtype=jnp.float32)
    y = jax.random.normal(k2, (8, 4096), dtype=jnp.float32)
    return {"x": x, "y": y}


def reference(x, y):
    # Faithful translation of PatchSampler1d.forward: for each batch element,
    # sample N_PATCHES random start indices in [0, L - PATCH_LEN) and slice
    # contiguous patches of length PATCH_LEN from both x and y.
    # torch.randint is replaced by a fixed-key jax.random.randint so the
    # reference is deterministic; the index tensor is a constant.
    B = x.shape[0]
    L = x.shape[1]
    starts = jax.random.randint(jax.random.key(42), (B, N_PATCHES), 0, L - PATCH_LEN)
    # [B, N_PATCHES, PATCH_LEN] absolute indices along the time axis
    idx = starts[:, :, None] + jnp.arange(PATCH_LEN, dtype=starts.dtype)[None, None, :]
    idx_flat = idx.reshape(B, N_PATCHES * PATCH_LEN)
    # gather along time axis (maps to SparseCore gather)
    x_patches = jnp.take_along_axis(x, idx_flat[:, :, None], axis=1)
    x_patches = x_patches.reshape(B, N_PATCHES, PATCH_LEN, x.shape[-1])
    y_patches = jnp.take_along_axis(y, idx_flat, axis=1)
    y_patches = y_patches.reshape(B, N_PATCHES, PATCH_LEN)
    return (x_patches, y_patches)

if __name__ == "__main__":
    import jax
    _d = setup_inputs()
    print(jax.jit(kernel)(*tuple(_d.values())))

</pallas_src>

<mosaic_0001>
#map = affine_map<(d0, d1) -> (0, 0)>
#map1 = affine_map<(d0, d1) -> (0)>
module attributes {stable_mosaic.version = 14 : i64} {
  func.func @_patch_copy(%arg0: i32, %arg1: i32, %arg2: memref<32768x128xf32, #tpu.memory_space<hbm>>, %arg3: memref<32768xf32, #tpu.memory_space<hbm>>, %arg4: memref<512x128xi32, #tpu.memory_space<hbm>>, %arg5: memref<32x16xi32, #tpu.memory_space<hbm>>, %arg6: memref<65536x128xf32, #tpu.memory_space<hbm>>, %arg7: memref<65536xf32, #tpu.memory_space<hbm>>, %arg8: memref<16x128xi32, #tpu.memory_space<vmem>>, %arg9: memref<1x16xi32, #tpu.memory_space<vmem>>, %arg10: memref<7x128x128xf32, #tpu.memory_space<vmem>>, %arg11: memref<2176xf32, #tpu.memory_space<vmem>>, %arg12: memref<2048xf32, #tpu.memory_space<vmem>>, %arg13: memref<!tpu.dma_semaphore, #tpu.memory_space<semaphore_mem>>, %arg14: memref<!tpu.dma_semaphore, #tpu.memory_space<semaphore_mem>>, %arg15: memref<!tpu.dma_semaphore, #tpu.memory_space<semaphore_mem>>) attributes {dimension_semantics = [#tpu.dimension_semantics<core_parallel>, #tpu.dimension_semantics<subcore_parallel>], iteration_bounds = array<i64: 2, 16>, scalar_prefetch = 0 : i64, scratch_operands = 8 : i64, tpu.core_type = #tpu.core_type<sc_vector_subcore>, window_params = [{transform_indices = #map}, {transform_indices = #map1}, {transform_indices = #map}, {transform_indices = #map}, {transform_indices = #map}, {transform_indices = #map1}]} {
    %mul3A = arith.constant 2 : i32
    %mul3A_0 = arith.muli %arg1, %mul3A : i32
    %add3A = arith.addi %mul3A_0, %arg0 : i32
    %mul3A_1 = arith.constant 16 : i32
    %mul3A_2 = arith.muli %add3A, %mul3A_1 : i32
    "tpu.region"() ({
      %run_scoped3A = tpu.sem_alloc : memref<!tpu.dma_semaphore, #tpu.memory_space<semaphore_mem>>
      %dma_start3A_2183 = arith.constant 0 : i32
      %dma_start3A_2184 = tpu.memref_slice %arg4[%mul3A_2, %dma_start3A_2183] : memref<512x128xi32, #tpu.memory_space<hbm>> -> memref<16x128xi32, #tpu.memory_space<hbm>>
      %dma_start3A_2185 = arith.constant 0 : i32
      %dma_start3A_2186 = tpu.memref_slice %arg4[%mul3A_2, %dma_start3A_2185] : memref<512x128xi32, #tpu.memory_space<hbm>> -> memref<16x128xi32, #tpu.memory_space<hbm>>
      tpu.enqueue_dma source(%dma_start3A_2186 : memref<16x128xi32, #tpu.memory_space<hbm>>) target(%arg8 : memref<16x128xi32, #tpu.memory_space<vmem>>) target_semaphore(%run_scoped3A : memref<!tpu.dma_semaphore, #tpu.memory_space<semaphore_mem>>)
      %dma_wait3A_2187 = arith.constant 0 : i32
      %dma_wait3A_2188 = tpu.memref_slice %arg4[%mul3A_2, %dma_wait3A_2187] : memref<512x128xi32, #tpu.memory_space<hbm>> -> memref<16x128xi32, #tpu.memory_space<hbm>>
      %dma_wait3A_2189 = arith.constant 0 : i32
      %dma_wait3A_2190 = tpu.memref_slice %arg4[%mul3A_2, %dma_wait3A_2189] : memref<512x128xi32, #tpu.memory_space<hbm>> -> memref<16x128xi32, #tpu.memory_space<hbm>>
      tpu.wait_dma2 semaphore(%run_scoped3A : memref<!tpu.dma_semaphore, #tpu.memory_space<semaphore_mem>>) src(%dma_wait3A_2190 : memref<16x128xi32, #tpu.memory_space<hbm>>) dst(%arg8 : memref<16x128xi32, #tpu.memory_space<vmem>>)
      tpu.yield
    }) : () -> ()
    "tpu.region"() ({
      %run_scoped3A = tpu.sem_alloc : memref<!tpu.dma_semaphore, #tpu.memory_space<semaphore_mem>>
      %dma_start3A_2183 = arith.constant 0 : i32
      %dma_start3A_2184 = tpu.memref_slice %arg5[%add3A, %dma_start3A_2183] : memref<32x16xi32, #tpu.memory_space<hbm>> -> memref<1x16xi32, #tpu.memory_space<hbm>>
      %dma_start3A_2185 = arith.constant 0 : i32
      %dma_start3A_2186 = tpu.memref_slice %arg5[%add3A, %dma_start3A_2185] : memref<32x16xi32, #tpu.memory_space<hbm>> -> memref<1x16xi32, #tpu.memory_space<hbm>>
      tpu.enqueue_dma source(%dma_start3A_2186 : memref<1x16xi32, #tpu.memory_space<hbm>>) target(%arg9 : memref<1x16xi32, #tpu.memory_space<vmem>>) target_semaphore(%run_scoped3A : memref<!tpu.dma_semaphore, #tpu.memory_space<semaphore_mem>>)
      %dma_wait3A_2187 = arith.constant 0 : i32
      %dma_wait3A_2188 = tpu.memref_slice %arg5[%add3A, %dma_wait3A_2187] : memref<32x16xi32, #tpu.memory_space<hbm>> -> memref<1x16xi32, #tpu.memory_space<hbm>>
      %dma_wait3A_2189 = arith.constant 0 : i32
      %dma_wait3A_2190 = tpu.memref_slice %arg5[%add3A, %dma_wait3A_2189] : memref<32x16xi32, #tpu.memory_space<hbm>> -> memref<1x16xi32, #tpu.memory_space<hbm>>
      tpu.wait_dma2 semaphore(%run_scoped3A : memref<!tpu.dma_semaphore, #tpu.memory_space<semaphore_mem>>) src(%dma_wait3A_2190 : memref<1x16xi32, #tpu.memory_space<hbm>>) dst(%arg9 : memref<1x16xi32, #tpu.memory_space<vmem>>)
      tpu.yield
    }) : () -> ()
    %get3A = arith.constant 0 : i32
    %get3A_3 = arith.index_cast %get3A : i32 to index
    %get3A_4 = arith.constant 0 : index
    %get3A_5 = tpu.vector_load %arg9[%get3A_3, %get3A_4] {strides = array<i32>} : memref<1x16xi32, #tpu.memory_space<vmem>>, vector<1x16xi32>,
    %get3A_6 = vector.shape_cast %get3A_5 : vector<1x16xi32> to vector<16xi32>
    %and3A = arith.constant -8 : i32
    %and3A_7 = vector.broadcast %and3A : i32 to vector<16xi32>
    %and3A_8 = arith.andi %get3A_6, %and3A_7 : vector<16xi32>
    %sub3A = arith.subi %get3A_6, %and3A_8 : vector<16xi32>
    %dma_start3A = arith.constant 0 : i32
    %dma_start3A_9 = arith.constant 0 : i32
    %dma_start3A_10 = arith.constant 0 : i32
    %dma_start3A_11 = arith.constant 0 : i32
    %dma_start3A_12 = tpu.memref_slice %arg10[%dma_start3A_9, %dma_start3A_10, %dma_start3A_11] : memref<7x128x128xf32, #tpu.memory_space<vmem>> -> memref<1x128x128xf32, #tpu.memory_space<vmem>>
    %dma_start3A_13 = tpu.memref_squeeze %dma_start3A_12 : memref<1x128x128xf32, #tpu.memory_space<vmem>> -> memref<128x128xf32, #tpu.memory_space<vmem>>
    %dma_start3A_14 = arith.constant 0 : i32
    %dma_start3A_15 = tpu.memref_slice %arg8[%dma_start3A, %dma_start3A_14] : memref<16x128xi32, #tpu.memory_space<vmem>> -> memref<1x128xi32, #tpu.memory_space<vmem>>
    %dma_start3A_16 = tpu.memref_squeeze %dma_start3A_15 : memref<1x128xi32, #tpu.memory_space<vmem>> -> memref<128xi32, #tpu.memory_space<vmem>>
    %dma_start3A_17 = arith.constant 0 : i32
    %dma_start3A_18 = arith.constant 0 : i32
    %dma_start3A_19 = tpu.memref_slice %arg2[%dma_start3A_17, %dma_start3A_18] : memref<32768x128xf32, #tpu.memory_space<hbm>> -> memref<32768x128xf32, #tpu.memory_space<hbm>>
    tpu.enqueue_indirect_dma source(%dma_start3A_19 : memref<32768x128xf32, #tpu.memory_space<hbm>>) target(%dma_start3A_13 : memref<128x128xf32, #tpu.memory_space<vmem>>) offsets(%dma_start3A_16 : memref<128xi32, #tpu.memory_space<vmem>>) semaphore(%arg13 : memref<!tpu.dma_semaphore, #tpu.memory_space<semaphore_mem>>)
    %dma_start3A_20 = arith.constant 1 : i32
    %dma_start3A_21 = arith.constant 1 : i32
    %dma_start3A_22 = arith.constant 0 : i32
    %dma_start3A_23 = arith.constant 0 : i32
    %dma_start3A_24 = tpu.memref_slice %arg10[%dma_start3A_21, %dma_start3A_22, %dma_start3A_23] : memref<7x128x128xf32, #tpu.memory_space<vmem>> -> memref<1x128x128xf32, #tpu.memory_space<vmem>>
    %dma_start3A_25 = tpu.memref_squeeze %dma_start3A_24 : memref<1x128x128xf32, #tpu.memory_space<vmem>> -> memref<128x128xf32, #tpu.memory_space<vmem>>
    %dma_start3A_26 = arith.constant 0 : i32
    %dma_start3A_27 = tpu.memref_slice %arg8[%dma_start3A_20, %dma_start3A_26] : memref<16x128xi32, #tpu.memory_space<vmem>> -> memref<1x128xi32, #tpu.memory_space<vmem>>
    %dma_start3A_28 = tpu.memref_squeeze %dma_start3A_27 : memref<1x128xi32, #tpu.memory_space<vmem>> -> memref<128xi32, #tpu.memory_space<vmem>>
    %dma_start3A_29 = arith.constant 0 : i32
    %dma_start3A_30 = arith.constant 0 : i32
    %dma_start3A_31 = tpu.memref_slice %arg2[%dma_start3A_29, %dma_start3A_30] : memref<32768x128xf32, #tpu.memory_space<hbm>> -> memref<32768x128xf32, #tpu.memory_space<hbm>>
    tpu.enqueue_indirect_dma source(%dma_start3A_31 : memref<32768x128xf32, #tpu.memory_space<hbm>>) target(%dma_start3A_25 : memref<128x128xf32, #tpu.memory_space<vmem>>) offsets(%dma_start3A_28 : memref<128xi32, #tpu.memory_space<vmem>>) semaphore(%arg13 : memref<!tpu.dma_semaphore, #tpu.memory_space<semaphore_mem>>)
    %dma_start3A_32 = arith.constant 2 : i32
    %dma_start3A_33 = arith.constant 2 : i32
    %dma_start3A_34 = arith.constant 0 : i32
    %dma_start3A_35 = arith.constant 0 : i32
    %dma_start3A_36 = tpu.memref_slice %arg10[%dma_start3A_33, %dma_start3A_34, %dma_start3A_35] : memref<7x128x128xf32, #tpu.memory_space<vmem>> -> memref<1x128x128xf32, #tpu.memory_space<vmem>>
    %dma_start3A_37 = tpu.memref_squeeze %dma_start3A_36 : memref<1x128x128xf32, #tpu.memory_space<vmem>> -> memref<128x128xf32, #tpu.memory_space<vmem>>
    %dma_start3A_38 = arith.constant 0 : i32
    %dma_start3A_39 = tpu.memref_slice %arg8[%dma_start3A_32, %dma_start3A_38] : memref<16x128xi32, #tpu.memory_space<vmem>> -> memref<1x128xi32, #tpu.memory_space<vmem>>
    %dma_start3A_40 = tpu.memref_squeeze %dma_start3A_39 : memref<1x128xi32, #tpu.memory_space<vmem>> -> memref<128xi32, #tpu.memory_space<vmem>>
    %dma_start3A_41 = arith.constant 0 : i32
    %dma_start3A_42 = arith.constant 0 : i32
    %dma_start3A_43 = tpu.memref_slice %arg2[%dma_start3A_41, %dma_start3A_42] : memref<32768x128xf32, #tpu.memory_space<hbm>> -> memref<32768x128xf32, #tpu.memory_space<hbm>>
    tpu.enqueue_indirect_dma source(%dma_start3A_43 : memref<32768x128xf32, #tpu.memory_space<hbm>>) target(%dma_start3A_37 : memref<128x128xf32, #tpu.memory_space<vmem>>) offsets(%dma_start3A_40 : memref<128xi32, #tpu.memory_space<vmem>>) semaphore(%arg13 : memref<!tpu.dma_semaphore, #tpu.memory_space<semaphore_mem>>)
    %slice3A = vector.extract_strided_slice %and3A_8 {offsets = [0], sizes = [1], strides = [1]} : vector<16xi32> to vector<1xi32>
    %squeeze3A = vector.extract %slice3A[0] : i32 from vector<1xi32>
    %multiple_of3A = tpu.assume_multiple %squeeze3A, 8 : i32
    %dma_start3A_44 = arith.constant 0 : i32
    %dma_start3A_45 = tpu.memref_slice %arg11[%dma_start3A_44] : memref<2176xf32, #tpu.memory_space<vmem>> -> memref<272xf32, #tpu.memory_space<vmem>>
    %dma_start3A_46 = tpu.memref_slice %arg3[%multiple_of3A] : memref<32768xf32, #tpu.memory_space<hbm>> -> memref<272xf32, #tpu.memory_space<hbm>>
    %dma_start3A_47 = arith.constant 0 : i32
    %dma_start3A_48 = tpu.memref_slice %arg11[%dma_start3A_47] : memref<2176xf32, #tpu.memory_space<vmem>> -> memref<272xf32, #tpu.memory_space<vmem>>
    %dma_start3A_49 = tpu.memref_slice %arg3[%multiple_of3A] : memref<32768xf32, #tpu.memory_space<hbm>> -> memref<272xf32, #tpu.memory_space<hbm>>
    tpu.enqueue_dma source(%dma_start3A_49 : memref<272xf32, #tpu.memory_space<hbm>>) target(%dma_start3A_48 : memref<272xf32, #tpu.memory_space<vmem>>) target_semaphore(%arg15 : memref<!tpu.dma_semaphore, #tpu.memory_space<semaphore_mem>>)
    %slice3A_50 = vector.extract_strided_slice %and3A_8 {offsets = [1], sizes = [1], strides = [1]} : vector<16xi32> to vector<1xi32>
    %squeeze3A_51 = vector.extract %slice3A_50[0] : i32 from vector<1xi32>
    %multiple_of3A_52 = tpu.assume_multiple %squeeze3A_51, 8 : i32
    %dma_start3A_53 = arith.constant 272 : i32
    %dma_start3A_54 = tpu.memref_slice %arg11[%dma_start3A_53] : memref<2176xf32, #tpu.memory_space<vmem>> -> memref<272xf32, #tpu.memory_space<vmem>>
    %dma_start3A_55 = tpu.memref_slice %arg3[%multiple_of3A_52] : memref<32768xf32, #tpu.memory_space<hbm>> -> memref<272xf32, #tpu.memory_space<hbm>>
    %dma_start3A_56 = arith.constant 272 : i32
    %dma_start3A_57 = tpu.memref_slice %arg11[%dma_start3A_56] : memref<2176xf32, #tpu.memory_space<vmem>> -> memref<272xf32, #tpu.memory_space<vmem>>
    %dma_start3A_58 = tpu.memref_slice %arg3[%multiple_of3A_52] : memref<32768xf32, #tpu.memory_space<hbm>> -> memref<272xf32, #tpu.memory_space<hbm>>
    tpu.enqueue_dma source(%dma_start3A_58 : memref<272xf32, #tpu.memory_space<hbm>>) target(%dma_start3A_57 : memref<272xf32, #tpu.memory_space<vmem>>) target_semaphore(%arg15 : memref<!tpu.dma_semaphore, #tpu.memory_space<semaphore_mem>>)
    %slice3A_59 = vector.extract_strided_slice %and3A_8 {offsets = [2], sizes = [1], strides = [1]} : vector<16xi32> to vector<1xi32>
    %squeeze3A_60 = vector.extract %slice3A_59[0] : i32 from vector<1xi32>
    %multiple_of3A_61 = tpu.assume_multiple %squeeze3A_60, 8 : i32
    %dma_start3A_62 = arith.constant 544 : i32
    %dma_start3A_63 = tpu.memref_slice %arg11[%dma_start3A_62] : memref<2176xf32, #tpu.memory_space<vmem>> -> memref<272xf32, #tpu.memory_space<vmem>>
    %dma_start3A_64 = tpu.memref_slice %arg3[%multiple_of3A_61] : memref<32768xf32, #tpu.memory_space<hbm>> -> memref<272xf32, #tpu.memory_space<hbm>>
    %dma_start3A_65 = arith.constant 544 : i32
    %dma_start3A_66 = tpu.memref_slice %arg11[%dma_start3A_65] : memref<2176xf32, #tpu.memory_space<vmem>> -> memref<272xf32, #tpu.memory_space<vmem>>
    %dma_start3A_67 = tpu.memref_slice %arg3[%multiple_of3A_61] : memref<32768xf32, #tpu.memory_space<hbm>> -> memref<272xf32, #tpu.memory_space<hbm>>
    tpu.enqueue_dma source(%dma_start3A_67 : memref<272xf32, #tpu.memory_space<hbm>>) target(%dma_start3A_66 : memref<272xf32, #tpu.memory_space<vmem>>) target_semaphore(%arg15 : memref<!tpu.dma_semaphore, #tpu.memory_space<semaphore_mem>>)
    %slice3A_68 = vector.extract_strided_slice %and3A_8 {offsets = [3], sizes = [1], strides = [1]} : vector<16xi32> to vector<1xi32>
    %squeeze3A_69 = vector.extract %slice3A_68[0] : i32 from vector<1xi32>
    %multiple_of3A_70 = tpu.assume_multiple %squeeze3A_69, 8 : i32
    %dma_start3A_71 = arith.constant 816 : i32
    %dma_start3A_72 = tpu.memref_slice %arg11[%dma_start3A_71] : memref<2176xf32, #tpu.memory_space<vmem>> -> memref<272xf32, #tpu.memory_space<vmem>>
    %dma_start3A_73 = tpu.memref_slice %arg3[%multiple_of3A_70] : memref<32768xf32, #tpu.memory_space<hbm>> -> memref<272xf32, #tpu.memory_space<hbm>>
    %dma_start3A_74 = arith.constant 816 : i32
    %dma_start3A_75 = tpu.memref_slice %arg11[%dma_start3A_74] : memref<2176xf32, #tpu.memory_space<vmem>> -> memref<272xf32, #tpu.memory_space<vmem>>
    %dma_start3A_76 = tpu.memref_slice %arg3[%multiple_of3A_70] : memref<32768xf32, #tpu.memory_space<hbm>> -> memref<272xf32, #tpu.memory_space<hbm>>
    tpu.enqueue_dma source(%dma_start3A_76 : memref<272xf32, #tpu.memory_space<hbm>>) target(%dma_start3A_75 : memref<272xf32, #tpu.memory_space<vmem>>) target_semaphore(%arg15 : memref<!tpu.dma_semaphore, #tpu.memory_space<semaphore_mem>>)
    %slice3A_77 = vector.extract_strided_slice %and3A_8 {offsets = [4], sizes = [1], strides = [1]} : vector<16xi32> to vector<1xi32>
    %squeeze3A_78 = vector.extract %slice3A_77[0] : i32 from vector<1xi32>
    %multiple_of3A_79 = tpu.assume_multiple %squeeze3A_78, 8 : i32
    %dma_start3A_80 = arith.constant 1088 : i32
    %dma_start3A_81 = tpu.memref_slice %arg11[%dma_start3A_80] : memref<2176xf32, #tpu.memory_space<vmem>> -> memref<272xf32, #tpu.memory_space<vmem>>
    %dma_start3A_82 = tpu.memref_slice %arg3[%multiple_of3A_79] : memref<32768xf32, #tpu.memory_space<hbm>> -> memref<272xf32, #tpu.memory_space<hbm>>
    %dma_start3A_83 = arith.constant 1088 : i32
    %dma_start3A_84 = tpu.memref_slice %arg11[%dma_start3A_83] : memref<2176xf32, #tpu.memory_space<vmem>> -> memref<272xf32, #tpu.memory_space<vmem>>
    %dma_start3A_85 = tpu.memref_slice %arg3[%multiple_of3A_79] : memref<32768xf32, #tpu.memory_space<hbm>> -> memref<272xf32, #tpu.memory_space<hbm>>
    tpu.enqueue_dma source(%dma_start3A_85 : memref<272xf32, #tpu.memory_space<hbm>>) target(%dma_start3A_84 : memref<272xf32, #tpu.memory_space<vmem>>) target_semaphore(%arg15 : memref<!tpu.dma_semaphore, #tpu.memory_space<semaphore_mem>>)
    %slice3A_86 = vector.extract_strided_slice %and3A_8 {offsets = [5], sizes = [1], strides = [1]} : vector<16xi32> to vector<1xi32>
    %squeeze3A_87 = vector.extract %slice3A_86[0] : i32 from vector<1xi32>
    %multiple_of3A_88 = tpu.assume_multiple %squeeze3A_87, 8 : i32
    %dma_start3A_89 = arith.constant 1360 : i32
    %dma_start3A_90 = tpu.memref_slice %arg11[%dma_start3A_89] : memref<2176xf32, #tpu.memory_space<vmem>> -> memref<272xf32, #tpu.memory_space<vmem>>
    %dma_start3A_91 = tpu.memref_slice %arg3[%multiple_of3A_88] : memref<32768xf32, #tpu.memory_space<hbm>> -> memref<272xf32, #tpu.memory_space<hbm>>
    %dma_start3A_92 = arith.constant 1360 : i32
    %dma_start3A_93 = tpu.memref_slice %arg11[%dma_start3A_92] : memref<2176xf32, #tpu.memory_space<vmem>> -> memref<272xf32, #tpu.memory_space<vmem>>
    %dma_start3A_94 = tpu.memref_slice %arg3[%multiple_of3A_88] : memref<32768xf32, #tpu.memory_space<hbm>> -> memref<272xf32, #tpu.memory_space<hbm>>
    tpu.enqueue_dma source(%dma_start3A_94 : memref<272xf32, #tpu.memory_space<hbm>>) target(%dma_start3A_93 : memref<272xf32, #tpu.memory_space<vmem>>) target_semaphore(%arg15 : memref<!tpu.dma_semaphore, #tpu.memory_space<semaphore_mem>>)
    %slice3A_95 = vector.extract_strided_slice %and3A_8 {offsets = [6], sizes = [1], strides = [1]} : vector<16xi32> to vector<1xi32>
    %squeeze3A_96 = vector.extract %slice3A_95[0] : i32 from vector<1xi32>
    %multiple_of3A_97 = tpu.assume_multiple %squeeze3A_96, 8 : i32
    %dma_start3A_98 = arith.constant 1632 : i32
    %dma_start3A_99 = tpu.memref_slice %arg11[%dma_start3A_98] : memref<2176xf32, #tpu.memory_space<vmem>> -> memref<272xf32, #tpu.memory_space<vmem>>
    %dma_start3A_100 = tpu.memref_slice %arg3[%multiple_of3A_97] : memref<32768xf32, #tpu.memory_space<hbm>> -> memref<272xf32, #tpu.memory_space<hbm>>
    %dma_start3A_101 = arith.constant 1632 : i32
    %dma_start3A_102 = tpu.memref_slice %arg11[%dma_start3A_101] : memref<2176xf32, #tpu.memory_space<vmem>> -> memref<272xf32, #tpu.memory_space<vmem>>
    %dma_start3A_103 = tpu.memref_slice %arg3[%multiple_of3A_97] : memref<32768xf32, #tpu.memory_space<hbm>> -> memref<272xf32, #tpu.memory_space<hbm>>
    tpu.enqueue_dma source(%dma_start3A_103 : memref<272xf32, #tpu.memory_space<hbm>>) target(%dma_start3A_102 : memref<272xf32, #tpu.memory_space<vmem>>) target_semaphore(%arg15 : memref<!tpu.dma_semaphore, #tpu.memory_space<semaphore_mem>>)
    %slice3A_104 = vector.extract_strided_slice %and3A_8 {offsets = [7], sizes = [1], strides = [1]} : vector<16xi32> to vector<1xi32>
    %squeeze3A_105 = vector.extract %slice3A_104[0] : i32 from vector<1xi32>
    %multiple_of3A_106 = tpu.assume_multiple %squeeze3A_105, 8 : i32
    %dma_start3A_107 = arith.constant 1904 : i32
    %dma_start3A_108 = tpu.memref_slice %arg11[%dma_start3A_107] : memref<2176xf32, #tpu.memory_space<vmem>> -> memref<272xf32, #tpu.memory_space<vmem>>
    %dma_start3A_109 = tpu.memref_slice %arg3[%multiple_of3A_106] : memref<32768xf32, #tpu.memory_space<hbm>> -> memref<272xf32, #tpu.memory_space<hbm>>
    %dma_start3A_110 = arith.constant 1904 : i32
    %dma_start3A_111 = tpu.memref_slice %arg11[%dma_start3A_110] : memref<2176xf32, #tpu.memory_space<vmem>> -> memref<272xf32, #tpu.memory_space<vmem>>
    %dma_start3A_112 = tpu.memref_slice %arg3[%multiple_of3A_106] : memref<32768xf32, #tpu.memory_space<hbm>> -> memref<272xf32, #tpu.memory_space<hbm>>
    tpu.enqueue_dma source(%dma_start3A_112 : memref<272xf32, #tpu.memory_space<hbm>>) target(%dma_start3A_111 : memref<272xf32, #tpu.memory_space<vmem>>) target_semaphore(%arg15 : memref<!tpu.dma_semaphore, #tpu.memory_space<semaphore_mem>>)
    %dma_wait3A = arith.constant 0 : i32
    %dma_wait3A_113 = arith.constant 0 : i32
    %dma_wait3A_114 = arith.constant 0 : i32
    %dma_wait3A_115 = arith.constant 0 : i32
    %dma_wait3A_116 = tpu.memref_slice %arg10[%dma_wait3A_113, %dma_wait3A_114, %dma_wait3A_115] : memref<7x128x128xf32, #tpu.memory_space<vmem>> -> memref<1x128x128xf32, #tpu.memory_space<vmem>>
    %dma_wait3A_117 = tpu.memref_squeeze %dma_wait3A_116 : memref<1x128x128xf32, #tpu.memory_space<vmem>> -> memref<128x128xf32, #tpu.memory_space<vmem>>
    %dma_wait3A_118 = arith.constant 0 : i32
    %dma_wait3A_119 = tpu.memref_slice %arg8[%dma_wait3A, %dma_wait3A_118] : memref<16x128xi32, #tpu.memory_space<vmem>> -> memref<1x128xi32, #tpu.memory_space<vmem>>
    %dma_wait3A_120 = tpu.memref_squeeze %dma_wait3A_119 : memref<1x128xi32, #tpu.memory_space<vmem>> -> memref<128xi32, #tpu.memory_space<vmem>>
    %dma_wait3A_121 = arith.constant 0 : i32
    %dma_wait3A_122 = arith.constant 0 : i32
    %dma_wait3A_123 = tpu.memref_slice %arg2[%dma_wait3A_121, %dma_wait3A_122] : memref<32768x128xf32, #tpu.memory_space<hbm>> -> memref<32768x128xf32, #tpu.memory_space<hbm>>
    tpu.wait_indirect_dma semaphore(%arg13 : memref<!tpu.dma_semaphore, #tpu.memory_space<semaphore_mem>>) src(%dma_wait3A_123 : memref<32768x128xf32, #tpu.memory_space<hbm>>) dst(%dma_wait3A_117 : memref<128x128xf32, #tpu.memory_space<vmem>>)
    %mul3A_124 = arith.constant 128 : i32
    %mul3A_125 = arith.muli %mul3A_2, %mul3A_124 : i32
    %add3A_126 = arith.constant 0 : i32
    %add3A_127 = arith.addi %mul3A_125, %add3A_126 : i32
    %dma_start3A_128 = arith.constant 0 : i32
    %dma_start3A_129 = arith.constant 0 : i32
    %dma_start3A_130 = arith.constant 0 : i32
    %dma_start3A_131 = tpu.memref_slice %arg10[%dma_start3A_128, %dma_start3A_129, %dma_start3A_130] : memref<7x128x128xf32, #tpu.memory_space<vmem>> -> memref<1x128x128xf32, #tpu.memory_space<vmem>>
    %dma_start3A_132 = tpu.memref_squeeze %dma_start3A_131 : memref<1x128x128xf32, #tpu.memory_space<vmem>> -> memref<128x128xf32, #tpu.memory_space<vmem>>
    %dma_start3A_133 = arith.constant 0 : i32
    %dma_start3A_134 = tpu.memref_slice %arg6[%add3A_127, %dma_start3A_133] : memref<65536x128xf32, #tpu.memory_space<hbm>> -> memref<128x128xf32, #tpu.memory_space<hbm>>
    %dma_start3A_135 = arith.constant 0 : i32
    %dma_start3A_136 = tpu.memref_slice %arg6[%add3A_127, %dma_start3A_135] : memref<65536x128xf32, #tpu.memory_space<hbm>> -> memref<128x128xf32, #tpu.memory_space<hbm>>
    %dma_start3A_137 = arith.constant 0 : i32
    %dma_start3A_138 = arith.constant 0 : i32
    %dma_start3A_139 = tpu.memref_slice %arg10[%dma_start3A_128, %dma_start3A_137, %dma_start3A_138] : memref<7x128x128xf32, #tpu.memory_space<vmem>> -> memref<1x128x128xf32, #tpu.memory_space<vmem>>
    %dma_start3A_140 = tpu.memref_squeeze %dma_start3A_139 : memref<1x128x128xf32, #tpu.memory_space<vmem>> -> memref<128x128xf32, #tpu.memory_space<vmem>>
    tpu.enqueue_dma source(%dma_start3A_140 : memref<128x128xf32, #tpu.memory_space<vmem>>) target(%dma_start3A_136 : memref<128x128xf32, #tpu.memory_space<hbm>>) target_semaphore(%arg14 : memref<!tpu.dma_semaphore, #tpu.memory_space<semaphore_mem>>)
    %dma_start3A_141 = arith.constant 3 : i32
    %dma_start3A_142 = arith.constant 3 : i32
    %dma_start3A_143 = arith.constant 0 : i32
    %dma_start3A_144 = arith.constant 0 : i32
    %dma_start3A_145 = tpu.memref_slice %arg10[%dma_start3A_142, %dma_start3A_143, %dma_start3A_144] : memref<7x128x128xf32, #tpu.memory_space<vmem>> -> memref<1x128x128xf32, #tpu.memory_space<vmem>>
    %dma_start3A_146 = tpu.memref_squeeze %dma_start3A_145 : memref<1x128x128xf32, #tpu.memory_space<vmem>> -> memref<128x128xf32, #tpu.memory_space<vmem>>
    %dma_start3A_147 = arith.constant 0 : i32
    %dma_start3A_148 = tpu.memref_slice %arg8[%dma_start3A_141, %dma_start3A_147] : memref<16x128xi32, #tpu.memory_space<vmem>> -> memref<1x128xi32, #tpu.memory_space<vmem>>
    %dma_start3A_149 = tpu.memref_squeeze %dma_start3A_148 : memref<1x128xi32, #tpu.memory_space<vmem>> -> memref<128xi32, #tpu.memory_space<vmem>>
    %dma_start3A_150 = arith.constant 0 : i32
    %dma_start3A_151 = arith.constant 0 : i32
    %dma_start3A_152 = tpu.memref_slice %arg2[%dma_start3A_150, %dma_start3A_151] : memref<32768x128xf32, #tpu.memory_space<hbm>> -> memref<32768x128xf32, #tpu.memory_space<hbm>>
    tpu.enqueue_indirect_dma source(%dma_start3A_152 : memref<32768x128xf32, #tpu.memory_space<hbm>>) target(%dma_start3A_146 : memref<128x128xf32, #tpu.memory_space<vmem>>) offsets(%dma_start3A_149 : memref<128xi32, #tpu.memory_space<vmem>>) semaphore(%arg13 : memref<!tpu.dma_semaphore, #tpu.memory_space<semaphore_mem>>)
    %dma_wait3A_153 = arith.constant 1 : i32
    %dma_wait3A_154 = arith.constant 1 : i32
    %dma_wait3A_155 = arith.constant 0 : i32
    %dma_wait3A_156 = arith.constant 0 : i32
    %dma_wait3A_157 = tpu.memref_slice %arg10[%dma_wait3A_154, %dma_wait3A_155, %dma_wait3A_156] : memref<7x128x128xf32, #tpu.memory_space<vmem>> -> memref<1x128x128xf32, #tpu.memory_space<vmem>>
    %dma_wait3A_158 = tpu.memref_squeeze %dma_wait3A_157 : memref<1x128x128xf32, #tpu.memory_space<vmem>> -> memref<128x128xf32, #tpu.memory_space<vmem>>
    %dma_wait3A_159 = arith.constant 0 : i32
    %dma_wait3A_160 = tpu.memref_slice %arg8[%dma_wait3A_153, %dma_wait3A_159] : memref<16x128xi32, #tpu.memory_space<vmem>> -> memref<1x128xi32, #tpu.memory_space<vmem>>
    %dma_wait3A_161 = tpu.memref_squeeze %dma_wait3A_160 : memref<1x128xi32, #tpu.memory_space<vmem>> -> memref<128xi32, #tpu.memory_space<vmem>>
    %dma_wait3A_162 = arith.constant 0 : i32
    %dma_wait3A_163 = arith.constant 0 : i32
    %dma_wait3A_164 = tpu.memref_slice %arg2[%dma_wait3A_162, %dma_wait3A_163] : memref<32768x128xf32, #tpu.memory_space<hbm>> -> memref<32768x128xf32, #tpu.memory_space<hbm>>
    tpu.wait_indirect_dma semaphore(%arg13 : memref<!tpu.dma_semaphore, #tpu.memory_space<semaphore_mem>>) src(%dma_wait3A_164 : memref<32768x128xf32, #tpu.memory_space<hbm>>) dst(%dma_wait3A_158 : memref<128x128xf32, #tpu.memory_space<vmem>>)
    %mul3A_165 = arith.constant 128 : i32
    %mul3A_166 = arith.muli %mul3A_2, %mul3A_165 : i32
    %add3A_167 = arith.constant 128 : i32
    %add3A_168 = arith.addi %mul3A_166, %add3A_167 : i32
    %dma_start3A_169 = arith.constant 1 : i32
    %dma_start3A_170 = arith.constant 0 : i32
    %dma_start3A_171 = arith.constant 0 : i32
    %dma_start3A_172 = tpu.memref_slice %arg10[%dma_start3A_169, %dma_start3A_170, %dma_start3A_171] : memref<7x128x128xf32, #tpu.memory_space<vmem>> -> memref<1x128x128xf32, #tpu.memory_space<vmem>>
    %dma_start3A_173 = tpu.memref_squeeze %dma_start3A_172 : memref<1x128x128xf32, #tpu.memory_space<vmem>> -> memref<128x128xf32, #tpu.memory_space<vmem>>
    %dma_start3A_174 = arith.constant 0 : i32
    %dma_start3A_175 = tpu.memref_slice %arg6[%add3A_168, %dma_start3A_174] : memref<65536x128xf32, #tpu.memory_space<hbm>> -> memref<128x128xf32, #tpu.memory_space<hbm>>
    %dma_start3A_176 = arith.constant 0 : i32
    %dma_start3A_177 = tpu.memref_slice %arg6[%add3A_168, %dma_start3A_176] : memref<65536x128xf32, #tpu.memory_space<hbm>> -> memref<128x128xf32, #tpu.memory_space<hbm>>
    %dma_start3A_178 = arith.constant 0 : i32
    %dma_start3A_179 = arith.constant 0 : i32
    %dma_start3A_180 = tpu.memref_slice %arg10[%dma_start3A_169, %dma_start3A_178, %dma_start3A_179] : memref<7x128x128xf32, #tpu.memory_space<vmem>> -> memref<1x128x128xf32, #tpu.memory_space<vmem>>
    %dma_start3A_181 = tpu.memref_squeeze %dma_start3A_180 : memref<1x128x128xf32, #tpu.memory_space<vmem>> -> memref<128x128xf32, #tpu.memory_space<vmem>>
    tpu.enqueue_dma source(%dma_start3A_181 : memref<128x128xf32, #tpu.memory_space<vmem>>) target(%dma_start3A_177 : memref<128x128xf32, #tpu.memory_space<hbm>>) target_semaphore(%arg14 : memref<!tpu.dma_semaphore, #tpu.memory_space<semaphore_mem>>)
    %dma_start3A_182 = arith.constant 4 : i32
    %dma_start3A_183 = arith.constant 4 : i32
    %dma_start3A_184 = arith.constant 0 : i32
    %dma_start3A_185 = arith.constant 0 : i32
    %dma_start3A_186 = tpu.memref_slice %arg10[%dma_start3A_183, %dma_start3A_184, %dma_start3A_185] : memref<7x128x128xf32, #tpu.memory_space<vmem>> -> memref<1x128x128xf32, #tpu.memory_space<vmem>>
    %dma_start3A_187 = tpu.memref_squeeze %dma_start3A_186 : memref<1x128x128xf32, #tpu.memory_space<vmem>> -> memref<128x128xf32, #tpu.memory_space<vmem>>
    %dma_start3A_188 = arith.constant 0 : i32
    %dma_start3A_189 = tpu.memref_slice %arg8[%dma_start3A_182, %dma_start3A_188] : memref<16x128xi32, #tpu.memory_space<vmem>> -> memref<1x128xi32, #tpu.memory_space<vmem>>
    %dma_start3A_190 = tpu.memref_squeeze %dma_start3A_189 : memref<1x128xi32, #tpu.memory_space<vmem>> -> memref<128xi32, #tpu.memory_space<vmem>>
    %dma_start3A_191 = arith.constant 0 : i32
    %dma_start3A_192 = arith.constant 0 : i32
    %dma_start3A_193 = tpu.memref_slice %arg2[%dma_start3A_191, %dma_start3A_192] : memref<32768x128xf32, #tpu.memory_space<hbm>> -> memref<32768x128xf32, #tpu.memory_space<hbm>>
    tpu.enqueue_indirect_dma source(%dma_start3A_193 : memref<32768x128xf32, #tpu.memory_space<hbm>>) target(%dma_start3A_187 : memref<128x128xf32, #tpu.memory_space<vmem>>) offsets(%dma_start3A_190 : memref<128xi32, #tpu.memory_space<vmem>>) semaphore(%arg13 : memref<!tpu.dma_semaphore, #tpu.memory_space<semaphore_mem>>)
    %dma_wait3A_194 = arith.constant 2 : i32
    %dma_wait3A_195 = arith.constant 2 : i32
    %dma_wait3A_196 = arith.constant 0 : i32
    %dma_wait3A_197 = arith.constant 0 : i32
    %dma_wait3A_198 = tpu.memref_slice %arg10[%dma_wait3A_195, %dma_wait3A_196, %dma_wait3A_197] : memref<7x128x128xf32, #tpu.memory_space<vmem>> -> memref<1x128x128xf32, #tpu.memory_space<vmem>>
    %dma_wait3A_199 = tpu.memref_squeeze %dma_wait3A_198 : memref<1x128x128xf32, #tpu.memory_space<vmem>> -> memref<128x128xf32, #tpu.memory_space<vmem>>
    %dma_wait3A_200 = arith.constant 0 : i32
    %dma_wait3A_201 = tpu.memref_slice %arg8[%dma_wait3A_194, %dma_wait3A_200] : memref<16x128xi32, #tpu.memory_space<vmem>> -> memref<1x128xi32, #tpu.memory_space<vmem>>
    %dma_wait3A_202 = tpu.memref_squeeze %dma_wait3A_201 : memref<1x128xi32, #tpu.memory_space<vmem>> -> memref<128xi32, #tpu.memory_space<vmem>>
    %dma_wait3A_203 = arith.constant 0 : i32
    %dma_wait3A_204 = arith.constant 0 : i32
    %dma_wait3A_205 = tpu.memref_slice %arg2[%dma_wait3A_203, %dma_wait3A_204] : memref<32768x128xf32, #tpu.memory_space<hbm>> -> memref<32768x128xf32, #tpu.memory_space<hbm>>
    tpu.wait_indirect_dma semaphore(%arg13 : memref<!tpu.dma_semaphore, #tpu.memory_space<semaphore_mem>>) src(%dma_wait3A_205 : memref<32768x128xf32, #tpu.memory_space<hbm>>) dst(%dma_wait3A_199 : memref<128x128xf32, #tpu.memory_space<vmem>>)
    %mul3A_206 = arith.constant 128 : i32
    %mul3A_207 = arith.muli %mul3A_2, %mul3A_206 : i32
    %add3A_208 = arith.constant 256 : i32
    %add3A_209 = arith.addi %mul3A_207, %add3A_208 : i32
    %dma_start3A_210 = arith.constant 2 : i32
    %dma_start3A_211 = arith.constant 0 : i32
    %dma_start3A_212 = arith.constant 0 : i32
    %dma_start3A_213 = tpu.memref_slice %arg10[%dma_start3A_210, %dma_start3A_211, %dma_start3A_212] : memref<7x128x128xf32, #tpu.memory_space<vmem>> -> memref<1x128x128xf32, #tpu.memory_space<vmem>>
    %dma_start3A_214 = tpu.memref_squeeze %dma_start3A_213 : memref<1x128x128xf32, #tpu.memory_space<vmem>> -> memref<128x128xf32, #tpu.memory_space<vmem>>
    %dma_start3A_215 = arith.constant 0 : i32
    %dma_start3A_216 = tpu.memref_slice %arg6[%add3A_209, %dma_start3A_215] : memref<65536x128xf32, #tpu.memory_space<hbm>> -> memref<128x128xf32, #tpu.memory_space<hbm>>
    %dma_start3A_217 = arith.constant 0 : i32
    %dma_start3A_218 = tpu.memref_slice %arg6[%add3A_209, %dma_start3A_217] : memref<65536x128xf32, #tpu.memory_space<hbm>> -> memref<128x128xf32, #tpu.memory_space<hbm>>
    %dma_start3A_219 = arith.constant 0 : i32
    %dma_start3A_220 = arith.constant 0 : i32
    %dma_start3A_221 = tpu.memref_slice %arg10[%dma_start3A_210, %dma_start3A_219, %dma_start3A_220] : memref<7x128x128xf32, #tpu.memory_space<vmem>> -> memref<1x128x128xf32, #tpu.memory_space<vmem>>
    %dma_start3A_222 = tpu.memref_squeeze %dma_start3A_221 : memref<1x128x128xf32, #tpu.memory_space<vmem>> -> memref<128x128xf32, #tpu.memory_space<vmem>>
    tpu.enqueue_dma source(%dma_start3A_222 : memref<128x128xf32, #tpu.memory_space<vmem>>) target(%dma_start3A_218 : memref<128x128xf32, #tpu.memory_space<hbm>>) target_semaphore(%arg14 : memref<!tpu.dma_semaphore, #tpu.memory_space<semaphore_mem>>)
    %dma_start3A_223 = arith.constant 5 : i32
    %dma_start3A_224 = arith.constant 5 : i32
    %dma_start3A_225 = arith.constant 0 : i32
    %dma_start3A_226 = arith.constant 0 : i32
    %dma_start3A_227 = tpu.memref_slice %arg10[%dma_start3A_224, %dma_start3A_225, %dma_start3A_226] : memref<7x128x128xf32, #tpu.memory_space<vmem>> -> memref<1x128x128xf32, #tpu.memory_space<vmem>>
    %dma_start3A_228 = tpu.memref_squeeze %dma_start3A_227 : memref<1x128x128xf32, #tpu.memory_space<vmem>> -> memref<128x128xf32, #tpu.memory_space<vmem>>
    %dma_start3A_229 = arith.constant 0 : i32
    %dma_start3A_230 = tpu.memref_slice %arg8[%dma_start3A_223, %dma_start3A_229] : memref<16x128xi32, #tpu.memory_space<vmem>> -> memref<1x128xi32, #tpu.memory_space<vmem>>
    %dma_start3A_231 = tpu.memref_squeeze %dma_start3A_230 : memref<1x128xi32, #tpu.memory_space<vmem>> -> memref<128xi32, #tpu.memory_space<vmem>>
    %dma_start3A_232 = arith.constant 0 : i32
    %dma_start3A_233 = arith.constant 0 : i32
    %dma_start3A_234 = tpu.memref_slice %arg2[%dma_start3A_232, %dma_start3A_233] : memref<32768x128xf32, #tpu.memory_space<hbm>> -> memref<32768x128xf32, #tpu.memory_space<hbm>>
    tpu.enqueue_indirect_dma source(%dma_start3A_234 : memref<32768x128xf32, #tpu.memory_space<hbm>>) target(%dma_start3A_228 : memref<128x128xf32, #tpu.memory_space<vmem>>) offsets(%dma_start3A_231 : memref<128xi32, #tpu.memory_space<vmem>>) semaphore(%arg13 : memref<!tpu.dma_semaphore, #tpu.memory_space<semaphore_mem>>)
    %dma_wait3A_235 = arith.constant 3 : i32
    %dma_wait3A_236 = arith.constant 3 : i32
    %dma_wait3A_237 = arith.constant 0 : i32
    %dma_wait3A_238 = arith.constant 0 : i32
    %dma_wait3A_239 = tpu.memref_slice %arg10[%dma_wait3A_236, %dma_wait3A_237, %dma_wait3A_238] : memref<7x128x128xf32, #tpu.memory_space<vmem>> -> memref<1x128x128xf32, #tpu.memory_space<vmem>>
    %dma_wait3A_240 = tpu.memref_squeeze %dma_wait3A_239 : memref<1x128x128xf32, #tpu.memory_space<vmem>> -> memref<128x128xf32, #tpu.memory_space<vmem>>
    %dma_wait3A_241 = arith.constant 0 : i32
    %dma_wait3A_242 = tpu.memref_slice %arg8[%dma_wait3A_235, %dma_wait3A_241] : memref<16x128xi32, #tpu.memory_space<vmem>> -> memref<1x128xi32, #tpu.memory_space<vmem>>
    %dma_wait3A_243 = tpu.memref_squeeze %dma_wait3A_242 : memref<1x128xi32, #tpu.memory_space<vmem>> -> memref<128xi32, #tpu.memory_space<vmem>>
    %dma_wait3A_244 = arith.constant 0 : i32
    %dma_wait3A_245 = arith.constant 0 : i32
    %dma_wait3A_246 = tpu.memref_slice %arg2[%dma_wait3A_244, %dma_wait3A_245] : memref<32768x128xf32, #tpu.memory_space<hbm>> -> memref<32768x128xf32, #tpu.memory_space<hbm>>
    tpu.wait_indirect_dma semaphore(%arg13 : memref<!tpu.dma_semaphore, #tpu.memory_space<semaphore_mem>>) src(%dma_wait3A_246 : memref<32768x128xf32, #tpu.memory_space<hbm>>) dst(%dma_wait3A_240 : memref<128x128xf32, #tpu.memory_space<vmem>>)
    %mul3A_247 = arith.constant 128 : i32
    %mul3A_248 = arith.muli %mul3A_2, %mul3A_247 : i32
    %add3A_249 = arith.constant 384 : i32
    %add3A_250 = arith.addi %mul3A_248, %add3A_249 : i32
    %dma_start3A_251 = arith.constant 3 : i32
    %dma_start3A_252 = arith.constant 0 : i32
    %dma_start3A_253 = arith.constant 0 : i32
    %dma_start3A_254 = tpu.memref_slice %arg10[%dma_start3A_251, %dma_start3A_252, %dma_start3A_253] : memref<7x128x128xf32, #tpu.memory_space<vmem>> -> memref<1x128x128xf32, #tpu.memory_space<vmem>>
    %dma_start3A_255 = tpu.memref_squeeze %dma_start3A_254 : memref<1x128x128xf32, #tpu.memory_space<vmem>> -> memref<128x128xf32, #tpu.memory_space<vmem>>
    %dma_start3A_256 = arith.constant 0 : i32
    %dma_start3A_257 = tpu.memref_slice %arg6[%add3A_250, %dma_start3A_256] : memref<65536x128xf32, #tpu.memory_space<hbm>> -> memref<128x128xf32, #tpu.memory_space<hbm>>
    %dma_start3A_258 = arith.constant 0 : i32
    %dma_start3A_259 = tpu.memref_slice %arg6[%add3A_250, %dma_start3A_258] : memref<65536x128xf32, #tpu.memory_space<hbm>> -> memref<128x128xf32, #tpu.memory_space<hbm>>
    %dma_start3A_260 = arith.constant 0 : i32
    %dma_start3A_261 = arith.constant 0 : i32
    %dma_start3A_262 = tpu.memref_slice %arg10[%dma_start3A_251, %dma_start3A_260, %dma_start3A_261] : memref<7x128x128xf32, #tpu.memory_space<vmem>> -> memref<1x128x128xf32, #tpu.memory_space<vmem>>
    %dma_start3A_263 = tpu.memref_squeeze %dma_start3A_262 : memref<1x128x128xf32, #tpu.memory_space<vmem>> -> memref<128x128xf32, #tpu.memory_space<vmem>>
    tpu.enqueue_dma source(%dma_start3A_263 : memref<128x128xf32, #tpu.memory_space<vmem>>) target(%dma_start3A_259 : memref<128x128xf32, #tpu.memory_space<hbm>>) target_semaphore(%arg14 : memref<!tpu.dma_semaphore, #tpu.memory_space<semaphore_mem>>)
    %dma_start3A_264 = arith.constant 6 : i32
    %dma_start3A_265 = arith.constant 6 : i32
    %dma_start3A_266 = arith.constant 0 : i32
    %dma_start3A_267 = arith.constant 0 : i32
    %dma_start3A_268 = tpu.memref_slice %arg10[%dma_start3A_265, %dma_start3A_266, %dma_start3A_267] : memref<7x128x128xf32, #tpu.memory_space<vmem>> -> memref<1x128x128xf32, #tpu.memory_space<vmem>>
    %dma_start3A_269 = tpu.memref_squeeze %dma_start3A_268 : memref<1x128x128xf32, #tpu.memory_space<vmem>> -> memref<128x128xf32, #tpu.memory_space<vmem>>
    %dma_start3A_270 = arith.constant 0 : i32
    %dma_start3A_271 = tpu.memref_slice %arg8[%dma_start3A_264, %dma_start3A_270] : memref<16x128xi32, #tpu.memory_space<vmem>> -> memref<1x128xi32, #tpu.memory_space<vmem>>
    %dma_start3A_272 = tpu.memref_squeeze %dma_start3A_271 : memref<1x128xi32, #tpu.memory_space<vmem>> -> memref<128xi32, #tpu.memory_space<vmem>>
    %dma_start3A_273 = arith.constant 0 : i32
    %dma_start3A_274 = arith.constant 0 : i32
    %dma_start3A_275 = tpu.memref_slice %arg2[%dma_start3A_273, %dma_start3A_274] : memref<32768x128xf32, #tpu.memory_space<hbm>> -> memref<32768x128xf32, #tpu.memory_space<hbm>>
    tpu.enqueue_indirect_dma source(%dma_start3A_275 : memref<32768x128xf32, #tpu.memory_space<hbm>>) target(%dma_start3A_269 : memref<128x128xf32, #tpu.memory_space<vmem>>) offsets(%dma_start3A_272 : memref<128xi32, #tpu.memory_space<vmem>>) semaphore(%arg13 : memref<!tpu.dma_semaphore, #tpu.memory_space<semaphore_mem>>)
    %dma_wait3A_276 = arith.constant 4 : i32
    %dma_wait3A_277 = arith.constant 4 : i32
    %dma_wait3A_278 = arith.constant 0 : i32
    %dma_wait3A_279 = arith.constant 0 : i32
    %dma_wait3A_280 = tpu.memref_slice %arg10[%dma_wait3A_277, %dma_wait3A_278, %dma_wait3A_279] : memref<7x128x128xf32, #tpu.memory_space<vmem>> -> memref<1x128x128xf32, #tpu.memory_space<vmem>>
    %dma_wait3A_281 = tpu.memref_squeeze %dma_wait3A_280 : memref<1x128x128xf32, #tpu.memory_space<vmem>> -> memref<128x128xf32, #tpu.memory_space<vmem>>
    %dma_wait3A_282 = arith.constant 0 : i32
    %dma_wait3A_283 = tpu.memref_slice %arg8[%dma_wait3A_276, %dma_wait3A_282] : memref<16x128xi32, #tpu.memory_space<vmem>> -> memref<1x128xi32, #tpu.memory_space<vmem>>
    %dma_wait3A_284 = tpu.memref_squeeze %dma_wait3A_283 : memref<1x128xi32, #tpu.memory_space<vmem>> -> memref<128xi32, #tpu.memory_space<vmem>>
    %dma_wait3A_285 = arith.constant 0 : i32
    %dma_wait3A_286 = arith.constant 0 : i32
    %dma_wait3A_287 = tpu.memref_slice %arg2[%dma_wait3A_285, %dma_wait3A_286] : memref<32768x128xf32, #tpu.memory_space<hbm>> -> memref<32768x128xf32, #tpu.memory_space<hbm>>
    tpu.wait_indirect_dma semaphore(%arg13 : memref<!tpu.dma_semaphore, #tpu.memory_space<semaphore_mem>>) src(%dma_wait3A_287 : memref<32768x128xf32, #tpu.memory_space<hbm>>) dst(%dma_wait3A_281 : memref<128x128xf32, #tpu.memory_space<vmem>>)
    %mul3A_288 = arith.constant 128 : i32
    %mul3A_289 = arith.muli %mul3A_2, %mul3A_288 : i32
    %add3A_290 = arith.constant 512 : i32
    %add3A_291 = arith.addi %mul3A_289, %add3A_290 : i32
    %dma_start3A_292 = arith.constant 4 : i32
    %dma_start3A_293 = arith.constant 0 : i32
    %dma_start3A_294 = arith.constant 0 : i32
    %dma_start3A_295 = tpu.memref_slice %arg10[%dma_start3A_292, %dma_start3A_293, %dma_start3A_294] : memref<7x128x128xf32, #tpu.memory_space<vmem>> -> memref<1x128x128xf32, #tpu.memory_space<vmem>>
    %dma_start3A_296 = tpu.memref_squeeze %dma_start3A_295 : memref<1x128x128xf32, #tpu.memory_space<vmem>> -> memref<128x128xf32, #tpu.memory_space<vmem>>
    %dma_start3A_297 = arith.constant 0 : i32
    %dma_start3A_298 = tpu.memref_slice %arg6[%add3A_291, %dma_start3A_297] : memref<65536x128xf32, #tpu.memory_space<hbm>> -> memref<128x128xf32, #tpu.memory_space<hbm>>
    %dma_start3A_299 = arith.constant 0 : i32
    %dma_start3A_300 = tpu.memref_slice %arg6[%add3A_291, %dma_start3A_299] : memref<65536x128xf32, #tpu.memory_space<hbm>> -> memref<128x128xf32, #tpu.memory_space<hbm>>
    %dma_start3A_301 = arith.constant 0 : i32
    %dma_start3A_302 = arith.constant 0 : i32
    %dma_start3A_303 = tpu.memref_slice %arg10[%dma_start3A_292, %dma_start3A_301, %dma_start3A_302] : memref<7x128x128xf32, #tpu.memory_space<vmem>> -> memref<1x128x128xf32, #tpu.memory_space<vmem>>
    %dma_start3A_304 = tpu.memref_squeeze %dma_start3A_303 : memref<1x128x128xf32, #tpu.memory_space<vmem>> -> memref<128x128xf32, #tpu.memory_space<vmem>>
    tpu.enqueue_dma source(%dma_start3A_304 : memref<128x128xf32, #tpu.memory_space<vmem>>) target(%dma_start3A_300 : memref<128x128xf32, #tpu.memory_space<hbm>>) target_semaphore(%arg14 : memref<!tpu.dma_semaphore, #tpu.memory_space<semaphore_mem>>)
    %mul3A_305 = arith.constant 128 : i32
    %mul3A_306 = arith.muli %mul3A_2, %mul3A_305 : i32
    %add3A_307 = arith.constant 0 : i32
    %add3A_308 = arith.addi %mul3A_306, %add3A_307 : i32
    %dma_wait3A_309 = arith.constant 0 : i32
    %dma_wait3A_310 = arith.constant 0 : i32
    %dma_wait3A_311 = arith.constant 0 : i32
    %dma_wait3A_312 = tpu.memref_slice %arg10[%dma_wait3A_309, %dma_wait3A_310, %dma_wait3A_311] : memref<7x128x128xf32, #tpu.memory_space<vmem>> -> memref<1x128x128xf32, #tpu.memory_space<vmem>>
    %dma_wait3A_313 = tpu.memref_squeeze %dma_wait3A_312 : memref<1x128x128xf32, #tpu.memory_space<vmem>> -> memref<128x128xf32, #tpu.memory_space<vmem>>
    %dma_wait3A_314 = arith.constant 0 : i32
    %dma_wait3A_315 = tpu.memref_slice %arg6[%add3A_308, %dma_wait3A_314] : memref<65536x128xf32, #tpu.memory_space<hbm>> -> memref<128x128xf32, #tpu.memory_space<hbm>>
    %dma_wait3A_316 = arith.constant 0 : i32
    %dma_wait3A_317 = tpu.memref_slice %arg6[%add3A_308, %dma_wait3A_316] : memref<65536x128xf32, #tpu.memory_space<hbm>> -> memref<128x128xf32, #tpu.memory_space<hbm>>
    %dma_wait3A_318 = arith.constant 0 : i32
    %dma_wait3A_319 = arith.constant 0 : i32
    %dma_wait3A_320 = tpu.memref_slice %arg10[%dma_wait3A_309, %dma_wait3A_318, %dma_wait3A_319] : memref<7x128x128xf32, #tpu.memory_space<vmem>> -> memref<1x128x128xf32, #tpu.memory_space<vmem>>
    %dma_wait3A_321 = tpu.memref_squeeze %dma_wait3A_320 : memref<1x128x128xf32, #tpu.memory_space<vmem>> -> memref<128x128xf32, #tpu.memory_space<vmem>>
    tpu.wait_dma2 semaphore(%arg14 : memref<!tpu.dma_semaphore, #tpu.memory_space<semaphore_mem>>) src(%dma_wait3A_321 : memref<128x128xf32, #tpu.memory_space<vmem>>) dst(%dma_wait3A_317 : memref<128x128xf32, #tpu.memory_space<hbm>>)
    %dma_start3A_322 = arith.constant 7 : i32
    %dma_start3A_323 = arith.constant 0 : i32
    %dma_start3A_324 = arith.constant 0 : i32
    %dma_start3A_325 = arith.constant 0 : i32
    %dma_start3A_326 = tpu.memref_slice %arg10[%dma_start3A_323, %dma_start3A_324, %dma_start3A_325] : memref<7x128x128xf32, #tpu.memory_space<vmem>> -> memref<1x128x128xf32, #tpu.memory_space<vmem>>
    %dma_start3A_327 = tpu.memref_squeeze %dma_start3A_326 : memref<1x128x128xf32, #tpu.memory_space<vmem>> -> memref<128x128xf32, #tpu.memory_space<vmem>>
    %dma_start3A_328 = arith.constant 0 : i32
    %dma_start3A_329 = tpu.memref_slice %arg8[%dma_start3A_322, %dma_start3A_328] : memref<16x128xi32, #tpu.memory_space<vmem>> -> memref<1x128xi32, #tpu.memory_space<vmem>>
    %dma_start3A_330 = tpu.memref_squeeze %dma_start3A_329 : memref<1x128xi32, #tpu.memory_space<vmem>> -> memref<128xi32, #tpu.memory_space<vmem>>
    %dma_start3A_331 = arith.constant 0 : i32
    %dma_start3A_332 = arith.constant 0 : i32
    %dma_start3A_333 = tpu.memref_slice %arg2[%dma_start3A_331, %dma_start3A_332] : memref<32768x128xf32, #tpu.memory_space<hbm>> -> memref<32768x128xf32, #tpu.memory_space<hbm>>
    tpu.enqueue_indirect_dma source(%dma_start3A_333 : memref<32768x128xf32, #tpu.memory_space<hbm>>) target(%dma_start3A_327 : memref<128x128xf32, #tpu.memory_space<vmem>>) offsets(%dma_start3A_330 : memref<128xi32, #tpu.memory_space<vmem>>) semaphore(%arg13 : memref<!tpu.dma_semaphore, #tpu.memory_space<semaphore_mem>>)
    %dma_wait3A_334 = arith.constant 5 : i32
    %dma_wait3A_335 = arith.constant 5 : i32
    %dma_wait3A_336 = arith.constant 0 : i32
    %dma_wait3A_337 = arith.constant 0 : i32
    %dma_wait3A_338 = tpu.memref_slice %arg10[%dma_wait3A_335, %dma_wait3A_336, %dma_wait3A_337] : memref<7x128x128xf32, #tpu.memory_space<vmem>> -> memref<1x128x128xf32, #tpu.memory_space<vmem>>
    %dma_wait3A_339 = tpu.memref_squeeze %dma_wait3A_338 : memref<1x128x128xf32, #tpu.memory_space<vmem>> -> memref<128x128xf32, #tpu.memory_space<vmem>>
    %dma_wait3A_340 = arith.constant 0 : i32
    %dma_wait3A_341 = tpu.memref_slice %arg8[%dma_wait3A_334, %dma_wait3A_340] : memref<16x128xi32, #tpu.memory_space<vmem>> -> memref<1x128xi32, #tpu.memory_space<vmem>>
    %dma_wait3A_342 = tpu.memref_squeeze %dma_wait3A_341 : memref<1x128xi32, #tpu.memory_space<vmem>> -> memref<128xi32, #tpu.memory_space<vmem>>
    %dma_wait3A_343 = arith.constant 0 : i32
    %dma_wait3A_344 = arith.constant 0 : i32
    %dma_wait3A_345 = tpu.memref_slice %arg2[%dma_wait3A_343, %dma_wait3A_344] : memref<32768x128xf32, #tpu.memory_space<hbm>> -> memref<32768x128xf32, #tpu.memory_space<hbm>>
    tpu.wait_indirect_dma semaphore(%arg13 : memref<!tpu.dma_semaphore, #tpu.memory_space<semaphore_mem>>) src(%dma_wait3A_345 : memref<32768x128xf32, #tpu.memory_space<hbm>>) dst(%dma_wait3A_339 : memref<128x128xf32, #tpu.memory_space<vmem>>)
    %mul3A_346 = arith.constant 128 : i32
    %mul3A_347 = arith.muli %mul3A_2, %mul3A_346 : i32
    %add3A_348 = arith.constant 640 : i32
    %add3A_349 = arith.addi %mul3A_347, %add3A_348 : i32
    %dma_start3A_350 = arith.constant 5 : i32
    %dma_start3A_351 = arith.constant 0 : i32
    %dma_start3A_352 = arith.constant 0 : i32
    %dma_start3A_353 = tpu.memref_slice %arg10[%dma_start3A_350, %dma_start3A_351, %dma_start3A_352] : memref<7x128x128xf32, #tpu.memory_space<vmem>> -> memref<1x128x128xf32, #tpu.memory_space<vmem>>
    %dma_start3A_354 = tpu.memref_squeeze %dma_start3A_353 : memref<1x128x128xf32, #tpu.memory_space<vmem>> -> memref<128x128xf32, #tpu.memory_space<vmem>>
    %dma_start3A_355 = arith.constant 0 : i32
    %dma_start3A_356 = tpu.memref_slice %arg6[%add3A_349, %dma_start3A_355] : memref<65536x128xf32, #tpu.memory_space<hbm>> -> memref<128x128xf32, #tpu.memory_space<hbm>>
    %dma_start3A_357 = arith.constant 0 : i32
    %dma_start3A_358 = tpu.memref_slice %arg6[%add3A_349, %dma_start3A_357] : memref<65536x128xf32, #tpu.memory_space<hbm>> -> memref<128x128xf32, #tpu.memory_space<hbm>>
    %dma_start3A_359 = arith.constant 0 : i32
    %dma_start3A_360 = arith.constant 0 : i32
    %dma_start3A_361 = tpu.memref_slice %arg10[%dma_start3A_350, %dma_start3A_359, %dma_start3A_360] : memref<7x128x128xf32, #tpu.memory_space<vmem>> -> memref<1x128x128xf32, #tpu.memory_space<vmem>>
    %dma_start3A_362 = tpu.memref_squeeze %dma_start3A_361 : memref<1x128x128xf32, #tpu.memory_space<vmem>> -> memref<128x128xf32, #tpu.memory_space<vmem>>
    tpu.enqueue_dma source(%dma_start3A_362 : memref<128x128xf32, #tpu.memory_space<vmem>>) target(%dma_start3A_358 : memref<128x128xf32, #tpu.memory_space<hbm>>) target_semaphore(%arg14 : memref<!tpu.dma_semaphore, #tpu.memory_space<semaphore_mem>>)
    %mul3A_363 = arith.constant 128 : i32
    %mul3A_364 = arith.muli %mul3A_2, %mul3A_363 : i32
    %add3A_365 = arith.constant 128 : i32
    %add3A_366 = arith.addi %mul3A_364, %add3A_365 : i32
    %dma_wait3A_367 = arith.constant 1 : i32
    %dma_wait3A_368 = arith.constant 0 : i32
    %dma_wait3A_369 = arith.constant 0 : i32
    %dma_wait3A_370 = tpu.memref_slice %arg10[%dma_wait3A_367, %dma_wait3A_368, %dma_wait3A_369] : memref<7x128x128xf32, #tpu.memory_space<vmem>> -> memref<1x128x128xf32, #tpu.memory_space<vmem>>
    %dma_wait3A_371 = tpu.memref_squeeze %dma_wait3A_370 : memref<1x128x128xf32, #tpu.memory_space<vmem>> -> memref<128x128xf32, #tpu.memory_space<vmem>>
    %dma_wait3A_372 = arith.constant 0 : i32
    %dma_wait3A_373 = tpu.memref_slice %arg6[%add3A_366, %dma_wait3A_372] : memref<65536x128xf32, #tpu.memory_space<hbm>> -> memref<128x128xf32, #tpu.memory_space<hbm>>
    %dma_wait3A_374 = arith.constant 0 : i32
    %dma_wait3A_375 = tpu.memref_slice %arg6[%add3A_366, %dma_wait3A_374] : memref<65536x128xf32, #tpu.memory_space<hbm>> -> memref<128x128xf32, #tpu.memory_space<hbm>>
    %dma_wait3A_376 = arith.constant 0 : i32
    %dma_wait3A_377 = arith.constant 0 : i32
    %dma_wait3A_378 = tpu.memref_slice %arg10[%dma_wait3A_367, %dma_wait3A_376, %dma_wait3A_377] : memref<7x128x128xf32, #tpu.memory_space<vmem>> -> memref<1x128x128xf32, #tpu.memory_space<vmem>>
    %dma_wait3A_379 = tpu.memref_squeeze %dma_wait3A_378 : memref<1x128x128xf32, #tpu.memory_space<vmem>> -> memref<128x128xf32, #tpu.memory_space<vmem>>
    tpu.wait_dma2 semaphore(%arg14 : memref<!tpu.dma_semaphore, #tpu.memory_space<semaphore_mem>>) src(%dma_wait3A_379 : memref<128x128xf32, #tpu.memory_space<vmem>>) dst(%dma_wait3A_375 : memref<128x128xf32, #tpu.memory_space<hbm>>)
    %dma_start3A_380 = arith.constant 8 : i32
    %dma_start3A_381 = arith.constant 1 : i32
    %dma_start3A_382 = arith.constant 0 : i32
    %dma_start3A_383 = arith.constant 0 : i32
    %dma_start3A_384 = tpu.memref_slice %arg10[%dma_start3A_381, %dma_start3A_382, %dma_start3A_383] : memref<7x128x128xf32, #tpu.memory_space<vmem>> -> memref<1x128x128xf32, #tpu.memory_space<vmem>>
    %dma_start3A_385 = tpu.memref_squeeze %dma_start3A_384 : memref<1x128x128xf32, #tpu.memory_space<vmem>> -> memref<128x128xf32, #tpu.memory_space<vmem>>
    %dma_start3A_386 = arith.constant 0 : i32
    %dma_start3A_387 = tpu.memref_slice %arg8[%dma_start3A_380, %dma_start3A_386] : memref<16x128xi32, #tpu.memory_space<vmem>> -> memref<1x128xi32, #tpu.memory_space<vmem>>
    %dma_start3A_388 = tpu.memref_squeeze %dma_start3A_387 : memref<1x128xi32, #tpu.memory_space<vmem>> -> memref<128xi32, #tpu.memory_space<vmem>>
    %dma_start3A_389 = arith.constant 0 : i32
    %dma_start3A_390 = arith.constant 0 : i32
    %dma_start3A_391 = tpu.memref_slice %arg2[%dma_start3A_389, %dma_start3A_390] : memref<32768x128xf32, #tpu.memory_space<hbm>> -> memref<32768x128xf32, #tpu.memory_space<hbm>>
    tpu.enqueue_indirect_dma source(%dma_start3A_391 : memref<32768x128xf32, #tpu.memory_space<hbm>>) target(%dma_start3A_385 : memref<128x128xf32, #tpu.memory_space<vmem>>) offsets(%dma_start3A_388 : memref<128xi32, #tpu.memory_space<vmem>>) semaphore(%arg13 : memref<!tpu.dma_semaphore, #tpu.memory_space<semaphore_mem>>)
    %dma_wait3A_392 = arith.constant 6 : i32
    %dma_wait3A_393 = arith.constant 6 : i32
    %dma_wait3A_394 = arith.constant 0 : i32
    %dma_wait3A_395 = arith.constant 0 : i32
    %dma_wait3A_396 = tpu.memref_slice %arg10[%dma_wait3A_393, %dma_wait3A_394, %dma_wait3A_395] : memref<7x128x128xf32, #tpu.memory_space<vmem>> -> memref<1x128x128xf32, #tpu.memory_space<vmem>>
    %dma_wait3A_397 = tpu.memref_squeeze %dma_wait3A_396 : memref<1x128x128xf32, #tpu.memory_space<vmem>> -> memref<128x128xf32, #tpu.memory_space<vmem>>
    %dma_wait3A_398 = arith.constant 0 : i32
    %dma_wait3A_399 = tpu.memref_slice %arg8[%dma_wait3A_392, %dma_wait3A_398] : memref<16x128xi32, #tpu.memory_space<vmem>> -> memref<1x128xi32, #tpu.memory_space<vmem>>
    %dma_wait3A_400 = tpu.memref_squeeze %dma_wait3A_399 : memref<1x128xi32, #tpu.memory_space<vmem>> -> memref<128xi32, #tpu.memory_space<vmem>>
    %dma_wait3A_401 = arith.constant 0 : i32
    %dma_wait3A_402 = arith.constant 0 : i32
    %dma_wait3A_403 = tpu.memref_slice %arg2[%dma_wait3A_401, %dma_wait3A_402] : memref<32768x128xf32, #tpu.memory_space<hbm>> -> memref<32768x128xf32, #tpu.memory_space<hbm>>
    tpu.wait_indirect_dma semaphore(%arg13 : memref<!tpu.dma_semaphore, #tpu.memory_space<semaphore_mem>>) src(%dma_wait3A_403 : memref<32768x128xf32, #tpu.memory_space<hbm>>) dst(%dma_wait3A_397 : memref<128x128xf32, #tpu.memory_space<vmem>>)
    %mul3A_404 = arith.constant 128 : i32
    %mul3A_405 = arith.muli %mul3A_2, %mul3A_404 : i32
    %add3A_406 = arith.constant 768 : i32
    %add3A_407 = arith.addi %mul3A_405, %add3A_406 : i32
    %dma_start3A_408 = arith.constant 6 : i32
    %dma_start3A_409 = arith.constant 0 : i32
    %dma_start3A_410 = arith.constant 0 : i32
    %dma_start3A_411 = tpu.memref_slice %arg10[%dma_start3A_408, %dma_start3A_409, %dma_start3A_410] : memref<7x128x128xf32, #tpu.memory_space<vmem>> -> memref<1x128x128xf32, #tpu.memory_space<vmem>>
    %dma_start3A_412 = tpu.memref_squeeze %dma_start3A_411 : memref<1x128x128xf32, #tpu.memory_space<vmem>> -> memref<128x128xf32, #tpu.memory_space<vmem>>
    %dma_start3A_413 = arith.constant 0 : i32
    %dma_start3A_414 = tpu.memref_slice %arg6[%add3A_407, %dma_start3A_413] : memref<65536x128xf32, #tpu.memory_space<hbm>> -> memref<128x128xf32, #tpu.memory_space<hbm>>
    %dma_start3A_415 = arith.constant 0 : i32
    %dma_start3A_416 = tpu.memref_slice %arg6[%add3A_407, %dma_start3A_415] : memref<65536x128xf32, #tpu.memory_space<hbm>> -> memref<128x128xf32, #tpu.memory_space<hbm>>
    %dma_start3A_417 = arith.constant 0 : i32
    %dma_start3A_418 = arith.constant 0 : i32
    %dma_start3A_419 = tpu.memref_slice %arg10[%dma_start3A_408, %dma_start3A_417, %dma_start3A_418] : memref<7x128x128xf32, #tpu.memory_space<vmem>> -> memref<1x128x128xf32, #tpu.memory_space<vmem>>
    %dma_start3A_420 = tpu.memref_squeeze %dma_start3A_419 : memref<1x128x128xf32, #tpu.memory_space<vmem>> -> memref<128x128xf32, #tpu.memory_space<vmem>>
    tpu.enqueue_dma source(%dma_start3A_420 : memref<128x128xf32, #tpu.memory_space<vmem>>) target(%dma_start3A_416 : memref<128x128xf32, #tpu.memory_space<hbm>>) target_semaphore(%arg14 : memref<!tpu.dma_semaphore, #tpu.memory_space<semaphore_mem>>)
    %mul3A_421 = arith.constant 128 : i32
    %mul3A_422 = arith.muli %mul3A_2, %mul3A_421 : i32
    %add3A_423 = arith.constant 256 : i32
    %add3A_424 = arith.addi %mul3A_422, %add3A_423 : i32
    %dma_wait3A_425 = arith.constant 2 : i32
    %dma_wait3A_426 = arith.constant 0 : i32
    %dma_wait3A_427 = arith.constant 0 : i32
    %dma_wait3A_428 = tpu.memref_slice %arg10[%dma_wait3A_425, %dma_wait3A_426, %dma_wait3A_427] : memref<7x128x128xf32, #tpu.memory_space<vmem>> -> memref<1x128x128xf32, #tpu.memory_space<vmem>>
    %dma_wait3A_429 = tpu.memref_squeeze %dma_wait3A_428 : memref<1x128x128xf32, #tpu.memory_space<vmem>> -> memref<128x128xf32, #tpu.memory_space<vmem>>
    %dma_wait3A_430 = arith.constant 0 : i32
    %dma_wait3A_431 = tpu.memref_slice %arg6[%add3A_424, %dma_wait3A_430] : memref<65536x128xf32, #tpu.memory_space<hbm>> -> memref<128x128xf32, #tpu.memory_space<hbm>>
    %dma_wait3A_432 = arith.constant 0 : i32
    %dma_wait3A_433 = tpu.memref_slice %arg6[%add3A_424, %dma_wait3A_432] : memref<65536x128xf32, #tpu.memory_space<hbm>> -> memref<128x128xf32, #tpu.memory_space<hbm>>
    %dma_wait3A_434 = arith.constant 0 : i32
    %dma_wait3A_435 = arith.constant 0 : i32
    %dma_wait3A_436 = tpu.memref_slice %arg10[%dma_wait3A_425, %dma_wait3A_434, %dma_wait3A_435] : memref<7x128x128xf32, #tpu.memory_space<vmem>> -> memref<1x128x128xf32, #tpu.memory_space<vmem>>
    %dma_wait3A_437 = tpu.memref_squeeze %dma_wait3A_436 : memref<1x128x128xf32, #tpu.memory_space<vmem>> -> memref<128x128xf32, #tpu.memory_space<vmem>>
    tpu.wait_dma2 semaphore(%arg14 : memref<!tpu.dma_semaphore, #tpu.memory_space<semaphore_mem>>) src(%dma_wait3A_437 : memref<128x128xf32, #tpu.memory_space<vmem>>) dst(%dma_wait3A_433 : memref<128x128xf32, #tpu.memory_space<hbm>>)
    %dma_start3A_438 = arith.constant 9 : i32
    %dma_start3A_439 = arith.constant 2 : i32
    %dma_start3A_440 = arith.constant 0 : i32
    %dma_start3A_441 = arith.constant 0 : i32
    %dma_start3A_442 = tpu.memref_slice %arg10[%dma_start3A_439, %dma_start3A_440, %dma_start3A_441] : memref<7x128x128xf32, #tpu.memory_space<vmem>> -> memref<1x128x128xf32, #tpu.memory_space<vmem>>
    %dma_start3A_443 = tpu.memref_squeeze %dma_start3A_442 : memref<1x128x128xf32, #tpu.memory_space<vmem>> -> memref<128x128xf32, #tpu.memory_space<vmem>>
    %dma_start3A_444 = arith.constant 0 : i32
    %dma_start3A_445 = tpu.memref_slice %arg8[%dma_start3A_438, %dma_start3A_444] : memref<16x128xi32, #tpu.memory_space<vmem>> -> memref<1x128xi32, #tpu.memory_space<vmem>>
    %dma_start3A_446 = tpu.memref_squeeze %dma_start3A_445 : memref<1x128xi32, #tpu.memory_space<vmem>> -> memref<128xi32, #tpu.memory_space<vmem>>
    %dma_start3A_447 = arith.constant 0 : i32
    %dma_start3A_448 = arith.constant 0 : i32
    %dma_start3A_449 = tpu.memref_slice %arg2[%dma_start3A_447, %dma_start3A_448] : memref<32768x128xf32, #tpu.memory_space<hbm>> -> memref<32768x128xf32, #tpu.memory_space<hbm>>
    tpu.enqueue_indirect_dma source(%dma_start3A_449 : memref<32768x128xf32, #tpu.memory_space<hbm>>) target(%dma_start3A_443 : memref<128x128xf32, #tpu.memory_space<vmem>>) offsets(%dma_start3A_446 : memref<128xi32, #tpu.memory_space<vmem>>) semaphore(%arg13 : memref<!tpu.dma_semaphore, #tpu.memory_space<semaphore_mem>>)
    %dma_wait3A_450 = arith.constant 7 : i32
    %dma_wait3A_451 = arith.constant 0 : i32
    %dma_wait3A_452 = arith.constant 0 : i32
    %dma_wait3A_453 = arith.constant 0 : i32
    %dma_wait3A_454 = tpu.memref_slice %arg10[%dma_wait3A_451, %dma_wait3A_452, %dma_wait3A_453] : memref<7x128x128xf32, #tpu.memory_space<vmem>> -> memref<1x128x128xf32, #tpu.memory_space<vmem>>
    %dma_wait3A_455 = tpu.memref_squeeze %dma_wait3A_454 : memref<1x128x128xf32, #tpu.memory_space<vmem>> -> memref<128x128xf32, #tpu.memory_space<vmem>>
    %dma_wait3A_456 = arith.constant 0 : i32
    %dma_wait3A_457 = tpu.memref_slice %arg8[%dma_wait3A_450, %dma_wait3A_456] : memref<16x128xi32, #tpu.memory_space<vmem>> -> memref<1x128xi32, #tpu.memory_space<vmem>>
    %dma_wait3A_458 = tpu.memref_squeeze %dma_wait3A_457 : memref<1x128xi32, #tpu.memory_space<vmem>> -> memref<128xi32, #tpu.memory_space<vmem>>
    %dma_wait3A_459 = arith.constant 0 : i32
    %dma_wait3A_460 = arith.constant 0 : i32
    %dma_wait3A_461 = tpu.memref_slice %arg2[%dma_wait3A_459, %dma_wait3A_460] : memref<32768x128xf32, #tpu.memory_space<hbm>> -> memref<32768x128xf32, #tpu.memory_space<hbm>>
    tpu.wait_indirect_dma semaphore(%arg13 : memref<!tpu.dma_semaphore, #tpu.memory_space<semaphore_mem>>) src(%dma_wait3A_461 : memref<32768x128xf32, #tpu.memory_space<hbm>>) dst(%dma_wait3A_455 : memref<128x128xf32, #tpu.memory_space<vmem>>)
    %mul3A_462 = arith.constant 128 : i32
    %mul3A_463 = arith.muli %mul3A_2, %mul3A_462 : i32
    %add3A_464 = arith.constant 896 : i32
    %add3A_465 = arith.addi %mul3A_463, %add3A_464 : i32
    %dma_start3A_466 = arith.constant 0 : i32
    %dma_start3A_467 = arith.constant 0 : i32
    %dma_start3A_468 = arith.constant 0 : i32
    %dma_start3A_469 = tpu.memref_slice %arg10[%dma_start3A_466, %dma_start3A_467, %dma_start3A_468] : memref<7x128x128xf32, #tpu.memory_space<vmem>> -> memref<1x128x128xf32, #tpu.memory_space<vmem>>
    %dma_start3A_470 = tpu.memref_squeeze %dma_start3A_469 : memref<1x128x128xf32, #tpu.memory_space<vmem>> -> memref<128x128xf32, #tpu.memory_space<vmem>>
    %dma_start3A_471 = arith.constant 0 : i32
    %dma_start3A_472 = tpu.memref_slice %arg6[%add3A_465, %dma_start3A_471] : memref<65536x128xf32, #tpu.memory_space<hbm>> -> memref<128x128xf32, #tpu.memory_space<hbm>>
    %dma_start3A_473 = arith.constant 0 : i32
    %dma_start3A_474 = tpu.memref_slice %arg6[%add3A_465, %dma_start3A_473] : memref<65536x128xf32, #tpu.memory_space<hbm>> -> memref<128x128xf32, #tpu.memory_space<hbm>>
    %dma_start3A_475 = arith.constant 0 : i32
    %dma_start3A_476 = arith.constant 0 : i32
    %dma_start3A_477 = tpu.memref_slice %arg10[%dma_start3A_466, %dma_start3A_475, %dma_start3A_476] : memref<7x128x128xf32, #tpu.memory_space<vmem>> -> memref<1x128x128xf32, #tpu.memory_space<vmem>>
    %dma_start3A_478 = tpu.memref_squeeze %dma_start3A_477 : memref<1x128x128xf32, #tpu.memory_space<vmem>> -> memref<128x128xf32, #tpu.memory_space<vmem>>
    tpu.enqueue_dma source(%dma_start3A_478 : memref<128x128xf32, #tpu.memory_space<vmem>>) target(%dma_start3A_474 : memref<128x128xf32, #tpu.memory_space<hbm>>) target_semaphore(%arg14 : memref<!tpu.dma_semaphore, #tpu.memory_space<semaphore_mem>>)
    %mul3A_479 = arith.constant 128 : i32
    %mul3A_480 = arith.muli %mul3A_2, %mul3A_479 : i32
    %add3A_481 = arith.constant 384 : i32
    %add3A_482 = arith.addi %mul3A_480, %add3A_481 : i32
    %dma_wait3A_483 = arith.constant 3 : i32
    %dma_wait3A_484 = arith.constant 0 : i32
    %dma_wait3A_485 = arith.constant 0 : i32
    %dma_wait3A_486 = tpu.memref_slice %arg10[%dma_wait3A_483, %dma_wait3A_484, %dma_wait3A_485] : memref<7x128x128xf32, #tpu.memory_space<vmem>> -> memref<1x128x128xf32, #tpu.memory_space<vmem>>
    %dma_wait3A_487 = tpu.memref_squeeze %dma_wait3A_486 : memref<1x128x128xf32, #tpu.memory_space<vmem>> -> memref<128x128xf32, #tpu.memory_space<vmem>>
    %dma_wait3A_488 = arith.constant 0 : i32
    %dma_wait3A_489 = tpu.memref_slice %arg6[%add3A_482, %dma_wait3A_488] : memref<65536x128xf32, #tpu.memory_space<hbm>> -> memref<128x128xf32, #tpu.memory_space<hbm>>
    %dma_wait3A_490 = arith.constant 0 : i32
    %dma_wait3A_491 = tpu.memref_slice %arg6[%add3A_482, %dma_wait3A_490] : memref<65536x128xf32, #tpu.memory_space<hbm>> -> memref<128x128xf32, #tpu.memory_space<hbm>>
    %dma_wait3A_492 = arith.constant 0 : i32
    %dma_wait3A_493 = arith.constant 0 : i32
    %dma_wait3A_494 = tpu.memref_slice %arg10[%dma_wait3A_483, %dma_wait3A_492, %dma_wait3A_493] : memref<7x128x128xf32, #tpu.memory_space<vmem>> -> memref<1x128x128xf32, #tpu.memory_space<vmem>>
    %dma_wait3A_495 = tpu.memref_squeeze %dma_wait3A_494 : memref<1x128x128xf32, #tpu.memory_space<vmem>> -> memref<128x128xf32, #tpu.memory_space<vmem>>
    tpu.wait_dma2 semaphore(%arg14 : memref<!tpu.dma_semaphore, #tpu.memory_space<semaphore_mem>>) src(%dma_wait3A_495 : memref<128x128xf32, #tpu.memory_space<vmem>>) dst(%dma_wait3A_491 : memref<128x128xf32, #tpu.memory_space<hbm>>)
    %dma_start3A_496 = arith.constant 10 : i32
    %dma_start3A_497 = arith.constant 3 : i32
    %dma_start3A_498 = arith.constant 0 : i32
    %dma_start3A_499 = arith.constant 0 : i32
    %dma_start3A_500 = tpu.memref_slice %arg10[%dma_start3A_497, %dma_start3A_498, %dma_start3A_499] : memref<7x128x128xf32, #tpu.memory_space<vmem>> -> memref<1x128x128xf32, #tpu.memory_space<vmem>>
    %dma_start3A_501 = tpu.memref_squeeze %dma_start3A_500 : memref<1x128x128xf32, #tpu.memory_space<vmem>> -> memref<128x128xf32, #tpu.memory_space<vmem>>
    %dma_start3A_502 = arith.constant 0 : i32
    %dma_start3A_503 = tpu.memref_slice %arg8[%dma_start3A_496, %dma_start3A_502] : memref<16x128xi32, #tpu.memory_space<vmem>> -> memref<1x128xi32, #tpu.memory_space<vmem>>
    %dma_start3A_504 = tpu.memref_squeeze %dma_start3A_503 : memref<1x128xi32, #tpu.memory_space<vmem>> -> memref<128xi32, #tpu.memory_space<vmem>>
    %dma_start3A_505 = arith.constant 0 : i32
    %dma_start3A_506 = arith.constant 0 : i32
    %dma_start3A_507 = tpu.memref_slice %arg2[%dma_start3A_505, %dma_start3A_506] : memref<32768x128xf32, #tpu.memory_space<hbm>> -> memref<32768x128xf32, #tpu.memory_space<hbm>>
    tpu.enqueue_indirect_dma source(%dma_start3A_507 : memref<32768x128xf32, #tpu.memory_space<hbm>>) target(%dma_start3A_501 : memref<128x128xf32, #tpu.memory_space<vmem>>) offsets(%dma_start3A_504 : memref<128xi32, #tpu.memory_space<vmem>>) semaphore(%arg13 : memref<!tpu.dma_semaphore, #tpu.memory_space<semaphore_mem>>)
    %dma_wait3A_508 = arith.constant 8 : i32
    %dma_wait3A_509 = arith.constant 1 : i32
    %dma_wait3A_510 = arith.constant 0 : i32
    %dma_wait3A_511 = arith.constant 0 : i32
    %dma_wait3A_512 = tpu.memref_slice %arg10[%dma_wait3A_509, %dma_wait3A_510, %dma_wait3A_511] : memref<7x128x128xf32, #tpu.memory_space<vmem>> -> memref<1x128x128xf32, #tpu.memory_space<vmem>>
    %dma_wait3A_513 = tpu.memref_squeeze %dma_wait3A_512 : memref<1x128x128xf32, #tpu.memory_space<vmem>> -> memref<128x128xf32, #tpu.memory_space<vmem>>
    %dma_wait3A_514 = arith.constant 0 : i32
    %dma_wait3A_515 = tpu.memref_slice %arg8[%dma_wait3A_508, %dma_wait3A_514] : memref<16x128xi32, #tpu.memory_space<vmem>> -> memref<1x128xi32, #tpu.memory_space<vmem>>
    %dma_wait3A_516 = tpu.memref_squeeze %dma_wait3A_515 : memref<1x128xi32, #tpu.memory_space<vmem>> -> memref<128xi32, #tpu.memory_space<vmem>>
    %dma_wait3A_517 = arith.constant 0 : i32
    %dma_wait3A_518 = arith.constant 0 : i32
    %dma_wait3A_519 = tpu.memref_slice %arg2[%dma_wait3A_517, %dma_wait3A_518] : memref<32768x128xf32, #tpu.memory_space<hbm>> -> memref<32768x128xf32, #tpu.memory_space<hbm>>
    tpu.wait_indirect_dma semaphore(%arg13 : memref<!tpu.dma_semaphore, #tpu.memory_space<semaphore_mem>>) src(%dma_wait3A_519 : memref<32768x128xf32, #tpu.memory_space<hbm>>) dst(%dma_wait3A_513 : memref<128x128xf32, #tpu.memory_space<vmem>>)
    %mul3A_520 = arith.constant 128 : i32
    %mul3A_521 = arith.muli %mul3A_2, %mul3A_520 : i32
    %add3A_522 = arith.constant 1024 : i32
    %add3A_523 = arith.addi %mul3A_521, %add3A_522 : i32
    %dma_start3A_524 = arith.constant 1 : i32
    %dma_start3A_525 = arith.constant 0 : i32
    %dma_start3A_526 = arith.constant 0 : i32
    %dma_start3A_527 = tpu.memref_slice %arg10[%dma_start3A_524, %dma_start3A_525, %dma_start3A_526] : memref<7x128x128xf32, #tpu.memory_space<vmem>> -> memref<1x128x128xf32, #tpu.memory_space<vmem>>
    %dma_start3A_528 = tpu.memref_squeeze %dma_start3A_527 : memref<1x128x128xf32, #tpu.memory_space<vmem>> -> memref<128x128xf32, #tpu.memory_space<vmem>>
    %dma_start3A_529 = arith.constant 0 : i32
    %dma_start3A_530 = tpu.memref_slice %arg6[%add3A_523, %dma_start3A_529] : memref<65536x128xf32, #tpu.memory_space<hbm>> -> memref<128x128xf32, #tpu.memory_space<hbm>>
    %dma_start3A_531 = arith.constant 0 : i32
    %dma_start3A_532 = tpu.memref_slice %arg6[%add3A_523, %dma_start3A_531] : memref<65536x128xf32, #tpu.memory_space<hbm>> -> memref<128x128xf32, #tpu.memory_space<hbm>>
    %dma_start3A_533 = arith.constant 0 : i32
    %dma_start3A_534 = arith.constant 0 : i32
    %dma_start3A_535 = tpu.memref_slice %arg10[%dma_start3A_524, %dma_start3A_533, %dma_start3A_534] : memref<7x128x128xf32, #tpu.memory_space<vmem>> -> memref<1x128x128xf32, #tpu.memory_space<vmem>>
    %dma_start3A_536 = tpu.memref_squeeze %dma_start3A_535 : memref<1x128x128xf32, #tpu.memory_space<vmem>> -> memref<128x128xf32, #tpu.memory_space<vmem>>
    tpu.enqueue_dma source(%dma_start3A_536 : memref<128x128xf32, #tpu.memory_space<vmem>>) target(%dma_start3A_532 : memref<128x128xf32, #tpu.memory_space<hbm>>) target_semaphore(%arg14 : memref<!tpu.dma_semaphore, #tpu.memory_space<semaphore_mem>>)
    %mul3A_537 = arith.constant 128 : i32
    %mul3A_538 = arith.muli %mul3A_2, %mul3A_537 : i32
    %add3A_539 = arith.constant 512 : i32
    %add3A_540 = arith.addi %mul3A_538, %add3A_539 : i32
    %dma_wait3A_541 = arith.constant 4 : i32
    %dma_wait3A_542 = arith.constant 0 : i32
    %dma_wait3A_543 = arith.constant 0 : i32
    %dma_wait3A_544 = tpu.memref_slice %arg10[%dma_wait3A_541, %dma_wait3A_542, %dma_wait3A_543] : memref<7x128x128xf32, #tpu.memory_space<vmem>> -> memref<1x128x128xf32, #tpu.memory_space<vmem>>
    %dma_wait3A_545 = tpu.memref_squeeze %dma_wait3A_544 : memref<1x128x128xf32, #tpu.memory_space<vmem>> -> memref<128x128xf32, #tpu.memory_space<vmem>>
    %dma_wait3A_546 = arith.constant 0 : i32
    %dma_wait3A_547 = tpu.memref_slice %arg6[%add3A_540, %dma_wait3A_546] : memref<65536x128xf32, #tpu.memory_space<hbm>> -> memref<128x128xf32, #tpu.memory_space<hbm>>
    %dma_wait3A_548 = arith.constant 0 : i32
    %dma_wait3A_549 = tpu.memref_slice %arg6[%add3A_540, %dma_wait3A_548] : memref<65536x128xf32, #tpu.memory_space<hbm>> -> memref<128x128xf32, #tpu.memory_space<hbm>>
    %dma_wait3A_550 = arith.constant 0 : i32
    %dma_wait3A_551 = arith.constant 0 : i32
    %dma_wait3A_552 = tpu.memref_slice %arg10[%dma_wait3A_541, %dma_wait3A_550, %dma_wait3A_551] : memref<7x128x128xf32, #tpu.memory_space<vmem>> -> memref<1x128x128xf32, #tpu.memory_space<vmem>>
    %dma_wait3A_553 = tpu.memref_squeeze %dma_wait3A_552 : memref<1x128x128xf32, #tpu.memory_space<vmem>> -> memref<128x128xf32, #tpu.memory_space<vmem>>
    tpu.wait_dma2 semaphore(%arg14 : memref<!tpu.dma_semaphore, #tpu.memory_space<semaphore_mem>>) src(%dma_wait3A_553 : memref<128x128xf32, #tpu.memory_space<vmem>>) dst(%dma_wait3A_549 : memref<128x128xf32, #tpu.memory_space<hbm>>)
    %dma_start3A_554 = arith.constant 11 : i32
    %dma_start3A_555 = arith.constant 4 : i32
    %dma_start3A_556 = arith.constant 0 : i32
    %dma_start3A_557 = arith.constant 0 : i32
    %dma_start3A_558 = tpu.memref_slice %arg10[%dma_start3A_555, %dma_start3A_556, %dma_start3A_557] : memref<7x128x128xf32, #tpu.memory_space<vmem>> -> memref<1x128x128xf32, #tpu.memory_space<vmem>>
    %dma_start3A_559 = tpu.memref_squeeze %dma_start3A_558 : memref<1x128x128xf32, #tpu.memory_space<vmem>> -> memref<128x128xf32, #tpu.memory_space<vmem>>
    %dma_start3A_560 = arith.constant 0 : i32
    %dma_start3A_561 = tpu.memref_slice %arg8[%dma_start3A_554, %dma_start3A_560] : memref<16x128xi32, #tpu.memory_space<vmem>> -> memref<1x128xi32, #tpu.memory_space<vmem>>
    %dma_start3A_562 = tpu.memref_squeeze %dma_start3A_561 : memref<1x128xi32, #tpu.memory_space<vmem>> -> memref<128xi32, #tpu.memory_space<vmem>>
    %dma_start3A_563 = arith.constant 0 : i32
    %dma_start3A_564 = arith.constant 0 : i32
    %dma_start3A_565 = tpu.memref_slice %arg2[%dma_start3A_563, %dma_start3A_564] : memref<32768x128xf32, #tpu.memory_space<hbm>> -> memref<32768x128xf32, #tpu.memory_space<hbm>>
    tpu.enqueue_indirect_dma source(%dma_start3A_565 : memref<32768x128xf32, #tpu.memory_space<hbm>>) target(%dma_start3A_559 : memref<128x128xf32, #tpu.memory_space<vmem>>) offsets(%dma_start3A_562 : memref<128xi32, #tpu.memory_space<vmem>>) semaphore(%arg13 : memref<!tpu.dma_semaphore, #tpu.memory_space<semaphore_mem>>)
    %dma_wait3A_566 = arith.constant 9 : i32
    %dma_wait3A_567 = arith.constant 2 : i32
    %dma_wait3A_568 = arith.constant 0 : i32
    %dma_wait3A_569 = arith.constant 0 : i32
    %dma_wait3A_570 = tpu.memref_slice %arg10[%dma_wait3A_567, %dma_wait3A_568, %dma_wait3A_569] : memref<7x128x128xf32, #tpu.memory_space<vmem>> -> memref<1x128x128xf32, #tpu.memory_space<vmem>>
    %dma_wait3A_571 = tpu.memref_squeeze %dma_wait3A_570 : memref<1x128x128xf32, #tpu.memory_space<vmem>> -> memref<128x128xf32, #tpu.memory_space<vmem>>
    %dma_wait3A_572 = arith.constant 0 : i32
    %dma_wait3A_573 = tpu.memref_slice %arg8[%dma_wait3A_566, %dma_wait3A_572] : memref<16x128xi32, #tpu.memory_space<vmem>> -> memref<1x128xi32, #tpu.memory_space<vmem>>
    %dma_wait3A_574 = tpu.memref_squeeze %dma_wait3A_573 : memref<1x128xi32, #tpu.memory_space<vmem>> -> memref<128xi32, #tpu.memory_space<vmem>>
    %dma_wait3A_575 = arith.constant 0 : i32
    %dma_wait3A_576 = arith.constant 0 : i32
    %dma_wait3A_577 = tpu.memref_slice %arg2[%dma_wait3A_575, %dma_wait3A_576] : memref<32768x128xf32, #tpu.memory_space<hbm>> -> memref<32768x128xf32, #tpu.memory_space<hbm>>
    tpu.wait_indirect_dma semaphore(%arg13 : memref<!tpu.dma_semaphore, #tpu.memory_space<semaphore_mem>>) src(%dma_wait3A_577 : memref<32768x128xf32, #tpu.memory_space<hbm>>) dst(%dma_wait3A_571 : memref<128x128xf32, #tpu.memory_space<vmem>>)
    %mul3A_578 = arith.constant 128 : i32
    %mul3A_579 = arith.muli %mul3A_2, %mul3A_578 : i32
    %add3A_580 = arith.constant 1152 : i32
    %add3A_581 = arith.addi %mul3A_579, %add3A_580 : i32
    %dma_start3A_582 = arith.constant 2 : i32
    %dma_start3A_583 = arith.constant 0 : i32
    %dma_start3A_584 = arith.constant 0 : i32
    %dma_start3A_585 = tpu.memref_slice %arg10[%dma_start3A_582, %dma_start3A_583, %dma_start3A_584] : memref<7x128x128xf32, #tpu.memory_space<vmem>> -> memref<1x128x128xf32, #tpu.memory_space<vmem>>
    %dma_start3A_586 = tpu.memref_squeeze %dma_start3A_585 : memref<1x128x128xf32, #tpu.memory_space<vmem>> -> memref<128x128xf32, #tpu.memory_space<vmem>>
    %dma_start3A_587 = arith.constant 0 : i32
    %dma_start3A_588 = tpu.memref_slice %arg6[%add3A_581, %dma_start3A_587] : memref<65536x128xf32, #tpu.memory_space<hbm>> -> memref<128x128xf32, #tpu.memory_space<hbm>>
    %dma_start3A_589 = arith.constant 0 : i32
    %dma_start3A_590 = tpu.memref_slice %arg6[%add3A_581, %dma_start3A_589] : memref<65536x128xf32, #tpu.memory_space<hbm>> -> memref<128x128xf32, #tpu.memory_space<hbm>>
    %dma_start3A_591 = arith.constant 0 : i32
    %dma_start3A_592 = arith.constant 0 : i32
    %dma_start3A_593 = tpu.memref_slice %arg10[%dma_start3A_582, %dma_start3A_591, %dma_start3A_592] : memref<7x128x128xf32, #tpu.memory_space<vmem>> -> memref<1x128x128xf32, #tpu.memory_space<vmem>>
    %dma_start3A_594 = tpu.memref_squeeze %dma_start3A_593 : memref<1x128x128xf32, #tpu.memory_space<vmem>> -> memref<128x128xf32, #tpu.memory_space<vmem>>
    tpu.enqueue_dma source(%dma_start3A_594 : memref<128x128xf32, #tpu.memory_space<vmem>>) target(%dma_start3A_590 : memref<128x128xf32, #tpu.memory_space<hbm>>) target_semaphore(%arg14 : memref<!tpu.dma_semaphore, #tpu.memory_space<semaphore_mem>>)
    %mul3A_595 = arith.constant 128 : i32
    %mul3A_596 = arith.muli %mul3A_2, %mul3A_595 : i32
    %add3A_597 = arith.constant 640 : i32
    %add3A_598 = arith.addi %mul3A_596, %add3A_597 : i32
    %dma_wait3A_599 = arith.constant 5 : i32
    %dma_wait3A_600 = arith.constant 0 : i32
    %dma_wait3A_601 = arith.constant 0 : i32
    %dma_wait3A_602 = tpu.memref_slice %arg10[%dma_wait3A_599, %dma_wait3A_600, %dma_wait3A_601] : memref<7x128x128xf32, #tpu.memory_space<vmem>> -> memref<1x128x128xf32, #tpu.memory_space<vmem>>
    %dma_wait3A_603 = tpu.memref_squeeze %dma_wait3A_602 : memref<1x128x128xf32, #tpu.memory_space<vmem>> -> memref<128x128xf32, #tpu.memory_space<vmem>>
    %dma_wait3A_604 = arith.constant 0 : i32
    %dma_wait3A_605 = tpu.memref_slice %arg6[%add3A_598, %dma_wait3A_604] : memref<65536x128xf32, #tpu.memory_space<hbm>> -> memref<128x128xf32, #tpu.memory_space<hbm>>
    %dma_wait3A_606 = arith.constant 0 : i32
    %dma_wait3A_607 = tpu.memref_slice %arg6[%add3A_598, %dma_wait3A_606] : memref<65536x128xf32, #tpu.memory_space<hbm>> -> memref<128x128xf32, #tpu.memory_space<hbm>>
    %dma_wait3A_608 = arith.constant 0 : i32
    %dma_wait3A_609 = arith.constant 0 : i32
    %dma_wait3A_610 = tpu.memref_slice %arg10[%dma_wait3A_599, %dma_wait3A_608, %dma_wait3A_609] : memref<7x128x128xf32, #tpu.memory_space<vmem>> -> memref<1x128x128xf32, #tpu.memory_space<vmem>>
    %dma_wait3A_611 = tpu.memref_squeeze %dma_wait3A_610 : memref<1x128x128xf32, #tpu.memory_space<vmem>> -> memref<128x128xf32, #tpu.memory_space<vmem>>
    tpu.wait_dma2 semaphore(%arg14 : memref<!tpu.dma_semaphore, #tpu.memory_space<semaphore_mem>>) src(%dma_wait3A_611 : memref<128x128xf32, #tpu.memory_space<vmem>>) dst(%dma_wait3A_607 : memref<128x128xf32, #tpu.memory_space<hbm>>)
    %dma_start3A_612 = arith.constant 12 : i32
    %dma_start3A_613 = arith.constant 5 : i32
    %dma_start3A_614 = arith.constant 0 : i32
    %dma_start3A_615 = arith.constant 0 : i32
    %dma_start3A_616 = tpu.memref_slice %arg10[%dma_start3A_613, %dma_start3A_614, %dma_start3A_615] : memref<7x128x128xf32, #tpu.memory_space<vmem>> -> memref<1x128x128xf32, #tpu.memory_space<vmem>>
    %dma_start3A_617 = tpu.memref_squeeze %dma_start3A_616 : memref<1x128x128xf32, #tpu.memory_space<vmem>> -> memref<128x128xf32, #tpu.memory_space<vmem>>
    %dma_start3A_618 = arith.constant 0 : i32
    %dma_start3A_619 = tpu.memref_slice %arg8[%dma_start3A_612, %dma_start3A_618] : memref<16x128xi32, #tpu.memory_space<vmem>> -> memref<1x128xi32, #tpu.memory_space<vmem>>
    %dma_start3A_620 = tpu.memref_squeeze %dma_start3A_619 : memref<1x128xi32, #tpu.memory_space<vmem>> -> memref<128xi32, #tpu.memory_space<vmem>>
    %dma_start3A_621 = arith.constant 0 : i32
    %dma_start3A_622 = arith.constant 0 : i32
    %dma_start3A_623 = tpu.memref_slice %arg2[%dma_start3A_621, %dma_start3A_622] : memref<32768x128xf32, #tpu.memory_space<hbm>> -> memref<32768x128xf32, #tpu.memory_space<hbm>>
    tpu.enqueue_indirect_dma source(%dma_start3A_623 : memref<32768x128xf32, #tpu.memory_space<hbm>>) target(%dma_start3A_617 : memref<128x128xf32, #tpu.memory_space<vmem>>) offsets(%dma_start3A_620 : memref<128xi32, #tpu.memory_space<vmem>>) semaphore(%arg13 : memref<!tpu.dma_semaphore, #tpu.memory_space<semaphore_mem>>)
    %dma_wait3A_624 = arith.constant 10 : i32
    %dma_wait3A_625 = arith.constant 3 : i32
    %dma_wait3A_626 = arith.constant 0 : i32
    %dma_wait3A_627 = arith.constant 0 : i32
    %dma_wait3A_628 = tpu.memref_slice %arg10[%dma_wait3A_625, %dma_wait3A_626, %dma_wait3A_627] : memref<7x128x128xf32, #tpu.memory_space<vmem>> -> memref<1x128x128xf32, #tpu.memory_space<vmem>>
    %dma_wait3A_629 = tpu.memref_squeeze %dma_wait3A_628 : memref<1x128x128xf32, #tpu.memory_space<vmem>> -> memref<128x128xf32, #tpu.memory_space<vmem>>
    %dma_wait3A_630 = arith.constant 0 : i32
    %dma_wait3A_631 = tpu.memref_slice %arg8[%dma_wait3A_624, %dma_wait3A_630] : memref<16x128xi32, #tpu.memory_space<vmem>> -> memref<1x128xi32, #tpu.memory_space<vmem>>
    %dma_wait3A_632 = tpu.memref_squeeze %dma_wait3A_631 : memref<1x128xi32, #tpu.memory_space<vmem>> -> memref<128xi32, #tpu.memory_space<vmem>>
    %dma_wait3A_633 = arith.constant 0 : i32
    %dma_wait3A_634 = arith.constant 0 : i32
    %dma_wait3A_635 = tpu.memref_slice %arg2[%dma_wait3A_633, %dma_wait3A_634] : memref<32768x128xf32, #tpu.memory_space<hbm>> -> memref<32768x128xf32, #tpu.memory_space<hbm>>
    tpu.wait_indirect_dma semaphore(%arg13 : memref<!tpu.dma_semaphore, #tpu.memory_space<semaphore_mem>>) src(%dma_wait3A_635 : memref<32768x128xf32, #tpu.memory_space<hbm>>) dst(%dma_wait3A_629 : memref<128x128xf32, #tpu.memory_space<vmem>>)
    %mul3A_636 = arith.constant 128 : i32
    %mul3A_637 = arith.muli %mul3A_2, %mul3A_636 : i32
    %add3A_638 = arith.constant 1280 : i32
    %add3A_639 = arith.addi %mul3A_637, %add3A_638 : i32
    %dma_start3A_640 = arith.constant 3 : i32
    %dma_start3A_641 = arith.constant 0 : i32
    %dma_start3A_642 = arith.constant 0 : i32
    %dma_start3A_643 = tpu.memref_slice %arg10[%dma_start3A_640, %dma_start3A_641, %dma_start3A_642] : memref<7x128x128xf32, #tpu.memory_space<vmem>> -> memref<1x128x128xf32, #tpu.memory_space<vmem>>
    %dma_start3A_644 = tpu.memref_squeeze %dma_start3A_643 : memref<1x128x128xf32, #tpu.memory_space<vmem>> -> memref<128x128xf32, #tpu.memory_space<vmem>>
    %dma_start3A_645 = arith.constant 0 : i32
    %dma_start3A_646 = tpu.memref_slice %arg6[%add3A_639, %dma_start3A_645] : memref<65536x128xf32, #tpu.memory_space<hbm>> -> memref<128x128xf32, #tpu.memory_space<hbm>>
    %dma_start3A_647 = arith.constant 0 : i32
    %dma_start3A_648 = tpu.memref_slice %arg6[%add3A_639, %dma_start3A_647] : memref<65536x128xf32, #tpu.memory_space<hbm>> -> memref<128x128xf32, #tpu.memory_space<hbm>>
    %dma_start3A_649 = arith.constant 0 : i32
    %dma_start3A_650 = arith.constant 0 : i32
    %dma_start3A_651 = tpu.memref_slice %arg10[%dma_start3A_640, %dma_start3A_649, %dma_start3A_650] : memref<7x128x128xf32, #tpu.memory_space<vmem>> -> memref<1x128x128xf32, #tpu.memory_space<vmem>>
    %dma_start3A_652 = tpu.memref_squeeze %dma_start3A_651 : memref<1x128x128xf32, #tpu.memory_space<vmem>> -> memref<128x128xf32, #tpu.memory_space<vmem>>
    tpu.enqueue_dma source(%dma_start3A_652 : memref<128x128xf32, #tpu.memory_space<vmem>>) target(%dma_start3A_648 : memref<128x128xf32, #tpu.memory_space<hbm>>) target_semaphore(%arg14 : memref<!tpu.dma_semaphore, #tpu.memory_space<semaphore_mem>>)
    %mul3A_653 = arith.constant 128 : i32
    %mul3A_654 = arith.muli %mul3A_2, %mul3A_653 : i32
    %add3A_655 = arith.constant 768 : i32
    %add3A_656 = arith.addi %mul3A_654, %add3A_655 : i32
    %dma_wait3A_657 = arith.constant 6 : i32
    %dma_wait3A_658 = arith.constant 0 : i32
    %dma_wait3A_659 = arith.constant 0 : i32
    %dma_wait3A_660 = tpu.memref_slice %arg10[%dma_wait3A_657, %dma_wait3A_658, %dma_wait3A_659] : memref<7x128x128xf32, #tpu.memory_space<vmem>> -> memref<1x128x128xf32, #tpu.memory_space<vmem>>
    %dma_wait3A_661 = tpu.memref_squeeze %dma_wait3A_660 : memref<1x128x128xf32, #tpu.memory_space<vmem>> -> memref<128x128xf32, #tpu.memory_space<vmem>>
    %dma_wait3A_662 = arith.constant 0 : i32
    %dma_wait3A_663 = tpu.memref_slice %arg6[%add3A_656, %dma_wait3A_662] : memref<65536x128xf32, #tpu.memory_space<hbm>> -> memref<128x128xf32, #tpu.memory_space<hbm>>
    %dma_wait3A_664 = arith.constant 0 : i32
    %dma_wait3A_665 = tpu.memref_slice %arg6[%add3A_656, %dma_wait3A_664] : memref<65536x128xf32, #tpu.memory_space<hbm>> -> memref<128x128xf32, #tpu.memory_space<hbm>>
    %dma_wait3A_666 = arith.constant 0 : i32
    %dma_wait3A_667 = arith.constant 0 : i32
    %dma_wait3A_668 = tpu.memref_slice %arg10[%dma_wait3A_657, %dma_wait3A_666, %dma_wait3A_667] : memref<7x128x128xf32, #tpu.memory_space<vmem>> -> memref<1x128x128xf32, #tpu.memory_space<vmem>>
    %dma_wait3A_669 = tpu.memref_squeeze %dma_wait3A_668 : memref<1x128x128xf32, #tpu.memory_space<vmem>> -> memref<128x128xf32, #tpu.memory_space<vmem>>
    tpu.wait_dma2 semaphore(%arg14 : memref<!tpu.dma_semaphore, #tpu.memory_space<semaphore_mem>>) src(%dma_wait3A_669 : memref<128x128xf32, #tpu.memory_space<vmem>>) dst(%dma_wait3A_665 : memref<128x128xf32, #tpu.memory_space<hbm>>)
    %dma_start3A_670 = arith.constant 13 : i32
    %dma_start3A_671 = arith.constant 6 : i32
    %dma_start3A_672 = arith.constant 0 : i32
    %dma_start3A_673 = arith.constant 0 : i32
    %dma_start3A_674 = tpu.memref_slice %arg10[%dma_start3A_671, %dma_start3A_672, %dma_start3A_673] : memref<7x128x128xf32, #tpu.memory_space<vmem>> -> memref<1x128x128xf32, #tpu.memory_space<vmem>>
    %dma_start3A_675 = tpu.memref_squeeze %dma_start3A_674 : memref<1x128x128xf32, #tpu.memory_space<vmem>> -> memref<128x128xf32, #tpu.memory_space<vmem>>
    %dma_start3A_676 = arith.constant 0 : i32
    %dma_start3A_677 = tpu.memref_slice %arg8[%dma_start3A_670, %dma_start3A_676] : memref<16x128xi32, #tpu.memory_space<vmem>> -> memref<1x128xi32, #tpu.memory_space<vmem>>
    %dma_start3A_678 = tpu.memref_squeeze %dma_start3A_677 : memref<1x128xi32, #tpu.memory_space<vmem>> -> memref<128xi32, #tpu.memory_space<vmem>>
    %dma_start3A_679 = arith.constant 0 : i32
    %dma_start3A_680 = arith.constant 0 : i32
    %dma_start3A_681 = tpu.memref_slice %arg2[%dma_start3A_679, %dma_start3A_680] : memref<32768x128xf32, #tpu.memory_space<hbm>> -> memref<32768x128xf32, #tpu.memory_space<hbm>>
    tpu.enqueue_indirect_dma source(%dma_start3A_681 : memref<32768x128xf32, #tpu.memory_space<hbm>>) target(%dma_start3A_675 : memref<128x128xf32, #tpu.memory_space<vmem>>) offsets(%dma_start3A_678 : memref<128xi32, #tpu.memory_space<vmem>>) semaphore(%arg13 : memref<!tpu.dma_semaphore, #tpu.memory_space<semaphore_mem>>)
    %dma_wait3A_682 = arith.constant 11 : i32
    %dma_wait3A_683 = arith.constant 4 : i32
    %dma_wait3A_684 = arith.constant 0 : i32
    %dma_wait3A_685 = arith.constant 0 : i32
    %dma_wait3A_686 = tpu.memref_slice %arg10[%dma_wait3A_683, %dma_wait3A_684, %dma_wait3A_685] : memref<7x128x128xf32, #tpu.memory_space<vmem>> -> memref<1x128x128xf32, #tpu.memory_space<vmem>>
    %dma_wait3A_687 = tpu.memref_squeeze %dma_wait3A_686 : memref<1x128x128xf32, #tpu.memory_space<vmem>> -> memref<128x128xf32, #tpu.memory_space<vmem>>
    %dma_wait3A_688 = arith.constant 0 : i32
    %dma_wait3A_689 = tpu.memref_slice %arg8[%dma_wait3A_682, %dma_wait3A_688] : memref<16x128xi32, #tpu.memory_space<vmem>> -> memref<1x128xi32, #tpu.memory_space<vmem>>
    %dma_wait3A_690 = tpu.memref_squeeze %dma_wait3A_689 : memref<1x128xi32, #tpu.memory_space<vmem>> -> memref<128xi32, #tpu.memory_space<vmem>>
    %dma_wait3A_691 = arith.constant 0 : i32
    %dma_wait3A_692 = arith.constant 0 : i32
    %dma_wait3A_693 = tpu.memref_slice %arg2[%dma_wait3A_691, %dma_wait3A_692] : memref<32768x128xf32, #tpu.memory_space<hbm>> -> memref<32768x128xf32, #tpu.memory_space<hbm>>
    tpu.wait_indirect_dma semaphore(%arg13 : memref<!tpu.dma_semaphore, #tpu.memory_space<semaphore_mem>>) src(%dma_wait3A_693 : memref<32768x128xf32, #tpu.memory_space<hbm>>) dst(%dma_wait3A_687 : memref<128x128xf32, #tpu.memory_space<vmem>>)
    %mul3A_694 = arith.constant 128 : i32
    %mul3A_695 = arith.muli %mul3A_2, %mul3A_694 : i32
    %add3A_696 = arith.constant 1408 : i32
    %add3A_697 = arith.addi %mul3A_695, %add3A_696 : i32
    %dma_start3A_698 = arith.constant 4 : i32
    %dma_start3A_699 = arith.constant 0 : i32
    %dma_start3A_700 = arith.constant 0 : i32
    %dma_start3A_701 = tpu.memref_slice %arg10[%dma_start3A_698, %dma_start3A_699, %dma_start3A_700] : memref<7x128x128xf32, #tpu.memory_space<vmem>> -> memref<1x128x128xf32, #tpu.memory_space<vmem>>
    %dma_start3A_702 = tpu.memref_squeeze %dma_start3A_701 : memref<1x128x128xf32, #tpu.memory_space<vmem>> -> memref<128x128xf32, #tpu.memory_space<vmem>>
    %dma_start3A_703 = arith.constant 0 : i32
    %dma_start3A_704 = tpu.memref_slice %arg6[%add3A_697, %dma_start3A_703] : memref<65536x128xf32, #tpu.memory_space<hbm>> -> memref<128x128xf32, #tpu.memory_space<hbm>>
    %dma_start3A_705 = arith.constant 0 : i32
    %dma_start3A_706 = tpu.memref_slice %arg6[%add3A_697, %dma_start3A_705] : memref<65536x128xf32, #tpu.memory_space<hbm>> -> memref<128x128xf32, #tpu.memory_space<hbm>>
    %dma_start3A_707 = arith.constant 0 : i32
    %dma_start3A_708 = arith.constant 0 : i32
    %dma_start3A_709 = tpu.memref_slice %arg10[%dma_start3A_698, %dma_start3A_707, %dma_start3A_708] : memref<7x128x128xf32, #tpu.memory_space<vmem>> -> memref<1x128x128xf32, #tpu.memory_space<vmem>>
    %dma_start3A_710 = tpu.memref_squeeze %dma_start3A_709 : memref<1x128x128xf32, #tpu.memory_space<vmem>> -> memref<128x128xf32, #tpu.memory_space<vmem>>
    tpu.enqueue_dma source(%dma_start3A_710 : memref<128x128xf32, #tpu.memory_space<vmem>>) target(%dma_start3A_706 : memref<128x128xf32, #tpu.memory_space<hbm>>) target_semaphore(%arg14 : memref<!tpu.dma_semaphore, #tpu.memory_space<semaphore_mem>>)
    %mul3A_711 = arith.constant 128 : i32
    %mul3A_712 = arith.muli %mul3A_2, %mul3A_711 : i32
    %add3A_713 = arith.constant 896 : i32
    %add3A_714 = arith.addi %mul3A_712, %add3A_713 : i32
    %dma_wait3A_715 = arith.constant 0 : i32
    %dma_wait3A_716 = arith.constant 0 : i32
    %dma_wait3A_717 = arith.constant 0 : i32
    %dma_wait3A_718 = tpu.memref_slice %arg10[%dma_wait3A_715, %dma_wait3A_716, %dma_wait3A_717] : memref<7x128x128xf32, #tpu.memory_space<vmem>> -> memref<1x128x128xf32, #tpu.memory_space<vmem>>
    %dma_wait3A_719 = tpu.memref_squeeze %dma_wait3A_718 : memref<1x128x128xf32, #tpu.memory_space<vmem>> -> memref<128x128xf32, #tpu.memory_space<vmem>>
    %dma_wait3A_720 = arith.constant 0 : i32
    %dma_wait3A_721 = tpu.memref_slice %arg6[%add3A_714, %dma_wait3A_720] : memref<65536x128xf32, #tpu.memory_space<hbm>> -> memref<128x128xf32, #tpu.memory_space<hbm>>
    %dma_wait3A_722 = arith.constant 0 : i32
    %dma_wait3A_723 = tpu.memref_slice %arg6[%add3A_714, %dma_wait3A_722] : memref<65536x128xf32, #tpu.memory_space<hbm>> -> memref<128x128xf32, #tpu.memory_space<hbm>>
    %dma_wait3A_724 = arith.constant 0 : i32
    %dma_wait3A_725 = arith.constant 0 : i32
    %dma_wait3A_726 = tpu.memref_slice %arg10[%dma_wait3A_715, %dma_wait3A_724, %dma_wait3A_725] : memref<7x128x128xf32, #tpu.memory_space<vmem>> -> memref<1x128x128xf32, #tpu.memory_space<vmem>>
    %dma_wait3A_727 = tpu.memref_squeeze %dma_wait3A_726 : memref<1x128x128xf32, #tpu.memory_space<vmem>> -> memref<128x128xf32, #tpu.memory_space<vmem>>
    tpu.wait_dma2 semaphore(%arg14 : memref<!tpu.dma_semaphore, #tpu.memory_space<semaphore_mem>>) src(%dma_wait3A_727 : memref<128x128xf32, #tpu.memory_space<vmem>>) dst(%dma_wait3A_723 : memref<128x128xf32, #tpu.memory_space<hbm>>)
    %dma_start3A_728 = arith.constant 14 : i32
    %dma_start3A_729 = arith.constant 0 : i32
    %dma_start3A_730 = arith.constant 0 : i32
    %dma_start3A_731 = arith.constant 0 : i32
    %dma_start3A_732 = tpu.memref_slice %arg10[%dma_start3A_729, %dma_start3A_730, %dma_start3A_731] : memref<7x128x128xf32, #tpu.memory_space<vmem>> -> memref<1x128x128xf32, #tpu.memory_space<vmem>>
    %dma_start3A_733 = tpu.memref_squeeze %dma_start3A_732 : memref<1x128x128xf32, #tpu.memory_space<vmem>> -> memref<128x128xf32, #tpu.memory_space<vmem>>
    %dma_start3A_734 = arith.constant 0 : i32
    %dma_start3A_735 = tpu.memref_slice %arg8[%dma_start3A_728, %dma_start3A_734] : memref<16x128xi32, #tpu.memory_space<vmem>> -> memref<1x128xi32, #tpu.memory_space<vmem>>
    %dma_start3A_736 = tpu.memref_squeeze %dma_start3A_735 : memref<1x128xi32, #tpu.memory_space<vmem>> -> memref<128xi32, #tpu.memory_space<vmem>>
    %dma_start3A_737 = arith.constant 0 : i32
    %dma_start3A_738 = arith.constant 0 : i32
    %dma_start3A_739 = tpu.memref_slice %arg2[%dma_start3A_737, %dma_start3A_738] : memref<32768x128xf32, #tpu.memory_space<hbm>> -> memref<32768x128xf32, #tpu.memory_space<hbm>>
    tpu.enqueue_indirect_dma source(%dma_start3A_739 : memref<32768x128xf32, #tpu.memory_space<hbm>>) target(%dma_start3A_733 : memref<128x128xf32, #tpu.memory_space<vmem>>) offsets(%dma_start3A_736 : memref<128xi32, #tpu.memory_space<vmem>>) semaphore(%arg13 : memref<!tpu.dma_semaphore, #tpu.memory_space<semaphore_mem>>)
    %dma_wait3A_740 = arith.constant 12 : i32
    %dma_wait3A_741 = arith.constant 5 : i32
    %dma_wait3A_742 = arith.constant 0 : i32
    %dma_wait3A_743 = arith.constant 0 : i32
    %dma_wait3A_744 = tpu.memref_slice %arg10[%dma_wait3A_741, %dma_wait3A_742, %dma_wait3A_743] : memref<7x128x128xf32, #tpu.memory_space<vmem>> -> memref<1x128x128xf32, #tpu.memory_space<vmem>>
    %dma_wait3A_745 = tpu.memref_squeeze %dma_wait3A_744 : memref<1x128x128xf32, #tpu.memory_space<vmem>> -> memref<128x128xf32, #tpu.memory_space<vmem>>
    %dma_wait3A_746 = arith.constant 0 : i32
    %dma_wait3A_747 = tpu.memref_slice %arg8[%dma_wait3A_740, %dma_wait3A_746] : memref<16x128xi32, #tpu.memory_space<vmem>> -> memref<1x128xi32, #tpu.memory_space<vmem>>
    %dma_wait3A_748 = tpu.memref_squeeze %dma_wait3A_747 : memref<1x128xi32, #tpu.memory_space<vmem>> -> memref<128xi32, #tpu.memory_space<vmem>>
    %dma_wait3A_749 = arith.constant 0 : i32
    %dma_wait3A_750 = arith.constant 0 : i32
    %dma_wait3A_751 = tpu.memref_slice %arg2[%dma_wait3A_749, %dma_wait3A_750] : memref<32768x128xf32, #tpu.memory_space<hbm>> -> memref<32768x128xf32, #tpu.memory_space<hbm>>
    tpu.wait_indirect_dma semaphore(%arg13 : memref<!tpu.dma_semaphore, #tpu.memory_space<semaphore_mem>>) src(%dma_wait3A_751 : memref<32768x128xf32, #tpu.memory_space<hbm>>) dst(%dma_wait3A_745 : memref<128x128xf32, #tpu.memory_space<vmem>>)
    %mul3A_752 = arith.constant 128 : i32
    %mul3A_753 = arith.muli %mul3A_2, %mul3A_752 : i32
    %add3A_754 = arith.constant 1536 : i32
    %add3A_755 = arith.addi %mul3A_753, %add3A_754 : i32
    %dma_start3A_756 = arith.constant 5 : i32
    %dma_start3A_757 = arith.constant 0 : i32
    %dma_start3A_758 = arith.constant 0 : i32
    %dma_start3A_759 = tpu.memref_slice %arg10[%dma_start3A_756, %dma_start3A_757, %dma_start3A_758] : memref<7x128x128xf32, #tpu.memory_space<vmem>> -> memref<1x128x128xf32, #tpu.memory_space<vmem>>
    %dma_start3A_760 = tpu.memref_squeeze %dma_start3A_759 : memref<1x128x128xf32, #tpu.memory_space<vmem>> -> memref<128x128xf32, #tpu.memory_space<vmem>>
    %dma_start3A_761 = arith.constant 0 : i32
    %dma_start3A_762 = tpu.memref_slice %arg6[%add3A_755, %dma_start3A_761] : memref<65536x128xf32, #tpu.memory_space<hbm>> -> memref<128x128xf32, #tpu.memory_space<hbm>>
    %dma_start3A_763 = arith.constant 0 : i32
    %dma_start3A_764 = tpu.memref_slice %arg6[%add3A_755, %dma_start3A_763] : memref<65536x128xf32, #tpu.memory_space<hbm>> -> memref<128x128xf32, #tpu.memory_space<hbm>>
    %dma_start3A_765 = arith.constant 0 : i32
    %dma_start3A_766 = arith.constant 0 : i32
    %dma_start3A_767 = tpu.memref_slice %arg10[%dma_start3A_756, %dma_start3A_765, %dma_start3A_766] : memref<7x128x128xf32, #tpu.memory_space<vmem>> -> memref<1x128x128xf32, #tpu.memory_space<vmem>>
    %dma_start3A_768 = tpu.memref_squeeze %dma_start3A_767 : memref<1x128x128xf32, #tpu.memory_space<vmem>> -> memref<128x128xf32, #tpu.memory_space<vmem>>
    tpu.enqueue_dma source(%dma_start3A_768 : memref<128x128xf32, #tpu.memory_space<vmem>>) target(%dma_start3A_764 : memref<128x128xf32, #tpu.memory_space<hbm>>) target_semaphore(%arg14 : memref<!tpu.dma_semaphore, #tpu.memory_space<semaphore_mem>>)
    %mul3A_769 = arith.constant 128 : i32
    %mul3A_770 = arith.muli %mul3A_2, %mul3A_769 : i32
    %add3A_771 = arith.constant 1024 : i32
    %add3A_772 = arith.addi %mul3A_770, %add3A_771 : i32
    %dma_wait3A_773 = arith.constant 1 : i32
    %dma_wait3A_774 = arith.constant 0 : i32
    %dma_wait3A_775 = arith.constant 0 : i32
    %dma_wait3A_776 = tpu.memref_slice %arg10[%dma_wait3A_773, %dma_wait3A_774, %dma_wait3A_775] : memref<7x128x128xf32, #tpu.memory_space<vmem>> -> memref<1x128x128xf32, #tpu.memory_space<vmem>>
    %dma_wait3A_777 = tpu.memref_squeeze %dma_wait3A_776 : memref<1x128x128xf32, #tpu.memory_space<vmem>> -> memref<128x128xf32, #tpu.memory_space<vmem>>
    %dma_wait3A_778 = arith.constant 0 : i32
    %dma_wait3A_779 = tpu.memref_slice %arg6[%add3A_772, %dma_wait3A_778] : memref<65536x128xf32, #tpu.memory_space<hbm>> -> memref<128x128xf32, #tpu.memory_space<hbm>>
    %dma_wait3A_780 = arith.constant 0 : i32
    %dma_wait3A_781 = tpu.memref_slice %arg6[%add3A_772, %dma_wait3A_780] : memref<65536x128xf32, #tpu.memory_space<hbm>> -> memref<128x128xf32, #tpu.memory_space<hbm>>
    %dma_wait3A_782 = arith.constant 0 : i32
    %dma_wait3A_783 = arith.constant 0 : i32
    %dma_wait3A_784 = tpu.memref_slice %arg10[%dma_wait3A_773, %dma_wait3A_782, %dma_wait3A_783] : memref<7x128x128xf32, #tpu.memory_space<vmem>> -> memref<1x128x128xf32, #tpu.memory_space<vmem>>
    %dma_wait3A_785 = tpu.memref_squeeze %dma_wait3A_784 : memref<1x128x128xf32, #tpu.memory_space<vmem>> -> memref<128x128xf32, #tpu.memory_space<vmem>>
    tpu.wait_dma2 semaphore(%arg14 : memref<!tpu.dma_semaphore, #tpu.memory_space<semaphore_mem>>) src(%dma_wait3A_785 : memref<128x128xf32, #tpu.memory_space<vmem>>) dst(%dma_wait3A_781 : memref<128x128xf32, #tpu.memory_space<hbm>>)
    %dma_start3A_786 = arith.constant 15 : i32
    %dma_start3A_787 = arith.constant 1 : i32
    %dma_start3A_788 = arith.constant 0 : i32
    %dma_start3A_789 = arith.constant 0 : i32
    %dma_start3A_790 = tpu.memref_slice %arg10[%dma_start3A_787, %dma_start3A_788, %dma_start3A_789] : memref<7x128x128xf32, #tpu.memory_space<vmem>> -> memref<1x128x128xf32, #tpu.memory_space<vmem>>
    %dma_start3A_791 = tpu.memref_squeeze %dma_start3A_790 : memref<1x128x128xf32, #tpu.memory_space<vmem>> -> memref<128x128xf32, #tpu.memory_space<vmem>>
    %dma_start3A_792 = arith.constant 0 : i32
    %dma_start3A_793 = tpu.memref_slice %arg8[%dma_start3A_786, %dma_start3A_792] : memref<16x128xi32, #tpu.memory_space<vmem>> -> memref<1x128xi32, #tpu.memory_space<vmem>>
    %dma_start3A_794 = tpu.memref_squeeze %dma_start3A_793 : memref<1x128xi32, #tpu.memory_space<vmem>> -> memref<128xi32, #tpu.memory_space<vmem>>
    %dma_start3A_795 = arith.constant 0 : i32
    %dma_start3A_796 = arith.constant 0 : i32
    %dma_start3A_797 = tpu.memref_slice %arg2[%dma_start3A_795, %dma_start3A_796] : memref<32768x128xf32, #tpu.memory_space<hbm>> -> memref<32768x128xf32, #tpu.memory_space<hbm>>
    tpu.enqueue_indirect_dma source(%dma_start3A_797 : memref<32768x128xf32, #tpu.memory_space<hbm>>) target(%dma_start3A_791 : memref<128x128xf32, #tpu.memory_space<vmem>>) offsets(%dma_start3A_794 : memref<128xi32, #tpu.memory_space<vmem>>) semaphore(%arg13 : memref<!tpu.dma_semaphore, #tpu.memory_space<semaphore_mem>>)
    %dma_wait3A_798 = arith.constant 13 : i32
    %dma_wait3A_799 = arith.constant 6 : i32
    %dma_wait3A_800 = arith.constant 0 : i32
    %dma_wait3A_801 = arith.constant 0 : i32
    %dma_wait3A_802 = tpu.memref_slice %arg10[%dma_wait3A_799, %dma_wait3A_800, %dma_wait3A_801] : memref<7x128x128xf32, #tpu.memory_space<vmem>> -> memref<1x128x128xf32, #tpu.memory_space<vmem>>
    %dma_wait3A_803 = tpu.memref_squeeze %dma_wait3A_802 : memref<1x128x128xf32, #tpu.memory_space<vmem>> -> memref<128x128xf32, #tpu.memory_space<vmem>>
    %dma_wait3A_804 = arith.constant 0 : i32
    %dma_wait3A_805 = tpu.memref_slice %arg8[%dma_wait3A_798, %dma_wait3A_804] : memref<16x128xi32, #tpu.memory_space<vmem>> -> memref<1x128xi32, #tpu.memory_space<vmem>>
    %dma_wait3A_806 = tpu.memref_squeeze %dma_wait3A_805 : memref<1x128xi32, #tpu.memory_space<vmem>> -> memref<128xi32, #tpu.memory_space<vmem>>
    %dma_wait3A_807 = arith.constant 0 : i32
    %dma_wait3A_808 = arith.constant 0 : i32
    %dma_wait3A_809 = tpu.memref_slice %arg2[%dma_wait3A_807, %dma_wait3A_808] : memref<32768x128xf32, #tpu.memory_space<hbm>> -> memref<32768x128xf32, #tpu.memory_space<hbm>>
    tpu.wait_indirect_dma semaphore(%arg13 : memref<!tpu.dma_semaphore, #tpu.memory_space<semaphore_mem>>) src(%dma_wait3A_809 : memref<32768x128xf32, #tpu.memory_space<hbm>>) dst(%dma_wait3A_803 : memref<128x128xf32, #tpu.memory_space<vmem>>)
    %mul3A_810 = arith.constant 128 : i32
    %mul3A_811 = arith.muli %mul3A_2, %mul3A_810 : i32
    %add3A_812 = arith.constant 1664 : i32
    %add3A_813 = arith.addi %mul3A_811, %add3A_812 : i32
    %dma_start3A_814 = arith.constant 6 : i32
    %dma_start3A_815 = arith.constant 0 : i32
    %dma_start3A_816 = arith.constant 0 : i32
    %dma_start3A_817 = tpu.memref_slice %arg10[%dma_start3A_814, %dma_start3A_815, %dma_start3A_816] : memref<7x128x128xf32, #tpu.memory_space<vmem>> -> memref<1x128x128xf32, #tpu.memory_space<vmem>>
    %dma_start3A_818 = tpu.memref_squeeze %dma_start3A_817 : memref<1x128x128xf32, #tpu.memory_space<vmem>> -> memref<128x128xf32, #tpu.memory_space<vmem>>
    %dma_start3A_819 = arith.constant 0 : i32
    %dma_start3A_820 = tpu.memref_slice %arg6[%add3A_813, %dma_start3A_819] : memref<65536x128xf32, #tpu.memory_space<hbm>> -> memref<128x128xf32, #tpu.memory_space<hbm>>
    %dma_start3A_821 = arith.constant 0 : i32
    %dma_start3A_822 = tpu.memref_slice %arg6[%add3A_813, %dma_start3A_821] : memref<65536x128xf32, #tpu.memory_space<hbm>> -> memref<128x128xf32, #tpu.memory_space<hbm>>
    %dma_start3A_823 = arith.constant 0 : i32
    %dma_start3A_824 = arith.constant 0 : i32
    %dma_start3A_825 = tpu.memref_slice %arg10[%dma_start3A_814, %dma_start3A_823, %dma_start3A_824] : memref<7x128x128xf32, #tpu.memory_space<vmem>> -> memref<1x128x128xf32, #tpu.memory_space<vmem>>
    %dma_start3A_826 = tpu.memref_squeeze %dma_start3A_825 : memref<1x128x128xf32, #tpu.memory_space<vmem>> -> memref<128x128xf32, #tpu.memory_space<vmem>>
    tpu.enqueue_dma source(%dma_start3A_826 : memref<128x128xf32, #tpu.memory_space<vmem>>) target(%dma_start3A_822 : memref<128x128xf32, #tpu.memory_space<hbm>>) target_semaphore(%arg14 : memref<!tpu.dma_semaphore, #tpu.memory_space<semaphore_mem>>)
    %mul3A_827 = arith.constant 128 : i32
    %mul3A_828 = arith.muli %mul3A_2, %mul3A_827 : i32
    %add3A_829 = arith.constant 1152 : i32
    %add3A_830 = arith.addi %mul3A_828, %add3A_829 : i32
    %dma_wait3A_831 = arith.constant 2 : i32
    %dma_wait3A_832 = arith.constant 0 : i32
    %dma_wait3A_833 = arith.constant 0 : i32
    %dma_wait3A_834 = tpu.memref_slice %arg10[%dma_wait3A_831, %dma_wait3A_832, %dma_wait3A_833] : memref<7x128x128xf32, #tpu.memory_space<vmem>> -> memref<1x128x128xf32, #tpu.memory_space<vmem>>
    %dma_wait3A_835 = tpu.memref_squeeze %dma_wait3A_834 : memref<1x128x128xf32, #tpu.memory_space<vmem>> -> memref<128x128xf32, #tpu.memory_space<vmem>>
    %dma_wait3A_836 = arith.constant 0 : i32
    %dma_wait3A_837 = tpu.memref_slice %arg6[%add3A_830, %dma_wait3A_836] : memref<65536x128xf32, #tpu.memory_space<hbm>> -> memref<128x128xf32, #tpu.memory_space<hbm>>
    %dma_wait3A_838 = arith.constant 0 : i32
    %dma_wait3A_839 = tpu.memref_slice %arg6[%add3A_830, %dma_wait3A_838] : memref<65536x128xf32, #tpu.memory_space<hbm>> -> memref<128x128xf32, #tpu.memory_space<hbm>>
    %dma_wait3A_840 = arith.constant 0 : i32
    %dma_wait3A_841 = arith.constant 0 : i32
    %dma_wait3A_842 = tpu.memref_slice %arg10[%dma_wait3A_831, %dma_wait3A_840, %dma_wait3A_841] : memref<7x128x128xf32, #tpu.memory_space<vmem>> -> memref<1x128x128xf32, #tpu.memory_space<vmem>>
    %dma_wait3A_843 = tpu.memref_squeeze %dma_wait3A_842 : memref<1x128x128xf32, #tpu.memory_space<vmem>> -> memref<128x128xf32, #tpu.memory_space<vmem>>
    tpu.wait_dma2 semaphore(%arg14 : memref<!tpu.dma_semaphore, #tpu.memory_space<semaphore_mem>>) src(%dma_wait3A_843 : memref<128x128xf32, #tpu.memory_space<vmem>>) dst(%dma_wait3A_839 : memref<128x128xf32, #tpu.memory_space<hbm>>)
    %dma_wait3A_844 = arith.constant 14 : i32
    %dma_wait3A_845 = arith.constant 0 : i32
    %dma_wait3A_846 = arith.constant 0 : i32
    %dma_wait3A_847 = arith.constant 0 : i32
    %dma_wait3A_848 = tpu.memref_slice %arg10[%dma_wait3A_845, %dma_wait3A_846, %dma_wait3A_847] : memref<7x128x128xf32, #tpu.memory_space<vmem>> -> memref<1x128x128xf32, #tpu.memory_space<vmem>>
    %dma_wait3A_849 = tpu.memref_squeeze %dma_wait3A_848 : memref<1x128x128xf32, #tpu.memory_space<vmem>> -> memref<128x128xf32, #tpu.memory_space<vmem>>
    %dma_wait3A_850 = arith.constant 0 : i32
    %dma_wait3A_851 = tpu.memref_slice %arg8[%dma_wait3A_844, %dma_wait3A_850] : memref<16x128xi32, #tpu.memory_space<vmem>> -> memref<1x128xi32, #tpu.memory_space<vmem>>
    %dma_wait3A_852 = tpu.memref_squeeze %dma_wait3A_851 : memref<1x128xi32, #tpu.memory_space<vmem>> -> memref<128xi32, #tpu.memory_space<vmem>>
    %dma_wait3A_853 = arith.constant 0 : i32
    %dma_wait3A_854 = arith.constant 0 : i32
    %dma_wait3A_855 = tpu.memref_slice %arg2[%dma_wait3A_853, %dma_wait3A_854] : memref<32768x128xf32, #tpu.memory_space<hbm>> -> memref<32768x128xf32, #tpu.memory_space<hbm>>
    tpu.wait_indirect_dma semaphore(%arg13 : memref<!tpu.dma_semaphore, #tpu.memory_space<semaphore_mem>>) src(%dma_wait3A_855 : memref<32768x128xf32, #tpu.memory_space<hbm>>) dst(%dma_wait3A_849 : memref<128x128xf32, #tpu.memory_space<vmem>>)
    %mul3A_856 = arith.constant 128 : i32
    %mul3A_857 = arith.muli %mul3A_2, %mul3A_856 : i32
    %add3A_858 = arith.constant 1792 : i32
    %add3A_859 = arith.addi %mul3A_857, %add3A_858 : i32
    %dma_start3A_860 = arith.constant 0 : i32
    %dma_start3A_861 = arith.constant 0 : i32
    %dma_start3A_862 = arith.constant 0 : i32
    %dma_start3A_863 = tpu.memref_slice %arg10[%dma_start3A_860, %dma_start3A_861, %dma_start3A_862] : memref<7x128x128xf32, #tpu.memory_space<vmem>> -> memref<1x128x128xf32, #tpu.memory_space<vmem>>
    %dma_start3A_864 = tpu.memref_squeeze %dma_start3A_863 : memref<1x128x128xf32, #tpu.memory_space<vmem>> -> memref<128x128xf32, #tpu.memory_space<vmem>>
    %dma_start3A_865 = arith.constant 0 : i32
    %dma_start3A_866 = tpu.memref_slice %arg6[%add3A_859, %dma_start3A_865] : memref<65536x128xf32, #tpu.memory_space<hbm>> -> memref<128x128xf32, #tpu.memory_space<hbm>>
    %dma_start3A_867 = arith.constant 0 : i32
    %dma_start3A_868 = tpu.memref_slice %arg6[%add3A_859, %dma_start3A_867] : memref<65536x128xf32, #tpu.memory_space<hbm>> -> memref<128x128xf32, #tpu.memory_space<hbm>>
    %dma_start3A_869 = arith.constant 0 : i32
    %dma_start3A_870 = arith.constant 0 : i32
    %dma_start3A_871 = tpu.memref_slice %arg10[%dma_start3A_860, %dma_start3A_869, %dma_start3A_870] : memref<7x128x128xf32, #tpu.memory_space<vmem>> -> memref<1x128x128xf32, #tpu.memory_space<vmem>>
    %dma_start3A_872 = tpu.memref_squeeze %dma_start3A_871 : memref<1x128x128xf32, #tpu.memory_space<vmem>> -> memref<128x128xf32, #tpu.memory_space<vmem>>
    tpu.enqueue_dma source(%dma_start3A_872 : memref<128x128xf32, #tpu.memory_space<vmem>>) target(%dma_start3A_868 : memref<128x128xf32, #tpu.memory_space<hbm>>) target_semaphore(%arg14 : memref<!tpu.dma_semaphore, #tpu.memory_space<semaphore_mem>>)
    %mul3A_873 = arith.constant 128 : i32
    %mul3A_874 = arith.muli %mul3A_2, %mul3A_873 : i32
    %add3A_875 = arith.constant 1280 : i32
    %add3A_876 = arith.addi %mul3A_874, %add3A_875 : i32
    %dma_wait3A_877 = arith.constant 3 : i32
    %dma_wait3A_878 = arith.constant 0 : i32
    %dma_wait3A_879 = arith.constant 0 : i32
    %dma_wait3A_880 = tpu.memref_slice %arg10[%dma_wait3A_877, %dma_wait3A_878, %dma_wait3A_879] : memref<7x128x128xf32, #tpu.memory_space<vmem>> -> memref<1x128x128xf32, #tpu.memory_space<vmem>>
    %dma_wait3A_881 = tpu.memref_squeeze %dma_wait3A_880 : memref<1x128x128xf32, #tpu.memory_space<vmem>> -> memref<128x128xf32, #tpu.memory_space<vmem>>
    %dma_wait3A_882 = arith.constant 0 : i32
    %dma_wait3A_883 = tpu.memref_slice %arg6[%add3A_876, %dma_wait3A_882] : memref<65536x128xf32, #tpu.memory_space<hbm>> -> memref<128x128xf32, #tpu.memory_space<hbm>>
    %dma_wait3A_884 = arith.constant 0 : i32
    %dma_wait3A_885 = tpu.memref_slice %arg6[%add3A_876, %dma_wait3A_884] : memref<65536x128xf32, #tpu.memory_space<hbm>> -> memref<128x128xf32, #tpu.memory_space<hbm>>
    %dma_wait3A_886 = arith.constant 0 : i32
    %dma_wait3A_887 = arith.constant 0 : i32
    %dma_wait3A_888 = tpu.memref_slice %arg10[%dma_wait3A_877, %dma_wait3A_886, %dma_wait3A_887] : memref<7x128x128xf32, #tpu.memory_space<vmem>> -> memref<1x128x128xf32, #tpu.memory_space<vmem>>
    %dma_wait3A_889 = tpu.memref_squeeze %dma_wait3A_888 : memref<1x128x128xf32, #tpu.memory_space<vmem>> -> memref<128x128xf32, #tpu.memory_space<vmem>>
    tpu.wait_dma2 semaphore(%arg14 : memref<!tpu.dma_semaphore, #tpu.memory_space<semaphore_mem>>) src(%dma_wait3A_889 : memref<128x128xf32, #tpu.memory_space<vmem>>) dst(%dma_wait3A_885 : memref<128x128xf32, #tpu.memory_space<hbm>>)
    %dma_wait3A_890 = arith.constant 15 : i32
    %dma_wait3A_891 = arith.constant 1 : i32
    %dma_wait3A_892 = arith.constant 0 : i32
    %dma_wait3A_893 = arith.constant 0 : i32
    %dma_wait3A_894 = tpu.memref_slice %arg10[%dma_wait3A_891, %dma_wait3A_892, %dma_wait3A_893] : memref<7x128x128xf32, #tpu.memory_space<vmem>> -> memref<1x128x128xf32, #tpu.memory_space<vmem>>
    %dma_wait3A_895 = tpu.memref_squeeze %dma_wait3A_894 : memref<1x128x128xf32, #tpu.memory_space<vmem>> -> memref<128x128xf32, #tpu.memory_space<vmem>>
    %dma_wait3A_896 = arith.constant 0 : i32
    %dma_wait3A_897 = tpu.memref_slice %arg8[%dma_wait3A_890, %dma_wait3A_896] : memref<16x128xi32, #tpu.memory_space<vmem>> -> memref<1x128xi32, #tpu.memory_space<vmem>>
    %dma_wait3A_898 = tpu.memref_squeeze %dma_wait3A_897 : memref<1x128xi32, #tpu.memory_space<vmem>> -> memref<128xi32, #tpu.memory_space<vmem>>
    %dma_wait3A_899 = arith.constant 0 : i32
    %dma_wait3A_900 = arith.constant 0 : i32
    %dma_wait3A_901 = tpu.memref_slice %arg2[%dma_wait3A_899, %dma_wait3A_900] : memref<32768x128xf32, #tpu.memory_space<hbm>> -> memref<32768x128xf32, #tpu.memory_space<hbm>>
    tpu.wait_indirect_dma semaphore(%arg13 : memref<!tpu.dma_semaphore, #tpu.memory_space<semaphore_mem>>) src(%dma_wait3A_901 : memref<32768x128xf32, #tpu.memory_space<hbm>>) dst(%dma_wait3A_895 : memref<128x128xf32, #tpu.memory_space<vmem>>)
    %mul3A_902 = arith.constant 128 : i32
    %mul3A_903 = arith.muli %mul3A_2, %mul3A_902 : i32
    %add3A_904 = arith.constant 1920 : i32
    %add3A_905 = arith.addi %mul3A_903, %add3A_904 : i32
    %dma_start3A_906 = arith.constant 1 : i32
    %dma_start3A_907 = arith.constant 0 : i32
    %dma_start3A_908 = arith.constant 0 : i32
    %dma_start3A_909 = tpu.memref_slice %arg10[%dma_start3A_906, %dma_start3A_907, %dma_start3A_908] : memref<7x128x128xf32, #tpu.memory_space<vmem>> -> memref<1x128x128xf32, #tpu.memory_space<vmem>>
    %dma_start3A_910 = tpu.memref_squeeze %dma_start3A_909 : memref<1x128x128xf32, #tpu.memory_space<vmem>> -> memref<128x128xf32, #tpu.memory_space<vmem>>
    %dma_start3A_911 = arith.constant 0 : i32
    %dma_start3A_912 = tpu.memref_slice %arg6[%add3A_905, %dma_start3A_911] : memref<65536x128xf32, #tpu.memory_space<hbm>> -> memref<128x128xf32, #tpu.memory_space<hbm>>
    %dma_start3A_913 = arith.constant 0 : i32
    %dma_start3A_914 = tpu.memref_slice %arg6[%add3A_905, %dma_start3A_913] : memref<65536x128xf32, #tpu.memory_space<hbm>> -> memref<128x128xf32, #tpu.memory_space<hbm>>
    %dma_start3A_915 = arith.constant 0 : i32
    %dma_start3A_916 = arith.constant 0 : i32
    %dma_start3A_917 = tpu.memref_slice %arg10[%dma_start3A_906, %dma_start3A_915, %dma_start3A_916] : memref<7x128x128xf32, #tpu.memory_space<vmem>> -> memref<1x128x128xf32, #tpu.memory_space<vmem>>
    %dma_start3A_918 = tpu.memref_squeeze %dma_start3A_917 : memref<1x128x128xf32, #tpu.memory_space<vmem>> -> memref<128x128xf32, #tpu.memory_space<vmem>>
    tpu.enqueue_dma source(%dma_start3A_918 : memref<128x128xf32, #tpu.memory_space<vmem>>) target(%dma_start3A_914 : memref<128x128xf32, #tpu.memory_space<hbm>>) target_semaphore(%arg14 : memref<!tpu.dma_semaphore, #tpu.memory_space<semaphore_mem>>)
    %mul3A_919 = arith.constant 128 : i32
    %mul3A_920 = arith.muli %mul3A_2, %mul3A_919 : i32
    %add3A_921 = arith.constant 1408 : i32
    %add3A_922 = arith.addi %mul3A_920, %add3A_921 : i32
    %dma_wait3A_923 = arith.constant 4 : i32
    %dma_wait3A_924 = arith.constant 0 : i32
    %dma_wait3A_925 = arith.constant 0 : i32
    %dma_wait3A_926 = tpu.memref_slice %arg10[%dma_wait3A_923, %dma_wait3A_924, %dma_wait3A_925] : memref<7x128x128xf32, #tpu.memory_space<vmem>> -> memref<1x128x128xf32, #tpu.memory_space<vmem>>
    %dma_wait3A_927 = tpu.memref_squeeze %dma_wait3A_926 : memref<1x128x128xf32, #tpu.memory_space<vmem>> -> memref<128x128xf32, #tpu.memory_space<vmem>>
    %dma_wait3A_928 = arith.constant 0 : i32
    %dma_wait3A_929 = tpu.memref_slice %arg6[%add3A_922, %dma_wait3A_928] : memref<65536x128xf32, #tpu.memory_space<hbm>> -> memref<128x128xf32, #tpu.memory_space<hbm>>
    %dma_wait3A_930 = arith.constant 0 : i32
    %dma_wait3A_931 = tpu.memref_slice %arg6[%add3A_922, %dma_wait3A_930] : memref<65536x128xf32, #tpu.memory_space<hbm>> -> memref<128x128xf32, #tpu.memory_space<hbm>>
    %dma_wait3A_932 = arith.constant 0 : i32
    %dma_wait3A_933 = arith.constant 0 : i32
    %dma_wait3A_934 = tpu.memref_slice %arg10[%dma_wait3A_923, %dma_wait3A_932, %dma_wait3A_933] : memref<7x128x128xf32, #tpu.memory_space<vmem>> -> memref<1x128x128xf32, #tpu.memory_space<vmem>>
    %dma_wait3A_935 = tpu.memref_squeeze %dma_wait3A_934 : memref<1x128x128xf32, #tpu.memory_space<vmem>> -> memref<128x128xf32, #tpu.memory_space<vmem>>
    tpu.wait_dma2 semaphore(%arg14 : memref<!tpu.dma_semaphore, #tpu.memory_space<semaphore_mem>>) src(%dma_wait3A_935 : memref<128x128xf32, #tpu.memory_space<vmem>>) dst(%dma_wait3A_931 : memref<128x128xf32, #tpu.memory_space<hbm>>)
    %dma_wait3A_936 = arith.constant 0 : i32
    %dma_wait3A_937 = tpu.memref_slice %arg3[%dma_wait3A_936] : memref<32768xf32, #tpu.memory_space<hbm>> -> memref<2176xf32, #tpu.memory_space<hbm>>
    %dma_wait3A_938 = arith.constant 0 : i32
    %dma_wait3A_939 = tpu.memref_slice %arg3[%dma_wait3A_938] : memref<32768xf32, #tpu.memory_space<hbm>> -> memref<2176xf32, #tpu.memory_space<hbm>>
    tpu.wait_dma2 semaphore(%arg15 : memref<!tpu.dma_semaphore, #tpu.memory_space<semaphore_mem>>) src(%dma_wait3A_939 : memref<2176xf32, #tpu.memory_space<hbm>>) dst(%arg11 : memref<2176xf32, #tpu.memory_space<vmem>>)
    %slice3A_940 = vector.extract_strided_slice %sub3A {offsets = [0], sizes = [1], strides = [1]} : vector<16xi32> to vector<1xi32>
    %squeeze3A_941 = vector.extract %slice3A_940[0] : i32 from vector<1xi32>
    %add3A_942 = arith.constant 0 : i32
    %add3A_943 = arith.addi %add3A_942, %squeeze3A_941 : i32
    %get3A_944 = arith.index_cast %add3A_943 : i32 to index
    %get3A_945 = tpu.vector_load %arg11[%get3A_944] {strides = array<i32>} : memref<2176xf32, #tpu.memory_space<vmem>>, vector<16xf32>,
    %get3A_946 = vector.shape_cast %get3A_945 : vector<16xf32> to vector<16xf32>
    %swap3A = arith.constant 0 : index
    %swap3A_947 = tpu.vector_load %arg12[%swap3A] {strides = array<i32>} : memref<2048xf32, #tpu.memory_space<vmem>>, vector<16xf32>,
    %swap3A_948 = vector.shape_cast %swap3A_947 : vector<16xf32> to vector<16xf32>
    %swap3A_949 = vector.shape_cast %get3A_946 : vector<16xf32> to vector<16xf32>
    tpu.vector_store %arg12[%swap3A], %swap3A_949 {strides = array<i32>} : memref<2048xf32, #tpu.memory_space<vmem>>, vector<16xf32>,
    %add3A_950 = arith.constant 16 : i32
    %add3A_951 = arith.addi %add3A_950, %squeeze3A_941 : i32
    %get3A_952 = arith.index_cast %add3A_951 : i32 to index
    %get3A_953 = tpu.vector_load %arg11[%get3A_952] {strides = array<i32>} : memref<2176xf32, #tpu.memory_space<vmem>>, vector<16xf32>,
    %get3A_954 = vector.shape_cast %get3A_953 : vector<16xf32> to vector<16xf32>
    %swap3A_955 = arith.constant 16 : index
    %swap3A_956 = tpu.vector_load %arg12[%swap3A_955] {strides = array<i32>} : memref<2048xf32, #tpu.memory_space<vmem>>, vector<16xf32>,
    %swap3A_957 = vector.shape_cast %swap3A_956 : vector<16xf32> to vector<16xf32>
    %swap3A_958 = vector.shape_cast %get3A_954 : vector<16xf32> to vector<16xf32>
    tpu.vector_store %arg12[%swap3A_955], %swap3A_958 {strides = array<i32>} : memref<2048xf32, #tpu.memory_space<vmem>>, vector<16xf32>,
    %add3A_959 = arith.constant 32 : i32
    %add3A_960 = arith.addi %add3A_959, %squeeze3A_941 : i32
    %get3A_961 = arith.index_cast %add3A_960 : i32 to index
    %get3A_962 = tpu.vector_load %arg11[%get3A_961] {strides = array<i32>} : memref<2176xf32, #tpu.memory_space<vmem>>, vector<16xf32>,
    %get3A_963 = vector.shape_cast %get3A_962 : vector<16xf32> to vector<16xf32>
    %swap3A_964 = arith.constant 32 : index
    %swap3A_965 = tpu.vector_load %arg12[%swap3A_964] {strides = array<i32>} : memref<2048xf32, #tpu.memory_space<vmem>>, vector<16xf32>,
    %swap3A_966 = vector.shape_cast %swap3A_965 : vector<16xf32> to vector<16xf32>
    %swap3A_967 = vector.shape_cast %get3A_963 : vector<16xf32> to vector<16xf32>
    tpu.vector_store %arg12[%swap3A_964], %swap3A_967 {strides = array<i32>} : memref<2048xf32, #tpu.memory_space<vmem>>, vector<16xf32>,
    %add3A_968 = arith.constant 48 : i32
    %add3A_969 = arith.addi %add3A_968, %squeeze3A_941 : i32
    %get3A_970 = arith.index_cast %add3A_969 : i32 to index
    %get3A_971 = tpu.vector_load %arg11[%get3A_970] {strides = array<i32>} : memref<2176xf32, #tpu.memory_space<vmem>>, vector<16xf32>,
    %get3A_972 = vector.shape_cast %get3A_971 : vector<16xf32> to vector<16xf32>
    %swap3A_973 = arith.constant 48 : index
    %swap3A_974 = tpu.vector_load %arg12[%swap3A_973] {strides = array<i32>} : memref<2048xf32, #tpu.memory_space<vmem>>, vector<16xf32>,
    %swap3A_975 = vector.shape_cast %swap3A_974 : vector<16xf32> to vector<16xf32>
    %swap3A_976 = vector.shape_cast %get3A_972 : vector<16xf32> to vector<16xf32>
    tpu.vector_store %arg12[%swap3A_973], %swap3A_976 {strides = array<i32>} : memref<2048xf32, #tpu.memory_space<vmem>>, vector<16xf32>,
    %add3A_977 = arith.constant 64 : i32
    %add3A_978 = arith.addi %add3A_977, %squeeze3A_941 : i32
    %get3A_979 = arith.index_cast %add3A_978 : i32 to index
    %get3A_980 = tpu.vector_load %arg11[%get3A_979] {strides = array<i32>} : memref<2176xf32, #tpu.memory_space<vmem>>, vector<16xf32>,
    %get3A_981 = vector.shape_cast %get3A_980 : vector<16xf32> to vector<16xf32>
    %swap3A_982 = arith.constant 64 : index
    %swap3A_983 = tpu.vector_load %arg12[%swap3A_982] {strides = array<i32>} : memref<2048xf32, #tpu.memory_space<vmem>>, vector<16xf32>,
    %swap3A_984 = vector.shape_cast %swap3A_983 : vector<16xf32> to vector<16xf32>
    %swap3A_985 = vector.shape_cast %get3A_981 : vector<16xf32> to vector<16xf32>
    tpu.vector_store %arg12[%swap3A_982], %swap3A_985 {strides = array<i32>} : memref<2048xf32, #tpu.memory_space<vmem>>, vector<16xf32>,
    %add3A_986 = arith.constant 80 : i32
    %add3A_987 = arith.addi %add3A_986, %squeeze3A_941 : i32
    %get3A_988 = arith.index_cast %add3A_987 : i32 to index
    %get3A_989 = tpu.vector_load %arg11[%get3A_988] {strides = array<i32>} : memref<2176xf32, #tpu.memory_space<vmem>>, vector<16xf32>,
    %get3A_990 = vector.shape_cast %get3A_989 : vector<16xf32> to vector<16xf32>
    %swap3A_991 = arith.constant 80 : index
    %swap3A_992 = tpu.vector_load %arg12[%swap3A_991] {strides = array<i32>} : memref<2048xf32, #tpu.memory_space<vmem>>, vector<16xf32>,
    %swap3A_993 = vector.shape_cast %swap3A_992 : vector<16xf32> to vector<16xf32>
    %swap3A_994 = vector.shape_cast %get3A_990 : vector<16xf32> to vector<16xf32>
    tpu.vector_store %arg12[%swap3A_991], %swap3A_994 {strides = array<i32>} : memref<2048xf32, #tpu.memory_space<vmem>>, vector<16xf32>,
    %add3A_995 = arith.constant 96 : i32
    %add3A_996 = arith.addi %add3A_995, %squeeze3A_941 : i32
    %get3A_997 = arith.index_cast %add3A_996 : i32 to index
    %get3A_998 = tpu.vector_load %arg11[%get3A_997] {strides = array<i32>} : memref<2176xf32, #tpu.memory_space<vmem>>, vector<16xf32>,
    %get3A_999 = vector.shape_cast %get3A_998 : vector<16xf32> to vector<16xf32>
    %swap3A_1000 = arith.constant 96 : index
    %swap3A_1001 = tpu.vector_load %arg12[%swap3A_1000] {strides = array<i32>} : memref<2048xf32, #tpu.memory_space<vmem>>, vector<16xf32>,
    %swap3A_1002 = vector.shape_cast %swap3A_1001 : vector<16xf32> to vector<16xf32>
    %swap3A_1003 = vector.shape_cast %get3A_999 : vector<16xf32> to vector<16xf32>
    tpu.vector_store %arg12[%swap3A_1000], %swap3A_1003 {strides = array<i32>} : memref<2048xf32, #tpu.memory_space<vmem>>, vector<16xf32>,
    %add3A_1004 = arith.constant 112 : i32
    %add3A_1005 = arith.addi %add3A_1004, %squeeze3A_941 : i32
    %get3A_1006 = arith.index_cast %add3A_1005 : i32 to index
    %get3A_1007 = tpu.vector_load %arg11[%get3A_1006] {strides = array<i32>} : memref<2176xf32, #tpu.memory_space<vmem>>, vector<16xf32>,
    %get3A_1008 = vector.shape_cast %get3A_1007 : vector<16xf32> to vector<16xf32>
    %swap3A_1009 = arith.constant 112 : index
    %swap3A_1010 = tpu.vector_load %arg12[%swap3A_1009] {strides = array<i32>} : memref<2048xf32, #tpu.memory_space<vmem>>, vector<16xf32>,
    %swap3A_1011 = vector.shape_cast %swap3A_1010 : vector<16xf32> to vector<16xf32>
    %swap3A_1012 = vector.shape_cast %get3A_1008 : vector<16xf32> to vector<16xf32>
    tpu.vector_store %arg12[%swap3A_1009], %swap3A_1012 {strides = array<i32>} : memref<2048xf32, #tpu.memory_space<vmem>>, vector<16xf32>,
    %add3A_1013 = arith.constant 128 : i32
    %add3A_1014 = arith.addi %add3A_1013, %squeeze3A_941 : i32
    %get3A_1015 = arith.index_cast %add3A_1014 : i32 to index
    %get3A_1016 = tpu.vector_load %arg11[%get3A_1015] {strides = array<i32>} : memref<2176xf32, #tpu.memory_space<vmem>>, vector<16xf32>,
    %get3A_1017 = vector.shape_cast %get3A_1016 : vector<16xf32> to vector<16xf32>
    %swap3A_1018 = arith.constant 128 : index
    %swap3A_1019 = tpu.vector_load %arg12[%swap3A_1018] {strides = array<i32>} : memref<2048xf32, #tpu.memory_space<vmem>>, vector<16xf32>,
    %swap3A_1020 = vector.shape_cast %swap3A_1019 : vector<16xf32> to vector<16xf32>
    %swap3A_1021 = vector.shape_cast %get3A_1017 : vector<16xf32> to vector<16xf32>
    tpu.vector_store %arg12[%swap3A_1018], %swap3A_1021 {strides = array<i32>} : memref<2048xf32, #tpu.memory_space<vmem>>, vector<16xf32>,
    %add3A_1022 = arith.constant 144 : i32
    %add3A_1023 = arith.addi %add3A_1022, %squeeze3A_941 : i32
    %get3A_1024 = arith.index_cast %add3A_1023 : i32 to index
    %get3A_1025 = tpu.vector_load %arg11[%get3A_1024] {strides = array<i32>} : memref<2176xf32, #tpu.memory_space<vmem>>, vector<16xf32>,
    %get3A_1026 = vector.shape_cast %get3A_1025 : vector<16xf32> to vector<16xf32>
    %swap3A_1027 = arith.constant 144 : index
    %swap3A_1028 = tpu.vector_load %arg12[%swap3A_1027] {strides = array<i32>} : memref<2048xf32, #tpu.memory_space<vmem>>, vector<16xf32>,
    %swap3A_1029 = vector.shape_cast %swap3A_1028 : vector<16xf32> to vector<16xf32>
    %swap3A_1030 = vector.shape_cast %get3A_1026 : vector<16xf32> to vector<16xf32>
    tpu.vector_store %arg12[%swap3A_1027], %swap3A_1030 {strides = array<i32>} : memref<2048xf32, #tpu.memory_space<vmem>>, vector<16xf32>,
    %add3A_1031 = arith.constant 160 : i32
    %add3A_1032 = arith.addi %add3A_1031, %squeeze3A_941 : i32
    %get3A_1033 = arith.index_cast %add3A_1032 : i32 to index
    %get3A_1034 = tpu.vector_load %arg11[%get3A_1033] {strides = array<i32>} : memref<2176xf32, #tpu.memory_space<vmem>>, vector<16xf32>,
    %get3A_1035 = vector.shape_cast %get3A_1034 : vector<16xf32> to vector<16xf32>
    %swap3A_1036 = arith.constant 160 : index
    %swap3A_1037 = tpu.vector_load %arg12[%swap3A_1036] {strides = array<i32>} : memref<2048xf32, #tpu.memory_space<vmem>>, vector<16xf32>,
    %swap3A_1038 = vector.shape_cast %swap3A_1037 : vector<16xf32> to vector<16xf32>
    %swap3A_1039 = vector.shape_cast %get3A_1035 : vector<16xf32> to vector<16xf32>
    tpu.vector_store %arg12[%swap3A_1036], %swap3A_1039 {strides = array<i32>} : memref<2048xf32, #tpu.memory_space<vmem>>, vector<16xf32>,
    %add3A_1040 = arith.constant 176 : i32
    %add3A_1041 = arith.addi %add3A_1040, %squeeze3A_941 : i32
    %get3A_1042 = arith.index_cast %add3A_1041 : i32 to index
    %get3A_1043 = tpu.vector_load %arg11[%get3A_1042] {strides = array<i32>} : memref<2176xf32, #tpu.memory_space<vmem>>, vector<16xf32>,
    %get3A_1044 = vector.shape_cast %get3A_1043 : vector<16xf32> to vector<16xf32>
    %swap3A_1045 = arith.constant 176 : index
    %swap3A_1046 = tpu.vector_load %arg12[%swap3A_1045] {strides = array<i32>} : memref<2048xf32, #tpu.memory_space<vmem>>, vector<16xf32>,
    %swap3A_1047 = vector.shape_cast %swap3A_1046 : vector<16xf32> to vector<16xf32>
    %swap3A_1048 = vector.shape_cast %get3A_1044 : vector<16xf32> to vector<16xf32>
    tpu.vector_store %arg12[%swap3A_1045], %swap3A_1048 {strides = array<i32>} : memref<2048xf32, #tpu.memory_space<vmem>>, vector<16xf32>,
    %add3A_1049 = arith.constant 192 : i32
    %add3A_1050 = arith.addi %add3A_1049, %squeeze3A_941 : i32
    %get3A_1051 = arith.index_cast %add3A_1050 : i32 to index
    %get3A_1052 = tpu.vector_load %arg11[%get3A_1051] {strides = array<i32>} : memref<2176xf32, #tpu.memory_space<vmem>>, vector<16xf32>,
    %get3A_1053 = vector.shape_cast %get3A_1052 : vector<16xf32> to vector<16xf32>
    %swap3A_1054 = arith.constant 192 : index
    %swap3A_1055 = tpu.vector_load %arg12[%swap3A_1054] {strides = array<i32>} : memref<2048xf32, #tpu.memory_space<vmem>>, vector<16xf32>,
    %swap3A_1056 = vector.shape_cast %swap3A_1055 : vector<16xf32> to vector<16xf32>
    %swap3A_1057 = vector.shape_cast %get3A_1053 : vector<16xf32> to vector<16xf32>
    tpu.vector_store %arg12[%swap3A_1054], %swap3A_1057 {strides = array<i32>} : memref<2048xf32, #tpu.memory_space<vmem>>, vector<16xf32>,
    %add3A_1058 = arith.constant 208 : i32
    %add3A_1059 = arith.addi %add3A_1058, %squeeze3A_941 : i32
    %get3A_1060 = arith.index_cast %add3A_1059 : i32 to index
    %get3A_1061 = tpu.vector_load %arg11[%get3A_1060] {strides = array<i32>} : memref<2176xf32, #tpu.memory_space<vmem>>, vector<16xf32>,
    %get3A_1062 = vector.shape_cast %get3A_1061 : vector<16xf32> to vector<16xf32>
    %swap3A_1063 = arith.constant 208 : index
    %swap3A_1064 = tpu.vector_load %arg12[%swap3A_1063] {strides = array<i32>} : memref<2048xf32, #tpu.memory_space<vmem>>, vector<16xf32>,
    %swap3A_1065 = vector.shape_cast %swap3A_1064 : vector<16xf32> to vector<16xf32>
    %swap3A_1066 = vector.shape_cast %get3A_1062 : vector<16xf32> to vector<16xf32>
    tpu.vector_store %arg12[%swap3A_1063], %swap3A_1066 {strides = array<i32>} : memref<2048xf32, #tpu.memory_space<vmem>>, vector<16xf32>,
    %add3A_1067 = arith.constant 224 : i32
    %add3A_1068 = arith.addi %add3A_1067, %squeeze3A_941 : i32
    %get3A_1069 = arith.index_cast %add3A_1068 : i32 to index
    %get3A_1070 = tpu.vector_load %arg11[%get3A_1069] {strides = array<i32>} : memref<2176xf32, #tpu.memory_space<vmem>>, vector<16xf32>,
    %get3A_1071 = vector.shape_cast %get3A_1070 : vector<16xf32> to vector<16xf32>
    %swap3A_1072 = arith.constant 224 : index
    %swap3A_1073 = tpu.vector_load %arg12[%swap3A_1072] {strides = array<i32>} : memref<2048xf32, #tpu.memory_space<vmem>>, vector<16xf32>,
    %swap3A_1074 = vector.shape_cast %swap3A_1073 : vector<16xf32> to vector<16xf32>
    %swap3A_1075 = vector.shape_cast %get3A_1071 : vector<16xf32> to vector<16xf32>
    tpu.vector_store %arg12[%swap3A_1072], %swap3A_1075 {strides = array<i32>} : memref<2048xf32, #tpu.memory_space<vmem>>, vector<16xf32>,
    %add3A_1076 = arith.constant 240 : i32
    %add3A_1077 = arith.addi %add3A_1076, %squeeze3A_941 : i32
    %get3A_1078 = arith.index_cast %add3A_1077 : i32 to index
    %get3A_1079 = tpu.vector_load %arg11[%get3A_1078] {strides = array<i32>} : memref<2176xf32, #tpu.memory_space<vmem>>, vector<16xf32>,
    %get3A_1080 = vector.shape_cast %get3A_1079 : vector<16xf32> to vector<16xf32>
    %swap3A_1081 = arith.constant 240 : index
    %swap3A_1082 = tpu.vector_load %arg12[%swap3A_1081] {strides = array<i32>} : memref<2048xf32, #tpu.memory_space<vmem>>, vector<16xf32>,
    %swap3A_1083 = vector.shape_cast %swap3A_1082 : vector<16xf32> to vector<16xf32>
    %swap3A_1084 = vector.shape_cast %get3A_1080 : vector<16xf32> to vector<16xf32>
    tpu.vector_store %arg12[%swap3A_1081], %swap3A_1084 {strides = array<i32>} : memref<2048xf32, #tpu.memory_space<vmem>>, vector<16xf32>,
    %slice3A_1085 = vector.extract_strided_slice %sub3A {offsets = [1], sizes = [1], strides = [1]} : vector<16xi32> to vector<1xi32>
    %squeeze3A_1086 = vector.extract %slice3A_1085[0] : i32 from vector<1xi32>
    %add3A_1087 = arith.constant 272 : i32
    %add3A_1088 = arith.addi %add3A_1087, %squeeze3A_1086 : i32
    %get3A_1089 = arith.index_cast %add3A_1088 : i32 to index
    %get3A_1090 = tpu.vector_load %arg11[%get3A_1089] {strides = array<i32>} : memref<2176xf32, #tpu.memory_space<vmem>>, vector<16xf32>,
    %get3A_1091 = vector.shape_cast %get3A_1090 : vector<16xf32> to vector<16xf32>
    %swap3A_1092 = arith.constant 256 : index
    %swap3A_1093 = tpu.vector_load %arg12[%swap3A_1092] {strides = array<i32>} : memref<2048xf32, #tpu.memory_space<vmem>>, vector<16xf32>,
    %swap3A_1094 = vector.shape_cast %swap3A_1093 : vector<16xf32> to vector<16xf32>
    %swap3A_1095 = vector.shape_cast %get3A_1091 : vector<16xf32> to vector<16xf32>
    tpu.vector_store %arg12[%swap3A_1092], %swap3A_1095 {strides = array<i32>} : memref<2048xf32, #tpu.memory_space<vmem>>, vector<16xf32>,
    %add3A_1096 = arith.constant 288 : i32
    %add3A_1097 = arith.addi %add3A_1096, %squeeze3A_1086 : i32
    %get3A_1098 = arith.index_cast %add3A_1097 : i32 to index
    %get3A_1099 = tpu.vector_load %arg11[%get3A_1098] {strides = array<i32>} : memref<2176xf32, #tpu.memory_space<vmem>>, vector<16xf32>,
    %get3A_1100 = vector.shape_cast %get3A_1099 : vector<16xf32> to vector<16xf32>
    %swap3A_1101 = arith.constant 272 : index
    %swap3A_1102 = tpu.vector_load %arg12[%swap3A_1101] {strides = array<i32>} : memref<2048xf32, #tpu.memory_space<vmem>>, vector<16xf32>,
    %swap3A_1103 = vector.shape_cast %swap3A_1102 : vector<16xf32> to vector<16xf32>
    %swap3A_1104 = vector.shape_cast %get3A_1100 : vector<16xf32> to vector<16xf32>
    tpu.vector_store %arg12[%swap3A_1101], %swap3A_1104 {strides = array<i32>} : memref<2048xf32, #tpu.memory_space<vmem>>, vector<16xf32>,
    %add3A_1105 = arith.constant 304 : i32
    %add3A_1106 = arith.addi %add3A_1105, %squeeze3A_1086 : i32
    %get3A_1107 = arith.index_cast %add3A_1106 : i32 to index
    %get3A_1108 = tpu.vector_load %arg11[%get3A_1107] {strides = array<i32>} : memref<2176xf32, #tpu.memory_space<vmem>>, vector<16xf32>,
    %get3A_1109 = vector.shape_cast %get3A_1108 : vector<16xf32> to vector<16xf32>
    %swap3A_1110 = arith.constant 288 : index
    %swap3A_1111 = tpu.vector_load %arg12[%swap3A_1110] {strides = array<i32>} : memref<2048xf32, #tpu.memory_space<vmem>>, vector<16xf32>,
    %swap3A_1112 = vector.shape_cast %swap3A_1111 : vector<16xf32> to vector<16xf32>
    %swap3A_1113 = vector.shape_cast %get3A_1109 : vector<16xf32> to vector<16xf32>
    tpu.vector_store %arg12[%swap3A_1110], %swap3A_1113 {strides = array<i32>} : memref<2048xf32, #tpu.memory_space<vmem>>, vector<16xf32>,
    %add3A_1114 = arith.constant 320 : i32
    %add3A_1115 = arith.addi %add3A_1114, %squeeze3A_1086 : i32
    %get3A_1116 = arith.index_cast %add3A_1115 : i32 to index
    %get3A_1117 = tpu.vector_load %arg11[%get3A_1116] {strides = array<i32>} : memref<2176xf32, #tpu.memory_space<vmem>>, vector<16xf32>,
    %get3A_1118 = vector.shape_cast %get3A_1117 : vector<16xf32> to vector<16xf32>
    %swap3A_1119 = arith.constant 304 : index
    %swap3A_1120 = tpu.vector_load %arg12[%swap3A_1119] {strides = array<i32>} : memref<2048xf32, #tpu.memory_space<vmem>>, vector<16xf32>,
    %swap3A_1121 = vector.shape_cast %swap3A_1120 : vector<16xf32> to vector<16xf32>
    %swap3A_1122 = vector.shape_cast %get3A_1118 : vector<16xf32> to vector<16xf32>
    tpu.vector_store %arg12[%swap3A_1119], %swap3A_1122 {strides = array<i32>} : memref<2048xf32, #tpu.memory_space<vmem>>, vector<16xf32>,
    %add3A_1123 = arith.constant 336 : i32
    %add3A_1124 = arith.addi %add3A_1123, %squeeze3A_1086 : i32
    %get3A_1125 = arith.index_cast %add3A_1124 : i32 to index
    %get3A_1126 = tpu.vector_load %arg11[%get3A_1125] {strides = array<i32>} : memref<2176xf32, #tpu.memory_space<vmem>>, vector<16xf32>,
    %get3A_1127 = vector.shape_cast %get3A_1126 : vector<16xf32> to vector<16xf32>
    %swap3A_1128 = arith.constant 320 : index
    %swap3A_1129 = tpu.vector_load %arg12[%swap3A_1128] {strides = array<i32>} : memref<2048xf32, #tpu.memory_space<vmem>>, vector<16xf32>,
    %swap3A_1130 = vector.shape_cast %swap3A_1129 : vector<16xf32> to vector<16xf32>
    %swap3A_1131 = vector.shape_cast %get3A_1127 : vector<16xf32> to vector<16xf32>
    tpu.vector_store %arg12[%swap3A_1128], %swap3A_1131 {strides = array<i32>} : memref<2048xf32, #tpu.memory_space<vmem>>, vector<16xf32>,
    %add3A_1132 = arith.constant 352 : i32
    %add3A_1133 = arith.addi %add3A_1132, %squeeze3A_1086 : i32
    %get3A_1134 = arith.index_cast %add3A_1133 : i32 to index
    %get3A_1135 = tpu.vector_load %arg11[%get3A_1134] {strides = array<i32>} : memref<2176xf32, #tpu.memory_space<vmem>>, vector<16xf32>,
    %get3A_1136 = vector.shape_cast %get3A_1135 : vector<16xf32> to vector<16xf32>
    %swap3A_1137 = arith.constant 336 : index
    %swap3A_1138 = tpu.vector_load %arg12[%swap3A_1137] {strides = array<i32>} : memref<2048xf32, #tpu.memory_space<vmem>>, vector<16xf32>,
    %swap3A_1139 = vector.shape_cast %swap3A_1138 : vector<16xf32> to vector<16xf32>
    %swap3A_1140 = vector.shape_cast %get3A_1136 : vector<16xf32> to vector<16xf32>
    tpu.vector_store %arg12[%swap3A_1137], %swap3A_1140 {strides = array<i32>} : memref<2048xf32, #tpu.memory_space<vmem>>, vector<16xf32>,
    %add3A_1141 = arith.constant 368 : i32
    %add3A_1142 = arith.addi %add3A_1141, %squeeze3A_1086 : i32
    %get3A_1143 = arith.index_cast %add3A_1142 : i32 to index
    %get3A_1144 = tpu.vector_load %arg11[%get3A_1143] {strides = array<i32>} : memref<2176xf32, #tpu.memory_space<vmem>>, vector<16xf32>,
    %get3A_1145 = vector.shape_cast %get3A_1144 : vector<16xf32> to vector<16xf32>
    %swap3A_1146 = arith.constant 352 : index
    %swap3A_1147 = tpu.vector_load %arg12[%swap3A_1146] {strides = array<i32>} : memref<2048xf32, #tpu.memory_space<vmem>>, vector<16xf32>,
    %swap3A_1148 = vector.shape_cast %swap3A_1147 : vector<16xf32> to vector<16xf32>
    %swap3A_1149 = vector.shape_cast %get3A_1145 : vector<16xf32> to vector<16xf32>
    tpu.vector_store %arg12[%swap3A_1146], %swap3A_1149 {strides = array<i32>} : memref<2048xf32, #tpu.memory_space<vmem>>, vector<16xf32>,
    %add3A_1150 = arith.constant 384 : i32
    %add3A_1151 = arith.addi %add3A_1150, %squeeze3A_1086 : i32
    %get3A_1152 = arith.index_cast %add3A_1151 : i32 to index
    %get3A_1153 = tpu.vector_load %arg11[%get3A_1152] {strides = array<i32>} : memref<2176xf32, #tpu.memory_space<vmem>>, vector<16xf32>,
    %get3A_1154 = vector.shape_cast %get3A_1153 : vector<16xf32> to vector<16xf32>
    %swap3A_1155 = arith.constant 368 : index
    %swap3A_1156 = tpu.vector_load %arg12[%swap3A_1155] {strides = array<i32>} : memref<2048xf32, #tpu.memory_space<vmem>>, vector<16xf32>,
    %swap3A_1157 = vector.shape_cast %swap3A_1156 : vector<16xf32> to vector<16xf32>
    %swap3A_1158 = vector.shape_cast %get3A_1154 : vector<16xf32> to vector<16xf32>
    tpu.vector_store %arg12[%swap3A_1155], %swap3A_1158 {strides = array<i32>} : memref<2048xf32, #tpu.memory_space<vmem>>, vector<16xf32>,
    %add3A_1159 = arith.constant 400 : i32
    %add3A_1160 = arith.addi %add3A_1159, %squeeze3A_1086 : i32
    %get3A_1161 = arith.index_cast %add3A_1160 : i32 to index
    %get3A_1162 = tpu.vector_load %arg11[%get3A_1161] {strides = array<i32>} : memref<2176xf32, #tpu.memory_space<vmem>>, vector<16xf32>,
    %get3A_1163 = vector.shape_cast %get3A_1162 : vector<16xf32> to vector<16xf32>
    %swap3A_1164 = arith.constant 384 : index
    %swap3A_1165 = tpu.vector_load %arg12[%swap3A_1164] {strides = array<i32>} : memref<2048xf32, #tpu.memory_space<vmem>>, vector<16xf32>,
    %swap3A_1166 = vector.shape_cast %swap3A_1165 : vector<16xf32> to vector<16xf32>
    %swap3A_1167 = vector.shape_cast %get3A_1163 : vector<16xf32> to vector<16xf32>
    tpu.vector_store %arg12[%swap3A_1164], %swap3A_1167 {strides = array<i32>} : memref<2048xf32, #tpu.memory_space<vmem>>, vector<16xf32>,
    %add3A_1168 = arith.constant 416 : i32
    %add3A_1169 = arith.addi %add3A_1168, %squeeze3A_1086 : i32
    %get3A_1170 = arith.index_cast %add3A_1169 : i32 to index
    %get3A_1171 = tpu.vector_load %arg11[%get3A_1170] {strides = array<i32>} : memref<2176xf32, #tpu.memory_space<vmem>>, vector<16xf32>,
    %get3A_1172 = vector.shape_cast %get3A_1171 : vector<16xf32> to vector<16xf32>
    %swap3A_1173 = arith.constant 400 : index
    %swap3A_1174 = tpu.vector_load %arg12[%swap3A_1173] {strides = array<i32>} : memref<2048xf32, #tpu.memory_space<vmem>>, vector<16xf32>,
    %swap3A_1175 = vector.shape_cast %swap3A_1174 : vector<16xf32> to vector<16xf32>
    %swap3A_1176 = vector.shape_cast %get3A_1172 : vector<16xf32> to vector<16xf32>
    tpu.vector_store %arg12[%swap3A_1173], %swap3A_1176 {strides = array<i32>} : memref<2048xf32, #tpu.memory_space<vmem>>, vector<16xf32>,
    %add3A_1177 = arith.constant 432 : i32
    %add3A_1178 = arith.addi %add3A_1177, %squeeze3A_1086 : i32
    %get3A_1179 = arith.index_cast %add3A_1178 : i32 to index
    %get3A_1180 = tpu.vector_load %arg11[%get3A_1179] {strides = array<i32>} : memref<2176xf32, #tpu.memory_space<vmem>>, vector<16xf32>,
    %get3A_1181 = vector.shape_cast %get3A_1180 : vector<16xf32> to vector<16xf32>
    %swap3A_1182 = arith.constant 416 : index
    %swap3A_1183 = tpu.vector_load %arg12[%swap3A_1182] {strides = array<i32>} : memref<2048xf32, #tpu.memory_space<vmem>>, vector<16xf32>,
    %swap3A_1184 = vector.shape_cast %swap3A_1183 : vector<16xf32> to vector<16xf32>
    %swap3A_1185 = vector.shape_cast %get3A_1181 : vector<16xf32> to vector<16xf32>
    tpu.vector_store %arg12[%swap3A_1182], %swap3A_1185 {strides = array<i32>} : memref<2048xf32, #tpu.memory_space<vmem>>, vector<16xf32>,
    %add3A_1186 = arith.constant 448 : i32
    %add3A_1187 = arith.addi %add3A_1186, %squeeze3A_1086 : i32
    %get3A_1188 = arith.index_cast %add3A_1187 : i32 to index
    %get3A_1189 = tpu.vector_load %arg11[%get3A_1188] {strides = array<i32>} : memref<2176xf32, #tpu.memory_space<vmem>>, vector<16xf32>,
    %get3A_1190 = vector.shape_cast %get3A_1189 : vector<16xf32> to vector<16xf32>
    %swap3A_1191 = arith.constant 432 : index
    %swap3A_1192 = tpu.vector_load %arg12[%swap3A_1191] {strides = array<i32>} : memref<2048xf32, #tpu.memory_space<vmem>>, vector<16xf32>,
    %swap3A_1193 = vector.shape_cast %swap3A_1192 : vector<16xf32> to vector<16xf32>
    %swap3A_1194 = vector.shape_cast %get3A_1190 : vector<16xf32> to vector<16xf32>
    tpu.vector_store %arg12[%swap3A_1191], %swap3A_1194 {strides = array<i32>} : memref<2048xf32, #tpu.memory_space<vmem>>, vector<16xf32>,
    %add3A_1195 = arith.constant 464 : i32
    %add3A_1196 = arith.addi %add3A_1195, %squeeze3A_1086 : i32
    %get3A_1197 = arith.index_cast %add3A_1196 : i32 to index
    %get3A_1198 = tpu.vector_load %arg11[%get3A_1197] {strides = array<i32>} : memref<2176xf32, #tpu.memory_space<vmem>>, vector<16xf32>,
    %get3A_1199 = vector.shape_cast %get3A_1198 : vector<16xf32> to vector<16xf32>
    %swap3A_1200 = arith.constant 448 : index
    %swap3A_1201 = tpu.vector_load %arg12[%swap3A_1200] {strides = array<i32>} : memref<2048xf32, #tpu.memory_space<vmem>>, vector<16xf32>,
    %swap3A_1202 = vector.shape_cast %swap3A_1201 : vector<16xf32> to vector<16xf32>
    %swap3A_1203 = vector.shape_cast %get3A_1199 : vector<16xf32> to vector<16xf32>
    tpu.vector_store %arg12[%swap3A_1200], %swap3A_1203 {strides = array<i32>} : memref<2048xf32, #tpu.memory_space<vmem>>, vector<16xf32>,
    %add3A_1204 = arith.constant 480 : i32
    %add3A_1205 = arith.addi %add3A_1204, %squeeze3A_1086 : i32
    %get3A_1206 = arith.index_cast %add3A_1205 : i32 to index
    %get3A_1207 = tpu.vector_load %arg11[%get3A_1206] {strides = array<i32>} : memref<2176xf32, #tpu.memory_space<vmem>>, vector<16xf32>,
    %get3A_1208 = vector.shape_cast %get3A_1207 : vector<16xf32> to vector<16xf32>
    %swap3A_1209 = arith.constant 464 : index
    %swap3A_1210 = tpu.vector_load %arg12[%swap3A_1209] {strides = array<i32>} : memref<2048xf32, #tpu.memory_space<vmem>>, vector<16xf32>,
    %swap3A_1211 = vector.shape_cast %swap3A_1210 : vector<16xf32> to vector<16xf32>
    %swap3A_1212 = vector.shape_cast %get3A_1208 : vector<16xf32> to vector<16xf32>
    tpu.vector_store %arg12[%swap3A_1209], %swap3A_1212 {strides = array<i32>} : memref<2048xf32, #tpu.memory_space<vmem>>, vector<16xf32>,
    %add3A_1213 = arith.constant 496 : i32
    %add3A_1214 = arith.addi %add3A_1213, %squeeze3A_1086 : i32
    %get3A_1215 = arith.index_cast %add3A_1214 : i32 to index
    %get3A_1216 = tpu.vector_load %arg11[%get3A_1215] {strides = array<i32>} : memref<2176xf32, #tpu.memory_space<vmem>>, vector<16xf32>,
    %get3A_1217 = vector.shape_cast %get3A_1216 : vector<16xf32> to vector<16xf32>
    %swap3A_1218 = arith.constant 480 : index
    %swap3A_1219 = tpu.vector_load %arg12[%swap3A_1218] {strides = array<i32>} : memref<2048xf32, #tpu.memory_space<vmem>>, vector<16xf32>,
    %swap3A_1220 = vector.shape_cast %swap3A_1219 : vector<16xf32> to vector<16xf32>
    %swap3A_1221 = vector.shape_cast %get3A_1217 : vector<16xf32> to vector<16xf32>
    tpu.vector_store %arg12[%swap3A_1218], %swap3A_1221 {strides = array<i32>} : memref<2048xf32, #tpu.memory_space<vmem>>, vector<16xf32>,
    %add3A_1222 = arith.constant 512 : i32
    %add3A_1223 = arith.addi %add3A_1222, %squeeze3A_1086 : i32
    %get3A_1224 = arith.index_cast %add3A_1223 : i32 to index
    %get3A_1225 = tpu.vector_load %arg11[%get3A_1224] {strides = array<i32>} : memref<2176xf32, #tpu.memory_space<vmem>>, vector<16xf32>,
    %get3A_1226 = vector.shape_cast %get3A_1225 : vector<16xf32> to vector<16xf32>
    %swap3A_1227 = arith.constant 496 : index
    %swap3A_1228 = tpu.vector_load %arg12[%swap3A_1227] {strides = array<i32>} : memref<2048xf32, #tpu.memory_space<vmem>>, vector<16xf32>,
    %swap3A_1229 = vector.shape_cast %swap3A_1228 : vector<16xf32> to vector<16xf32>
    %swap3A_1230 = vector.shape_cast %get3A_1226 : vector<16xf32> to vector<16xf32>
    tpu.vector_store %arg12[%swap3A_1227], %swap3A_1230 {strides = array<i32>} : memref<2048xf32, #tpu.memory_space<vmem>>, vector<16xf32>,
    %slice3A_1231 = vector.extract_strided_slice %sub3A {offsets = [2], sizes = [1], strides = [1]} : vector<16xi32> to vector<1xi32>
    %squeeze3A_1232 = vector.extract %slice3A_1231[0] : i32 from vector<1xi32>
    %add3A_1233 = arith.constant 544 : i32
    %add3A_1234 = arith.addi %add3A_1233, %squeeze3A_1232 : i32
    %get3A_1235 = arith.index_cast %add3A_1234 : i32 to index
    %get3A_1236 = tpu.vector_load %arg11[%get3A_1235] {strides = array<i32>} : memref<2176xf32, #tpu.memory_space<vmem>>, vector<16xf32>,
    %get3A_1237 = vector.shape_cast %get3A_1236 : vector<16xf32> to vector<16xf32>
    %swap3A_1238 = arith.constant 512 : index
    %swap3A_1239 = tpu.vector_load %arg12[%swap3A_1238] {strides = array<i32>} : memref<2048xf32, #tpu.memory_space<vmem>>, vector<16xf32>,
    %swap3A_1240 = vector.shape_cast %swap3A_1239 : vector<16xf32> to vector<16xf32>
    %swap3A_1241 = vector.shape_cast %get3A_1237 : vector<16xf32> to vector<16xf32>
    tpu.vector_store %arg12[%swap3A_1238], %swap3A_1241 {strides = array<i32>} : memref<2048xf32, #tpu.memory_space<vmem>>, vector<16xf32>,
    %add3A_1242 = arith.constant 560 : i32
    %add3A_1243 = arith.addi %add3A_1242, %squeeze3A_1232 : i32
    %get3A_1244 = arith.index_cast %add3A_1243 : i32 to index
    %get3A_1245 = tpu.vector_load %arg11[%get3A_1244] {strides = array<i32>} : memref<2176xf32, #tpu.memory_space<vmem>>, vector<16xf32>,
    %get3A_1246 = vector.shape_cast %get3A_1245 : vector<16xf32> to vector<16xf32>
    %swap3A_1247 = arith.constant 528 : index
    %swap3A_1248 = tpu.vector_load %arg12[%swap3A_1247] {strides = array<i32>} : memref<2048xf32, #tpu.memory_space<vmem>>, vector<16xf32>,
    %swap3A_1249 = vector.shape_cast %swap3A_1248 : vector<16xf32> to vector<16xf32>
    %swap3A_1250 = vector.shape_cast %get3A_1246 : vector<16xf32> to vector<16xf32>
    tpu.vector_store %arg12[%swap3A_1247], %swap3A_1250 {strides = array<i32>} : memref<2048xf32, #tpu.memory_space<vmem>>, vector<16xf32>,
    %add3A_1251 = arith.constant 576 : i32
    %add3A_1252 = arith.addi %add3A_1251, %squeeze3A_1232 : i32
    %get3A_1253 = arith.index_cast %add3A_1252 : i32 to index
    %get3A_1254 = tpu.vector_load %arg11[%get3A_1253] {strides = array<i32>} : memref<2176xf32, #tpu.memory_space<vmem>>, vector<16xf32>,
    %get3A_1255 = vector.shape_cast %get3A_1254 : vector<16xf32> to vector<16xf32>
    %swap3A_1256 = arith.constant 544 : index
    %swap3A_1257 = tpu.vector_load %arg12[%swap3A_1256] {strides = array<i32>} : memref<2048xf32, #tpu.memory_space<vmem>>, vector<16xf32>,
    %swap3A_1258 = vector.shape_cast %swap3A_1257 : vector<16xf32> to vector<16xf32>
    %swap3A_1259 = vector.shape_cast %get3A_1255 : vector<16xf32> to vector<16xf32>
    tpu.vector_store %arg12[%swap3A_1256], %swap3A_1259 {strides = array<i32>} : memref<2048xf32, #tpu.memory_space<vmem>>, vector<16xf32>,
    %add3A_1260 = arith.constant 592 : i32
    %add3A_1261 = arith.addi %add3A_1260, %squeeze3A_1232 : i32
    %get3A_1262 = arith.index_cast %add3A_1261 : i32 to index
    %get3A_1263 = tpu.vector_load %arg11[%get3A_1262] {strides = array<i32>} : memref<2176xf32, #tpu.memory_space<vmem>>, vector<16xf32>,
    %get3A_1264 = vector.shape_cast %get3A_1263 : vector<16xf32> to vector<16xf32>
    %swap3A_1265 = arith.constant 560 : index
    %swap3A_1266 = tpu.vector_load %arg12[%swap3A_1265] {strides = array<i32>} : memref<2048xf32, #tpu.memory_space<vmem>>, vector<16xf32>,
    %swap3A_1267 = vector.shape_cast %swap3A_1266 : vector<16xf32> to vector<16xf32>
    %swap3A_1268 = vector.shape_cast %get3A_1264 : vector<16xf32> to vector<16xf32>
    tpu.vector_store %arg12[%swap3A_1265], %swap3A_1268 {strides = array<i32>} : memref<2048xf32, #tpu.memory_space<vmem>>, vector<16xf32>,
    %add3A_1269 = arith.constant 608 : i32
    %add3A_1270 = arith.addi %add3A_1269, %squeeze3A_1232 : i32
    %get3A_1271 = arith.index_cast %add3A_1270 : i32 to index
    %get3A_1272 = tpu.vector_load %arg11[%get3A_1271] {strides = array<i32>} : memref<2176xf32, #tpu.memory_space<vmem>>, vector<16xf32>,
    %get3A_1273 = vector.shape_cast %get3A_1272 : vector<16xf32> to vector<16xf32>
    %swap3A_1274 = arith.constant 576 : index
    %swap3A_1275 = tpu.vector_load %arg12[%swap3A_1274] {strides = array<i32>} : memref<2048xf32, #tpu.memory_space<vmem>>, vector<16xf32>,
    %swap3A_1276 = vector.shape_cast %swap3A_1275 : vector<16xf32> to vector<16xf32>
    %swap3A_1277 = vector.shape_cast %get3A_1273 : vector<16xf32> to vector<16xf32>
    tpu.vector_store %arg12[%swap3A_1274], %swap3A_1277 {strides = array<i32>} : memref<2048xf32, #tpu.memory_space<vmem>>, vector<16xf32>,
    %add3A_1278 = arith.constant 624 : i32
    %add3A_1279 = arith.addi %add3A_1278, %squeeze3A_1232 : i32
    %get3A_1280 = arith.index_cast %add3A_1279 : i32 to index
    %get3A_1281 = tpu.vector_load %arg11[%get3A_1280] {strides = array<i32>} : memref<2176xf32, #tpu.memory_space<vmem>>, vector<16xf32>,
    %get3A_1282 = vector.shape_cast %get3A_1281 : vector<16xf32> to vector<16xf32>
    %swap3A_1283 = arith.constant 592 : index
    %swap3A_1284 = tpu.vector_load %arg12[%swap3A_1283] {strides = array<i32>} : memref<2048xf32, #tpu.memory_space<vmem>>, vector<16xf32>,
    %swap3A_1285 = vector.shape_cast %swap3A_1284 : vector<16xf32> to vector<16xf32>
    %swap3A_1286 = vector.shape_cast %get3A_1282 : vector<16xf32> to vector<16xf32>
    tpu.vector_store %arg12[%swap3A_1283], %swap3A_1286 {strides = array<i32>} : memref<2048xf32, #tpu.memory_space<vmem>>, vector<16xf32>,
    %add3A_1287 = arith.constant 640 : i32
    %add3A_1288 = arith.addi %add3A_1287, %squeeze3A_1232 : i32
    %get3A_1289 = arith.index_cast %add3A_1288 : i32 to index
    %get3A_1290 = tpu.vector_load %arg11[%get3A_1289] {strides = array<i32>} : memref<2176xf32, #tpu.memory_space<vmem>>, vector<16xf32>,
    %get3A_1291 = vector.shape_cast %get3A_1290 : vector<16xf32> to vector<16xf32>
    %swap3A_1292 = arith.constant 608 : index
    %swap3A_1293 = tpu.vector_load %arg12[%swap3A_1292] {strides = array<i32>} : memref<2048xf32, #tpu.memory_space<vmem>>, vector<16xf32>,
    %swap3A_1294 = vector.shape_cast %swap3A_1293 : vector<16xf32> to vector<16xf32>
    %swap3A_1295 = vector.shape_cast %get3A_1291 : vector<16xf32> to vector<16xf32>
    tpu.vector_store %arg12[%swap3A_1292], %swap3A_1295 {strides = array<i32>} : memref<2048xf32, #tpu.memory_space<vmem>>, vector<16xf32>,
    %add3A_1296 = arith.constant 656 : i32
    %add3A_1297 = arith.addi %add3A_1296, %squeeze3A_1232 : i32
    %get3A_1298 = arith.index_cast %add3A_1297 : i32 to index
    %get3A_1299 = tpu.vector_load %arg11[%get3A_1298] {strides = array<i32>} : memref<2176xf32, #tpu.memory_space<vmem>>, vector<16xf32>,
    %get3A_1300 = vector.shape_cast %get3A_1299 : vector<16xf32> to vector<16xf32>
    %swap3A_1301 = arith.constant 624 : index
    %swap3A_1302 = tpu.vector_load %arg12[%swap3A_1301] {strides = array<i32>} : memref<2048xf32, #tpu.memory_space<vmem>>, vector<16xf32>,
    %swap3A_1303 = vector.shape_cast %swap3A_1302 : vector<16xf32> to vector<16xf32>
    %swap3A_1304 = vector.shape_cast %get3A_1300 : vector<16xf32> to vector<16xf32>
    tpu.vector_store %arg12[%swap3A_1301], %swap3A_1304 {strides = array<i32>} : memref<2048xf32, #tpu.memory_space<vmem>>, vector<16xf32>,
    %add3A_1305 = arith.constant 672 : i32
    %add3A_1306 = arith.addi %add3A_1305, %squeeze3A_1232 : i32
    %get3A_1307 = arith.index_cast %add3A_1306 : i32 to index
    %get3A_1308 = tpu.vector_load %arg11[%get3A_1307] {strides = array<i32>} : memref<2176xf32, #tpu.memory_space<vmem>>, vector<16xf32>,
    %get3A_1309 = vector.shape_cast %get3A_1308 : vector<16xf32> to vector<16xf32>
    %swap3A_1310 = arith.constant 640 : index
    %swap3A_1311 = tpu.vector_load %arg12[%swap3A_1310] {strides = array<i32>} : memref<2048xf32, #tpu.memory_space<vmem>>, vector<16xf32>,
    %swap3A_1312 = vector.shape_cast %swap3A_1311 : vector<16xf32> to vector<16xf32>
    %swap3A_1313 = vector.shape_cast %get3A_1309 : vector<16xf32> to vector<16xf32>
    tpu.vector_store %arg12[%swap3A_1310], %swap3A_1313 {strides = array<i32>} : memref<2048xf32, #tpu.memory_space<vmem>>, vector<16xf32>,
    %add3A_1314 = arith.constant 688 : i32
    %add3A_1315 = arith.addi %add3A_1314, %squeeze3A_1232 : i32
    %get3A_1316 = arith.index_cast %add3A_1315 : i32 to index
    %get3A_1317 = tpu.vector_load %arg11[%get3A_1316] {strides = array<i32>} : memref<2176xf32, #tpu.memory_space<vmem>>, vector<16xf32>,
    %get3A_1318 = vector.shape_cast %get3A_1317 : vector<16xf32> to vector<16xf32>
    %swap3A_1319 = arith.constant 656 : index
    %swap3A_1320 = tpu.vector_load %arg12[%swap3A_1319] {strides = array<i32>} : memref<2048xf32, #tpu.memory_space<vmem>>, vector<16xf32>,
    %swap3A_1321 = vector.shape_cast %swap3A_1320 : vector<16xf32> to vector<16xf32>
    %swap3A_1322 = vector.shape_cast %get3A_1318 : vector<16xf32> to vector<16xf32>
    tpu.vector_store %arg12[%swap3A_1319], %swap3A_1322 {strides = array<i32>} : memref<2048xf32, #tpu.memory_space<vmem>>, vector<16xf32>,
    %add3A_1323 = arith.constant 704 : i32
    %add3A_1324 = arith.addi %add3A_1323, %squeeze3A_1232 : i32
    %get3A_1325 = arith.index_cast %add3A_1324 : i32 to index
    %get3A_1326 = tpu.vector_load %arg11[%get3A_1325] {strides = array<i32>} : memref<2176xf32, #tpu.memory_space<vmem>>, vector<16xf32>,
    %get3A_1327 = vector.shape_cast %get3A_1326 : vector<16xf32> to vector<16xf32>
    %swap3A_1328 = arith.constant 672 : index
    %swap3A_1329 = tpu.vector_load %arg12[%swap3A_1328] {strides = array<i32>} : memref<2048xf32, #tpu.memory_space<vmem>>, vector<16xf32>,
    %swap3A_1330 = vector.shape_cast %swap3A_1329 : vector<16xf32> to vector<16xf32>
    %swap3A_1331 = vector.shape_cast %get3A_1327 : vector<16xf32> to vector<16xf32>
    tpu.vector_store %arg12[%swap3A_1328], %swap3A_1331 {strides = array<i32>} : memref<2048xf32, #tpu.memory_space<vmem>>, vector<16xf32>,
    %add3A_1332 = arith.constant 720 : i32
    %add3A_1333 = arith.addi %add3A_1332, %squeeze3A_1232 : i32
    %get3A_1334 = arith.index_cast %add3A_1333 : i32 to index
    %get3A_1335 = tpu.vector_load %arg11[%get3A_1334] {strides = array<i32>} : memref<2176xf32, #tpu.memory_space<vmem>>, vector<16xf32>,
    %get3A_1336 = vector.shape_cast %get3A_1335 : vector<16xf32> to vector<16xf32>
    %swap3A_1337 = arith.constant 688 : index
    %swap3A_1338 = tpu.vector_load %arg12[%swap3A_1337] {strides = array<i32>} : memref<2048xf32, #tpu.memory_space<vmem>>, vector<16xf32>,
    %swap3A_1339 = vector.shape_cast %swap3A_1338 : vector<16xf32> to vector<16xf32>
    %swap3A_1340 = vector.shape_cast %get3A_1336 : vector<16xf32> to vector<16xf32>
    tpu.vector_store %arg12[%swap3A_1337], %swap3A_1340 {strides = array<i32>} : memref<2048xf32, #tpu.memory_space<vmem>>, vector<16xf32>,
    %add3A_1341 = arith.constant 736 : i32
    %add3A_1342 = arith.addi %add3A_1341, %squeeze3A_1232 : i32
    %get3A_1343 = arith.index_cast %add3A_1342 : i32 to index
    %get3A_1344 = tpu.vector_load %arg11[%get3A_1343] {strides = array<i32>} : memref<2176xf32, #tpu.memory_space<vmem>>, vector<16xf32>,
    %get3A_1345 = vector.shape_cast %get3A_1344 : vector<16xf32> to vector<16xf32>
    %swap3A_1346 = arith.constant 704 : index
    %swap3A_1347 = tpu.vector_load %arg12[%swap3A_1346] {strides = array<i32>} : memref<2048xf32, #tpu.memory_space<vmem>>, vector<16xf32>,
    %swap3A_1348 = vector.shape_cast %swap3A_1347 : vector<16xf32> to vector<16xf32>
    %swap3A_1349 = vector.shape_cast %get3A_1345 : vector<16xf32> to vector<16xf32>
    tpu.vector_store %arg12[%swap3A_1346], %swap3A_1349 {strides = array<i32>} : memref<2048xf32, #tpu.memory_space<vmem>>, vector<16xf32>,
    %add3A_1350 = arith.constant 752 : i32
    %add3A_1351 = arith.addi %add3A_1350, %squeeze3A_1232 : i32
    %get3A_1352 = arith.index_cast %add3A_1351 : i32 to index
    %get3A_1353 = tpu.vector_load %arg11[%get3A_1352] {strides = array<i32>} : memref<2176xf32, #tpu.memory_space<vmem>>, vector<16xf32>,
    %get3A_1354 = vector.shape_cast %get3A_1353 : vector<16xf32> to vector<16xf32>
    %swap3A_1355 = arith.constant 720 : index
    %swap3A_1356 = tpu.vector_load %arg12[%swap3A_1355] {strides = array<i32>} : memref<2048xf32, #tpu.memory_space<vmem>>, vector<16xf32>,
    %swap3A_1357 = vector.shape_cast %swap3A_1356 : vector<16xf32> to vector<16xf32>
    %swap3A_1358 = vector.shape_cast %get3A_1354 : vector<16xf32> to vector<16xf32>
    tpu.vector_store %arg12[%swap3A_1355], %swap3A_1358 {strides = array<i32>} : memref<2048xf32, #tpu.memory_space<vmem>>, vector<16xf32>,
    %add3A_1359 = arith.constant 768 : i32
    %add3A_1360 = arith.addi %add3A_1359, %squeeze3A_1232 : i32
    %get3A_1361 = arith.index_cast %add3A_1360 : i32 to index
    %get3A_1362 = tpu.vector_load %arg11[%get3A_1361] {strides = array<i32>} : memref<2176xf32, #tpu.memory_space<vmem>>, vector<16xf32>,
    %get3A_1363 = vector.shape_cast %get3A_1362 : vector<16xf32> to vector<16xf32>
    %swap3A_1364 = arith.constant 736 : index
    %swap3A_1365 = tpu.vector_load %arg12[%swap3A_1364] {strides = array<i32>} : memref<2048xf32, #tpu.memory_space<vmem>>, vector<16xf32>,
    %swap3A_1366 = vector.shape_cast %swap3A_1365 : vector<16xf32> to vector<16xf32>
    %swap3A_1367 = vector.shape_cast %get3A_1363 : vector<16xf32> to vector<16xf32>
    tpu.vector_store %arg12[%swap3A_1364], %swap3A_1367 {strides = array<i32>} : memref<2048xf32, #tpu.memory_space<vmem>>, vector<16xf32>,
    %add3A_1368 = arith.constant 784 : i32
    %add3A_1369 = arith.addi %add3A_1368, %squeeze3A_1232 : i32
    %get3A_1370 = arith.index_cast %add3A_1369 : i32 to index
    %get3A_1371 = tpu.vector_load %arg11[%get3A_1370] {strides = array<i32>} : memref<2176xf32, #tpu.memory_space<vmem>>, vector<16xf32>,
    %get3A_1372 = vector.shape_cast %get3A_1371 : vector<16xf32> to vector<16xf32>
    %swap3A_1373 = arith.constant 752 : index
    %swap3A_1374 = tpu.vector_load %arg12[%swap3A_1373] {strides = array<i32>} : memref<2048xf32, #tpu.memory_space<vmem>>, vector<16xf32>,
    %swap3A_1375 = vector.shape_cast %swap3A_1374 : vector<16xf32> to vector<16xf32>
    %swap3A_1376 = vector.shape_cast %get3A_1372 : vector<16xf32> to vector<16xf32>
    tpu.vector_store %arg12[%swap3A_1373], %swap3A_1376 {strides = array<i32>} : memref<2048xf32, #tpu.memory_space<vmem>>, vector<16xf32>,
    %slice3A_1377 = vector.extract_strided_slice %sub3A {offsets = [3], sizes = [1], strides = [1]} : vector<16xi32> to vector<1xi32>
    %squeeze3A_1378 = vector.extract %slice3A_1377[0] : i32 from vector<1xi32>
    %add3A_1379 = arith.constant 816 : i32
    %add3A_1380 = arith.addi %add3A_1379, %squeeze3A_1378 : i32
    %get3A_1381 = arith.index_cast %add3A_1380 : i32 to index
    %get3A_1382 = tpu.vector_load %arg11[%get3A_1381] {strides = array<i32>} : memref<2176xf32, #tpu.memory_space<vmem>>, vector<16xf32>,
    %get3A_1383 = vector.shape_cast %get3A_1382 : vector<16xf32> to vector<16xf32>
    %swap3A_1384 = arith.constant 768 : index
    %swap3A_1385 = tpu.vector_load %arg12[%swap3A_1384] {strides = array<i32>} : memref<2048xf32, #tpu.memory_space<vmem>>, vector<16xf32>,
    %swap3A_1386 = vector.shape_cast %swap3A_1385 : vector<16xf32> to vector<16xf32>
    %swap3A_1387 = vector.shape_cast %get3A_1383 : vector<16xf32> to vector<16xf32>
    tpu.vector_store %arg12[%swap3A_1384], %swap3A_1387 {strides = array<i32>} : memref<2048xf32, #tpu.memory_space<vmem>>, vector<16xf32>,
    %add3A_1388 = arith.constant 832 : i32
    %add3A_1389 = arith.addi %add3A_1388, %squeeze3A_1378 : i32
    %get3A_1390 = arith.index_cast %add3A_1389 : i32 to index
    %get3A_1391 = tpu.vector_load %arg11[%get3A_1390] {strides = array<i32>} : memref<2176xf32, #tpu.memory_space<vmem>>, vector<16xf32>,
    %get3A_1392 = vector.shape_cast %get3A_1391 : vector<16xf32> to vector<16xf32>
    %swap3A_1393 = arith.constant 784 : index
    %swap3A_1394 = tpu.vector_load %arg12[%swap3A_1393] {strides = array<i32>} : memref<2048xf32, #tpu.memory_space<vmem>>, vector<16xf32>,
    %swap3A_1395 = vector.shape_cast %swap3A_1394 : vector<16xf32> to vector<16xf32>
    %swap3A_1396 = vector.shape_cast %get3A_1392 : vector<16xf32> to vector<16xf32>
    tpu.vector_store %arg12[%swap3A_1393], %swap3A_1396 {strides = array<i32>} : memref<2048xf32, #tpu.memory_space<vmem>>, vector<16xf32>,
    %add3A_1397 = arith.constant 848 : i32
    %add3A_1398 = arith.addi %add3A_1397, %squeeze3A_1378 : i32
    %get3A_1399 = arith.index_cast %add3A_1398 : i32 to index
    %get3A_1400 = tpu.vector_load %arg11[%get3A_1399] {strides = array<i32>} : memref<2176xf32, #tpu.memory_space<vmem>>, vector<16xf32>,
    %get3A_1401 = vector.shape_cast %get3A_1400 : vector<16xf32> to vector<16xf32>
    %swap3A_1402 = arith.constant 800 : index
    %swap3A_1403 = tpu.vector_load %arg12[%swap3A_1402] {strides = array<i32>} : memref<2048xf32, #tpu.memory_space<vmem>>, vector<16xf32>,
    %swap3A_1404 = vector.shape_cast %swap3A_1403 : vector<16xf32> to vector<16xf32>
    %swap3A_1405 = vector.shape_cast %get3A_1401 : vector<16xf32> to vector<16xf32>
    tpu.vector_store %arg12[%swap3A_1402], %swap3A_1405 {strides = array<i32>} : memref<2048xf32, #tpu.memory_space<vmem>>, vector<16xf32>,
    %add3A_1406 = arith.constant 864 : i32
    %add3A_1407 = arith.addi %add3A_1406, %squeeze3A_1378 : i32
    %get3A_1408 = arith.index_cast %add3A_1407 : i32 to index
    %get3A_1409 = tpu.vector_load %arg11[%get3A_1408] {strides = array<i32>} : memref<2176xf32, #tpu.memory_space<vmem>>, vector<16xf32>,
    %get3A_1410 = vector.shape_cast %get3A_1409 : vector<16xf32> to vector<16xf32>
    %swap3A_1411 = arith.constant 816 : index
    %swap3A_1412 = tpu.vector_load %arg12[%swap3A_1411] {strides = array<i32>} : memref<2048xf32, #tpu.memory_space<vmem>>, vector<16xf32>,
    %swap3A_1413 = vector.shape_cast %swap3A_1412 : vector<16xf32> to vector<16xf32>
    %swap3A_1414 = vector.shape_cast %get3A_1410 : vector<16xf32> to vector<16xf32>
    tpu.vector_store %arg12[%swap3A_1411], %swap3A_1414 {strides = array<i32>} : memref<2048xf32, #tpu.memory_space<vmem>>, vector<16xf32>,
    %add3A_1415 = arith.constant 880 : i32
    %add3A_1416 = arith.addi %add3A_1415, %squeeze3A_1378 : i32
    %get3A_1417 = arith.index_cast %add3A_1416 : i32 to index
    %get3A_1418 = tpu.vector_load %arg11[%get3A_1417] {strides = array<i32>} : memref<2176xf32, #tpu.memory_space<vmem>>, vector<16xf32>,
    %get3A_1419 = vector.shape_cast %get3A_1418 : vector<16xf32> to vector<16xf32>
    %swap3A_1420 = arith.constant 832 : index
    %swap3A_1421 = tpu.vector_load %arg12[%swap3A_1420] {strides = array<i32>} : memref<2048xf32, #tpu.memory_space<vmem>>, vector<16xf32>,
    %swap3A_1422 = vector.shape_cast %swap3A_1421 : vector<16xf32> to vector<16xf32>
    %swap3A_1423 = vector.shape_cast %get3A_1419 : vector<16xf32> to vector<16xf32>
    tpu.vector_store %arg12[%swap3A_1420], %swap3A_1423 {strides = array<i32>} : memref<2048xf32, #tpu.memory_space<vmem>>, vector<16xf32>,
    %add3A_1424 = arith.constant 896 : i32
    %add3A_1425 = arith.addi %add3A_1424, %squeeze3A_1378 : i32
    %get3A_1426 = arith.index_cast %add3A_1425 : i32 to index
    %get3A_1427 = tpu.vector_load %arg11[%get3A_1426] {strides = array<i32>} : memref<2176xf32, #tpu.memory_space<vmem>>, vector<16xf32>,
    %get3A_1428 = vector.shape_cast %get3A_1427 : vector<16xf32> to vector<16xf32>
    %swap3A_1429 = arith.constant 848 : index
    %swap3A_1430 = tpu.vector_load %arg12[%swap3A_1429] {strides = array<i32>} : memref<2048xf32, #tpu.memory_space<vmem>>, vector<16xf32>,
    %swap3A_1431 = vector.shape_cast %swap3A_1430 : vector<16xf32> to vector<16xf32>
    %swap3A_1432 = vector.shape_cast %get3A_1428 : vector<16xf32> to vector<16xf32>
    tpu.vector_store %arg12[%swap3A_1429], %swap3A_1432 {strides = array<i32>} : memref<2048xf32, #tpu.memory_space<vmem>>, vector<16xf32>,
    %add3A_1433 = arith.constant 912 : i32
    %add3A_1434 = arith.addi %add3A_1433, %squeeze3A_1378 : i32
    %get3A_1435 = arith.index_cast %add3A_1434 : i32 to index
    %get3A_1436 = tpu.vector_load %arg11[%get3A_1435] {strides = array<i32>} : memref<2176xf32, #tpu.memory_space<vmem>>, vector<16xf32>,
    %get3A_1437 = vector.shape_cast %get3A_1436 : vector<16xf32> to vector<16xf32>
    %swap3A_1438 = arith.constant 864 : index
    %swap3A_1439 = tpu.vector_load %arg12[%swap3A_1438] {strides = array<i32>} : memref<2048xf32, #tpu.memory_space<vmem>>, vector<16xf32>,
    %swap3A_1440 = vector.shape_cast %swap3A_1439 : vector<16xf32> to vector<16xf32>
    %swap3A_1441 = vector.shape_cast %get3A_1437 : vector<16xf32> to vector<16xf32>
    tpu.vector_store %arg12[%swap3A_1438], %swap3A_1441 {strides = array<i32>} : memref<2048xf32, #tpu.memory_space<vmem>>, vector<16xf32>,
    %add3A_1442 = arith.constant 928 : i32
    %add3A_1443 = arith.addi %add3A_1442, %squeeze3A_1378 : i32
    %get3A_1444 = arith.index_cast %add3A_1443 : i32 to index
    %get3A_1445 = tpu.vector_load %arg11[%get3A_1444] {strides = array<i32>} : memref<2176xf32, #tpu.memory_space<vmem>>, vector<16xf32>,
    %get3A_1446 = vector.shape_cast %get3A_1445 : vector<16xf32> to vector<16xf32>
    %swap3A_1447 = arith.constant 880 : index
    %swap3A_1448 = tpu.vector_load %arg12[%swap3A_1447] {strides = array<i32>} : memref<2048xf32, #tpu.memory_space<vmem>>, vector<16xf32>,
    %swap3A_1449 = vector.shape_cast %swap3A_1448 : vector<16xf32> to vector<16xf32>
    %swap3A_1450 = vector.shape_cast %get3A_1446 : vector<16xf32> to vector<16xf32>
    tpu.vector_store %arg12[%swap3A_1447], %swap3A_1450 {strides = array<i32>} : memref<2048xf32, #tpu.memory_space<vmem>>, vector<16xf32>,
    %add3A_1451 = arith.constant 944 : i32
    %add3A_1452 = arith.addi %add3A_1451, %squeeze3A_1378 : i32
    %get3A_1453 = arith.index_cast %add3A_1452 : i32 to index
    %get3A_1454 = tpu.vector_load %arg11[%get3A_1453] {strides = array<i32>} : memref<2176xf32, #tpu.memory_space<vmem>>, vector<16xf32>,
    %get3A_1455 = vector.shape_cast %get3A_1454 : vector<16xf32> to vector<16xf32>
    %swap3A_1456 = arith.constant 896 : index
    %swap3A_1457 = tpu.vector_load %arg12[%swap3A_1456] {strides = array<i32>} : memref<2048xf32, #tpu.memory_space<vmem>>, vector<16xf32>,
    %swap3A_1458 = vector.shape_cast %swap3A_1457 : vector<16xf32> to vector<16xf32>
    %swap3A_1459 = vector.shape_cast %get3A_1455 : vector<16xf32> to vector<16xf32>
    tpu.vector_store %arg12[%swap3A_1456], %swap3A_1459 {strides = array<i32>} : memref<2048xf32, #tpu.memory_space<vmem>>, vector<16xf32>,
    %add3A_1460 = arith.constant 960 : i32
    %add3A_1461 = arith.addi %add3A_1460, %squeeze3A_1378 : i32
    %get3A_1462 = arith.index_cast %add3A_1461 : i32 to index
    %get3A_1463 = tpu.vector_load %arg11[%get3A_1462] {strides = array<i32>} : memref<2176xf32, #tpu.memory_space<vmem>>, vector<16xf32>,
    %get3A_1464 = vector.shape_cast %get3A_1463 : vector<16xf32> to vector<16xf32>
    %swap3A_1465 = arith.constant 912 : index
    %swap3A_1466 = tpu.vector_load %arg12[%swap3A_1465] {strides = array<i32>} : memref<2048xf32, #tpu.memory_space<vmem>>, vector<16xf32>,
    %swap3A_1467 = vector.shape_cast %swap3A_1466 : vector<16xf32> to vector<16xf32>
    %swap3A_1468 = vector.shape_cast %get3A_1464 : vector<16xf32> to vector<16xf32>
    tpu.vector_store %arg12[%swap3A_1465], %swap3A_1468 {strides = array<i32>} : memref<2048xf32, #tpu.memory_space<vmem>>, vector<16xf32>,
    %add3A_1469 = arith.constant 976 : i32
    %add3A_1470 = arith.addi %add3A_1469, %squeeze3A_1378 : i32
    %get3A_1471 = arith.index_cast %add3A_1470 : i32 to index
    %get3A_1472 = tpu.vector_load %arg11[%get3A_1471] {strides = array<i32>} : memref<2176xf32, #tpu.memory_space<vmem>>, vector<16xf32>,
    %get3A_1473 = vector.shape_cast %get3A_1472 : vector<16xf32> to vector<16xf32>
    %swap3A_1474 = arith.constant 928 : index
    %swap3A_1475 = tpu.vector_load %arg12[%swap3A_1474] {strides = array<i32>} : memref<2048xf32, #tpu.memory_space<vmem>>, vector<16xf32>,
    %swap3A_1476 = vector.shape_cast %swap3A_1475 : vector<16xf32> to vector<16xf32>
    %swap3A_1477 = vector.shape_cast %get3A_1473 : vector<16xf32> to vector<16xf32>
    tpu.vector_store %arg12[%swap3A_1474], %swap3A_1477 {strides = array<i32>} : memref<2048xf32, #tpu.memory_space<vmem>>, vector<16xf32>,
    %add3A_1478 = arith.constant 992 : i32
    %add3A_1479 = arith.addi %add3A_1478, %squeeze3A_1378 : i32
    %get3A_1480 = arith.index_cast %add3A_1479 : i32 to index
    %get3A_1481 = tpu.vector_load %arg11[%get3A_1480] {strides = array<i32>} : memref<2176xf32, #tpu.memory_space<vmem>>, vector<16xf32>,
    %get3A_1482 = vector.shape_cast %get3A_1481 : vector<16xf32> to vector<16xf32>
    %swap3A_1483 = arith.constant 944 : index
    %swap3A_1484 = tpu.vector_load %arg12[%swap3A_1483] {strides = array<i32>} : memref<2048xf32, #tpu.memory_space<vmem>>, vector<16xf32>,
    %swap3A_1485 = vector.shape_cast %swap3A_1484 : vector<16xf32> to vector<16xf32>
    %swap3A_1486 = vector.shape_cast %get3A_1482 : vector<16xf32> to vector<16xf32>
    tpu.vector_store %arg12[%swap3A_1483], %swap3A_1486 {strides = array<i32>} : memref<2048xf32, #tpu.memory_space<vmem>>, vector<16xf32>,
    %add3A_1487 = arith.constant 1008 : i32
    %add3A_1488 = arith.addi %add3A_1487, %squeeze3A_1378 : i32
    %get3A_1489 = arith.index_cast %add3A_1488 : i32 to index
    %get3A_1490 = tpu.vector_load %arg11[%get3A_1489] {strides = array<i32>} : memref<2176xf32, #tpu.memory_space<vmem>>, vector<16xf32>,
    %get3A_1491 = vector.shape_cast %get3A_1490 : vector<16xf32> to vector<16xf32>
    %swap3A_1492 = arith.constant 960 : index
    %swap3A_1493 = tpu.vector_load %arg12[%swap3A_1492] {strides = array<i32>} : memref<2048xf32, #tpu.memory_space<vmem>>, vector<16xf32>,
    %swap3A_1494 = vector.shape_cast %swap3A_1493 : vector<16xf32> to vector<16xf32>
    %swap3A_1495 = vector.shape_cast %get3A_1491 : vector<16xf32> to vector<16xf32>
    tpu.vector_store %arg12[%swap3A_1492], %swap3A_1495 {strides = array<i32>} : memref<2048xf32, #tpu.memory_space<vmem>>, vector<16xf32>,
    %add3A_1496 = arith.constant 1024 : i32
    %add3A_1497 = arith.addi %add3A_1496, %squeeze3A_1378 : i32
    %get3A_1498 = arith.index_cast %add3A_1497 : i32 to index
    %get3A_1499 = tpu.vector_load %arg11[%get3A_1498] {strides = array<i32>} : memref<2176xf32, #tpu.memory_space<vmem>>, vector<16xf32>,
    %get3A_1500 = vector.shape_cast %get3A_1499 : vector<16xf32> to vector<16xf32>
    %swap3A_1501 = arith.constant 976 : index
    %swap3A_1502 = tpu.vector_load %arg12[%swap3A_1501] {strides = array<i32>} : memref<2048xf32, #tpu.memory_space<vmem>>, vector<16xf32>,
    %swap3A_1503 = vector.shape_cast %swap3A_1502 : vector<16xf32> to vector<16xf32>
    %swap3A_1504 = vector.shape_cast %get3A_1500 : vector<16xf32> to vector<16xf32>
    tpu.vector_store %arg12[%swap3A_1501], %swap3A_1504 {strides = array<i32>} : memref<2048xf32, #tpu.memory_space<vmem>>, vector<16xf32>,
    %add3A_1505 = arith.constant 1040 : i32
    %add3A_1506 = arith.addi %add3A_1505, %squeeze3A_1378 : i32
    %get3A_1507 = arith.index_cast %add3A_1506 : i32 to index
    %get3A_1508 = tpu.vector_load %arg11[%get3A_1507] {strides = array<i32>} : memref<2176xf32, #tpu.memory_space<vmem>>, vector<16xf32>,
    %get3A_1509 = vector.shape_cast %get3A_1508 : vector<16xf32> to vector<16xf32>
    %swap3A_1510 = arith.constant 992 : index
    %swap3A_1511 = tpu.vector_load %arg12[%swap3A_1510] {strides = array<i32>} : memref<2048xf32, #tpu.memory_space<vmem>>, vector<16xf32>,
    %swap3A_1512 = vector.shape_cast %swap3A_1511 : vector<16xf32> to vector<16xf32>
    %swap3A_1513 = vector.shape_cast %get3A_1509 : vector<16xf32> to vector<16xf32>
    tpu.vector_store %arg12[%swap3A_1510], %swap3A_1513 {strides = array<i32>} : memref<2048xf32, #tpu.memory_space<vmem>>, vector<16xf32>,
    %add3A_1514 = arith.constant 1056 : i32
    %add3A_1515 = arith.addi %add3A_1514, %squeeze3A_1378 : i32
    %get3A_1516 = arith.index_cast %add3A_1515 : i32 to index
    %get3A_1517 = tpu.vector_load %arg11[%get3A_1516] {strides = array<i32>} : memref<2176xf32, #tpu.memory_space<vmem>>, vector<16xf32>,
    %get3A_1518 = vector.shape_cast %get3A_1517 : vector<16xf32> to vector<16xf32>
    %swap3A_1519 = arith.constant 1008 : index
    %swap3A_1520 = tpu.vector_load %arg12[%swap3A_1519] {strides = array<i32>} : memref<2048xf32, #tpu.memory_space<vmem>>, vector<16xf32>,
    %swap3A_1521 = vector.shape_cast %swap3A_1520 : vector<16xf32> to vector<16xf32>
    %swap3A_1522 = vector.shape_cast %get3A_1518 : vector<16xf32> to vector<16xf32>
    tpu.vector_store %arg12[%swap3A_1519], %swap3A_1522 {strides = array<i32>} : memref<2048xf32, #tpu.memory_space<vmem>>, vector<16xf32>,
    %slice3A_1523 = vector.extract_strided_slice %sub3A {offsets = [4], sizes = [1], strides = [1]} : vector<16xi32> to vector<1xi32>
    %squeeze3A_1524 = vector.extract %slice3A_1523[0] : i32 from vector<1xi32>
    %add3A_1525 = arith.constant 1088 : i32
    %add3A_1526 = arith.addi %add3A_1525, %squeeze3A_1524 : i32
    %get3A_1527 = arith.index_cast %add3A_1526 : i32 to index
    %get3A_1528 = tpu.vector_load %arg11[%get3A_1527] {strides = array<i32>} : memref<2176xf32, #tpu.memory_space<vmem>>, vector<16xf32>,
    %get3A_1529 = vector.shape_cast %get3A_1528 : vector<16xf32> to vector<16xf32>
    %swap3A_1530 = arith.constant 1024 : index
    %swap3A_1531 = tpu.vector_load %arg12[%swap3A_1530] {strides = array<i32>} : memref<2048xf32, #tpu.memory_space<vmem>>, vector<16xf32>,
    %swap3A_1532 = vector.shape_cast %swap3A_1531 : vector<16xf32> to vector<16xf32>
    %swap3A_1533 = vector.shape_cast %get3A_1529 : vector<16xf32> to vector<16xf32>
    tpu.vector_store %arg12[%swap3A_1530], %swap3A_1533 {strides = array<i32>} : memref<2048xf32, #tpu.memory_space<vmem>>, vector<16xf32>,
    %add3A_1534 = arith.constant 1104 : i32
    %add3A_1535 = arith.addi %add3A_1534, %squeeze3A_1524 : i32
    %get3A_1536 = arith.index_cast %add3A_1535 : i32 to index
    %get3A_1537 = tpu.vector_load %arg11[%get3A_1536] {strides = array<i32>} : memref<2176xf32, #tpu.memory_space<vmem>>, vector<16xf32>,
    %get3A_1538 = vector.shape_cast %get3A_1537 : vector<16xf32> to vector<16xf32>
    %swap3A_1539 = arith.constant 1040 : index
    %swap3A_1540 = tpu.vector_load %arg12[%swap3A_1539] {strides = array<i32>} : memref<2048xf32, #tpu.memory_space<vmem>>, vector<16xf32>,
    %swap3A_1541 = vector.shape_cast %swap3A_1540 : vector<16xf32> to vector<16xf32>
    %swap3A_1542 = vector.shape_cast %get3A_1538 : vector<16xf32> to vector<16xf32>
    tpu.vector_store %arg12[%swap3A_1539], %swap3A_1542 {strides = array<i32>} : memref<2048xf32, #tpu.memory_space<vmem>>, vector<16xf32>,
    %add3A_1543 = arith.constant 1120 : i32
    %add3A_1544 = arith.addi %add3A_1543, %squeeze3A_1524 : i32
    %get3A_1545 = arith.index_cast %add3A_1544 : i32 to index
    %get3A_1546 = tpu.vector_load %arg11[%get3A_1545] {strides = array<i32>} : memref<2176xf32, #tpu.memory_space<vmem>>, vector<16xf32>,
    %get3A_1547 = vector.shape_cast %get3A_1546 : vector<16xf32> to vector<16xf32>
    %swap3A_1548 = arith.constant 1056 : index
    %swap3A_1549 = tpu.vector_load %arg12[%swap3A_1548] {strides = array<i32>} : memref<2048xf32, #tpu.memory_space<vmem>>, vector<16xf32>,
    %swap3A_1550 = vector.shape_cast %swap3A_1549 : vector<16xf32> to vector<16xf32>
    %swap3A_1551 = vector.shape_cast %get3A_1547 : vector<16xf32> to vector<16xf32>
    tpu.vector_store %arg12[%swap3A_1548], %swap3A_1551 {strides = array<i32>} : memref<2048xf32, #tpu.memory_space<vmem>>, vector<16xf32>,
    %add3A_1552 = arith.constant 1136 : i32
    %add3A_1553 = arith.addi %add3A_1552, %squeeze3A_1524 : i32
    %get3A_1554 = arith.index_cast %add3A_1553 : i32 to index
    %get3A_1555 = tpu.vector_load %arg11[%get3A_1554] {strides = array<i32>} : memref<2176xf32, #tpu.memory_space<vmem>>, vector<16xf32>,
    %get3A_1556 = vector.shape_cast %get3A_1555 : vector<16xf32> to vector<16xf32>
    %swap3A_1557 = arith.constant 1072 : index
    %swap3A_1558 = tpu.vector_load %arg12[%swap3A_1557] {strides = array<i32>} : memref<2048xf32, #tpu.memory_space<vmem>>, vector<16xf32>,
    %swap3A_1559 = vector.shape_cast %swap3A_1558 : vector<16xf32> to vector<16xf32>
    %swap3A_1560 = vector.shape_cast %get3A_1556 : vector<16xf32> to vector<16xf32>
    tpu.vector_store %arg12[%swap3A_1557], %swap3A_1560 {strides = array<i32>} : memref<2048xf32, #tpu.memory_space<vmem>>, vector<16xf32>,
    %add3A_1561 = arith.constant 1152 : i32
    %add3A_1562 = arith.addi %add3A_1561, %squeeze3A_1524 : i32
    %get3A_1563 = arith.index_cast %add3A_1562 : i32 to index
    %get3A_1564 = tpu.vector_load %arg11[%get3A_1563] {strides = array<i32>} : memref<2176xf32, #tpu.memory_space<vmem>>, vector<16xf32>,
    %get3A_1565 = vector.shape_cast %get3A_1564 : vector<16xf32> to vector<16xf32>
    %swap3A_1566 = arith.constant 1088 : index
    %swap3A_1567 = tpu.vector_load %arg12[%swap3A_1566] {strides = array<i32>} : memref<2048xf32, #tpu.memory_space<vmem>>, vector<16xf32>,
    %swap3A_1568 = vector.shape_cast %swap3A_1567 : vector<16xf32> to vector<16xf32>
    %swap3A_1569 = vector.shape_cast %get3A_1565 : vector<16xf32> to vector<16xf32>
    tpu.vector_store %arg12[%swap3A_1566], %swap3A_1569 {strides = array<i32>} : memref<2048xf32, #tpu.memory_space<vmem>>, vector<16xf32>,
    %add3A_1570 = arith.constant 1168 : i32
    %add3A_1571 = arith.addi %add3A_1570, %squeeze3A_1524 : i32
    %get3A_1572 = arith.index_cast %add3A_1571 : i32 to index
    %get3A_1573 = tpu.vector_load %arg11[%get3A_1572] {strides = array<i32>} : memref<2176xf32, #tpu.memory_space<vmem>>, vector<16xf32>,
    %get3A_1574 = vector.shape_cast %get3A_1573 : vector<16xf32> to vector<16xf32>
    %swap3A_1575 = arith.constant 1104 : index
    %swap3A_1576 = tpu.vector_load %arg12[%swap3A_1575] {strides = array<i32>} : memref<2048xf32, #tpu.memory_space<vmem>>, vector<16xf32>,
    %swap3A_1577 = vector.shape_cast %swap3A_1576 : vector<16xf32> to vector<16xf32>
    %swap3A_1578 = vector.shape_cast %get3A_1574 : vector<16xf32> to vector<16xf32>
    tpu.vector_store %arg12[%swap3A_1575], %swap3A_1578 {strides = array<i32>} : memref<2048xf32, #tpu.memory_space<vmem>>, vector<16xf32>,
    %add3A_1579 = arith.constant 1184 : i32
    %add3A_1580 = arith.addi %add3A_1579, %squeeze3A_1524 : i32
    %get3A_1581 = arith.index_cast %add3A_1580 : i32 to index
    %get3A_1582 = tpu.vector_load %arg11[%get3A_1581] {strides = array<i32>} : memref<2176xf32, #tpu.memory_space<vmem>>, vector<16xf32>,
    %get3A_1583 = vector.shape_cast %get3A_1582 : vector<16xf32> to vector<16xf32>
    %swap3A_1584 = arith.constant 1120 : index
    %swap3A_1585 = tpu.vector_load %arg12[%swap3A_1584] {strides = array<i32>} : memref<2048xf32, #tpu.memory_space<vmem>>, vector<16xf32>,
    %swap3A_1586 = vector.shape_cast %swap3A_1585 : vector<16xf32> to vector<16xf32>
    %swap3A_1587 = vector.shape_cast %get3A_1583 : vector<16xf32> to vector<16xf32>
    tpu.vector_store %arg12[%swap3A_1584], %swap3A_1587 {strides = array<i32>} : memref<2048xf32, #tpu.memory_space<vmem>>, vector<16xf32>,
    %add3A_1588 = arith.constant 1200 : i32
    %add3A_1589 = arith.addi %add3A_1588, %squeeze3A_1524 : i32
    %get3A_1590 = arith.index_cast %add3A_1589 : i32 to index
    %get3A_1591 = tpu.vector_load %arg11[%get3A_1590] {strides = array<i32>} : memref<2176xf32, #tpu.memory_space<vmem>>, vector<16xf32>,
    %get3A_1592 = vector.shape_cast %get3A_1591 : vector<16xf32> to vector<16xf32>
    %swap3A_1593 = arith.constant 1136 : index
    %swap3A_1594 = tpu.vector_load %arg12[%swap3A_1593] {strides = array<i32>} : memref<2048xf32, #tpu.memory_space<vmem>>, vector<16xf32>,
    %swap3A_1595 = vector.shape_cast %swap3A_1594 : vector<16xf32> to vector<16xf32>
    %swap3A_1596 = vector.shape_cast %get3A_1592 : vector<16xf32> to vector<16xf32>
    tpu.vector_store %arg12[%swap3A_1593], %swap3A_1596 {strides = array<i32>} : memref<2048xf32, #tpu.memory_space<vmem>>, vector<16xf32>,
    %add3A_1597 = arith.constant 1216 : i32
    %add3A_1598 = arith.addi %add3A_1597, %squeeze3A_1524 : i32
    %get3A_1599 = arith.index_cast %add3A_1598 : i32 to index
    %get3A_1600 = tpu.vector_load %arg11[%get3A_1599] {strides = array<i32>} : memref<2176xf32, #tpu.memory_space<vmem>>, vector<16xf32>,
    %get3A_1601 = vector.shape_cast %get3A_1600 : vector<16xf32> to vector<16xf32>
    %swap3A_1602 = arith.constant 1152 : index
    %swap3A_1603 = tpu.vector_load %arg12[%swap3A_1602] {strides = array<i32>} : memref<2048xf32, #tpu.memory_space<vmem>>, vector<16xf32>,
    %swap3A_1604 = vector.shape_cast %swap3A_1603 : vector<16xf32> to vector<16xf32>
    %swap3A_1605 = vector.shape_cast %get3A_1601 : vector<16xf32> to vector<16xf32>
    tpu.vector_store %arg12[%swap3A_1602], %swap3A_1605 {strides = array<i32>} : memref<2048xf32, #tpu.memory_space<vmem>>, vector<16xf32>,
    %add3A_1606 = arith.constant 1232 : i32
    %add3A_1607 = arith.addi %add3A_1606, %squeeze3A_1524 : i32
    %get3A_1608 = arith.index_cast %add3A_1607 : i32 to index
    %get3A_1609 = tpu.vector_load %arg11[%get3A_1608] {strides = array<i32>} : memref<2176xf32, #tpu.memory_space<vmem>>, vector<16xf32>,
    %get3A_1610 = vector.shape_cast %get3A_1609 : vector<16xf32> to vector<16xf32>
    %swap3A_1611 = arith.constant 1168 : index
    %swap3A_1612 = tpu.vector_load %arg12[%swap3A_1611] {strides = array<i32>} : memref<2048xf32, #tpu.memory_space<vmem>>, vector<16xf32>,
    %swap3A_1613 = vector.shape_cast %swap3A_1612 : vector<16xf32> to vector<16xf32>
    %swap3A_1614 = vector.shape_cast %get3A_1610 : vector<16xf32> to vector<16xf32>
    tpu.vector_store %arg12[%swap3A_1611], %swap3A_1614 {strides = array<i32>} : memref<2048xf32, #tpu.memory_space<vmem>>, vector<16xf32>,
    %add3A_1615 = arith.constant 1248 : i32
    %add3A_1616 = arith.addi %add3A_1615, %squeeze3A_1524 : i32
    %get3A_1617 = arith.index_cast %add3A_1616 : i32 to index
    %get3A_1618 = tpu.vector_load %arg11[%get3A_1617] {strides = array<i32>} : memref<2176xf32, #tpu.memory_space<vmem>>, vector<16xf32>,
    %get3A_1619 = vector.shape_cast %get3A_1618 : vector<16xf32> to vector<16xf32>
    %swap3A_1620 = arith.constant 1184 : index
    %swap3A_1621 = tpu.vector_load %arg12[%swap3A_1620] {strides = array<i32>} : memref<2048xf32, #tpu.memory_space<vmem>>, vector<16xf32>,
    %swap3A_1622 = vector.shape_cast %swap3A_1621 : vector<16xf32> to vector<16xf32>
    %swap3A_1623 = vector.shape_cast %get3A_1619 : vector<16xf32> to vector<16xf32>
    tpu.vector_store %arg12[%swap3A_1620], %swap3A_1623 {strides = array<i32>} : memref<2048xf32, #tpu.memory_space<vmem>>, vector<16xf32>,
    %add3A_1624 = arith.constant 1264 : i32
    %add3A_1625 = arith.addi %add3A_1624, %squeeze3A_1524 : i32
    %get3A_1626 = arith.index_cast %add3A_1625 : i32 to index
    %get3A_1627 = tpu.vector_load %arg11[%get3A_1626] {strides = array<i32>} : memref<2176xf32, #tpu.memory_space<vmem>>, vector<16xf32>,
    %get3A_1628 = vector.shape_cast %get3A_1627 : vector<16xf32> to vector<16xf32>
    %swap3A_1629 = arith.constant 1200 : index
    %swap3A_1630 = tpu.vector_load %arg12[%swap3A_1629] {strides = array<i32>} : memref<2048xf32, #tpu.memory_space<vmem>>, vector<16xf32>,
    %swap3A_1631 = vector.shape_cast %swap3A_1630 : vector<16xf32> to vector<16xf32>
    %swap3A_1632 = vector.shape_cast %get3A_1628 : vector<16xf32> to vector<16xf32>
    tpu.vector_store %arg12[%swap3A_1629], %swap3A_1632 {strides = array<i32>} : memref<2048xf32, #tpu.memory_space<vmem>>, vector<16xf32>,
    %add3A_1633 = arith.constant 1280 : i32
    %add3A_1634 = arith.addi %add3A_1633, %squeeze3A_1524 : i32
    %get3A_1635 = arith.index_cast %add3A_1634 : i32 to index
    %get3A_1636 = tpu.vector_load %arg11[%get3A_1635] {strides = array<i32>} : memref<2176xf32, #tpu.memory_space<vmem>>, vector<16xf32>,
    %get3A_1637 = vector.shape_cast %get3A_1636 : vector<16xf32> to vector<16xf32>
    %swap3A_1638 = arith.constant 1216 : index
    %swap3A_1639 = tpu.vector_load %arg12[%swap3A_1638] {strides = array<i32>} : memref<2048xf32, #tpu.memory_space<vmem>>, vector<16xf32>,
    %swap3A_1640 = vector.shape_cast %swap3A_1639 : vector<16xf32> to vector<16xf32>
    %swap3A_1641 = vector.shape_cast %get3A_1637 : vector<16xf32> to vector<16xf32>
    tpu.vector_store %arg12[%swap3A_1638], %swap3A_1641 {strides = array<i32>} : memref<2048xf32, #tpu.memory_space<vmem>>, vector<16xf32>,
    %add3A_1642 = arith.constant 1296 : i32
    %add3A_1643 = arith.addi %add3A_1642, %squeeze3A_1524 : i32
    %get3A_1644 = arith.index_cast %add3A_1643 : i32 to index
    %get3A_1645 = tpu.vector_load %arg11[%get3A_1644] {strides = array<i32>} : memref<2176xf32, #tpu.memory_space<vmem>>, vector<16xf32>,
    %get3A_1646 = vector.shape_cast %get3A_1645 : vector<16xf32> to vector<16xf32>
    %swap3A_1647 = arith.constant 1232 : index
    %swap3A_1648 = tpu.vector_load %arg12[%swap3A_1647] {strides = array<i32>} : memref<2048xf32, #tpu.memory_space<vmem>>, vector<16xf32>,
    %swap3A_1649 = vector.shape_cast %swap3A_1648 : vector<16xf32> to vector<16xf32>
    %swap3A_1650 = vector.shape_cast %get3A_1646 : vector<16xf32> to vector<16xf32>
    tpu.vector_store %arg12[%swap3A_1647], %swap3A_1650 {strides = array<i32>} : memref<2048xf32, #tpu.memory_space<vmem>>, vector<16xf32>,
    %add3A_1651 = arith.constant 1312 : i32
    %add3A_1652 = arith.addi %add3A_1651, %squeeze3A_1524 : i32
    %get3A_1653 = arith.index_cast %add3A_1652 : i32 to index
    %get3A_1654 = tpu.vector_load %arg11[%get3A_1653] {strides = array<i32>} : memref<2176xf32, #tpu.memory_space<vmem>>, vector<16xf32>,
    %get3A_1655 = vector.shape_cast %get3A_1654 : vector<16xf32> to vector<16xf32>
    %swap3A_1656 = arith.constant 1248 : index
    %swap3A_1657 = tpu.vector_load %arg12[%swap3A_1656] {strides = array<i32>} : memref<2048xf32, #tpu.memory_space<vmem>>, vector<16xf32>,
    %swap3A_1658 = vector.shape_cast %swap3A_1657 : vector<16xf32> to vector<16xf32>
    %swap3A_1659 = vector.shape_cast %get3A_1655 : vector<16xf32> to vector<16xf32>
    tpu.vector_store %arg12[%swap3A_1656], %swap3A_1659 {strides = array<i32>} : memref<2048xf32, #tpu.memory_space<vmem>>, vector<16xf32>,
    %add3A_1660 = arith.constant 1328 : i32
    %add3A_1661 = arith.addi %add3A_1660, %squeeze3A_1524 : i32
    %get3A_1662 = arith.index_cast %add3A_1661 : i32 to index
    %get3A_1663 = tpu.vector_load %arg11[%get3A_1662] {strides = array<i32>} : memref<2176xf32, #tpu.memory_space<vmem>>, vector<16xf32>,
    %get3A_1664 = vector.shape_cast %get3A_1663 : vector<16xf32> to vector<16xf32>
    %swap3A_1665 = arith.constant 1264 : index
    %swap3A_1666 = tpu.vector_load %arg12[%swap3A_1665] {strides = array<i32>} : memref<2048xf32, #tpu.memory_space<vmem>>, vector<16xf32>,
    %swap3A_1667 = vector.shape_cast %swap3A_1666 : vector<16xf32> to vector<16xf32>
    %swap3A_1668 = vector.shape_cast %get3A_1664 : vector<16xf32> to vector<16xf32>
    tpu.vector_store %arg12[%swap3A_1665], %swap3A_1668 {strides = array<i32>} : memref<2048xf32, #tpu.memory_space<vmem>>, vector<16xf32>,
    %slice3A_1669 = vector.extract_strided_slice %sub3A {offsets = [5], sizes = [1], strides = [1]} : vector<16xi32> to vector<1xi32>
    %squeeze3A_1670 = vector.extract %slice3A_1669[0] : i32 from vector<1xi32>
    %add3A_1671 = arith.constant 1360 : i32
    %add3A_1672 = arith.addi %add3A_1671, %squeeze3A_1670 : i32
    %get3A_1673 = arith.index_cast %add3A_1672 : i32 to index
    %get3A_1674 = tpu.vector_load %arg11[%get3A_1673] {strides = array<i32>} : memref<2176xf32, #tpu.memory_space<vmem>>, vector<16xf32>,
    %get3A_1675 = vector.shape_cast %get3A_1674 : vector<16xf32> to vector<16xf32>
    %swap3A_1676 = arith.constant 1280 : index
    %swap3A_1677 = tpu.vector_load %arg12[%swap3A_1676] {strides = array<i32>} : memref<2048xf32, #tpu.memory_space<vmem>>, vector<16xf32>,
    %swap3A_1678 = vector.shape_cast %swap3A_1677 : vector<16xf32> to vector<16xf32>
    %swap3A_1679 = vector.shape_cast %get3A_1675 : vector<16xf32> to vector<16xf32>
    tpu.vector_store %arg12[%swap3A_1676], %swap3A_1679 {strides = array<i32>} : memref<2048xf32, #tpu.memory_space<vmem>>, vector<16xf32>,
    %add3A_1680 = arith.constant 1376 : i32
    %add3A_1681 = arith.addi %add3A_1680, %squeeze3A_1670 : i32
    %get3A_1682 = arith.index_cast %add3A_1681 : i32 to index
    %get3A_1683 = tpu.vector_load %arg11[%get3A_1682] {strides = array<i32>} : memref<2176xf32, #tpu.memory_space<vmem>>, vector<16xf32>,
    %get3A_1684 = vector.shape_cast %get3A_1683 : vector<16xf32> to vector<16xf32>
    %swap3A_1685 = arith.constant 1296 : index
    %swap3A_1686 = tpu.vector_load %arg12[%swap3A_1685] {strides = array<i32>} : memref<2048xf32, #tpu.memory_space<vmem>>, vector<16xf32>,
    %swap3A_1687 = vector.shape_cast %swap3A_1686 : vector<16xf32> to vector<16xf32>
    %swap3A_1688 = vector.shape_cast %get3A_1684 : vector<16xf32> to vector<16xf32>
    tpu.vector_store %arg12[%swap3A_1685], %swap3A_1688 {strides = array<i32>} : memref<2048xf32, #tpu.memory_space<vmem>>, vector<16xf32>,
    %add3A_1689 = arith.constant 1392 : i32
    %add3A_1690 = arith.addi %add3A_1689, %squeeze3A_1670 : i32
    %get3A_1691 = arith.index_cast %add3A_1690 : i32 to index
    %get3A_1692 = tpu.vector_load %arg11[%get3A_1691] {strides = array<i32>} : memref<2176xf32, #tpu.memory_space<vmem>>, vector<16xf32>,
    %get3A_1693 = vector.shape_cast %get3A_1692 : vector<16xf32> to vector<16xf32>
    %swap3A_1694 = arith.constant 1312 : index
    %swap3A_1695 = tpu.vector_load %arg12[%swap3A_1694] {strides = array<i32>} : memref<2048xf32, #tpu.memory_space<vmem>>, vector<16xf32>,
    %swap3A_1696 = vector.shape_cast %swap3A_1695 : vector<16xf32> to vector<16xf32>
    %swap3A_1697 = vector.shape_cast %get3A_1693 : vector<16xf32> to vector<16xf32>
    tpu.vector_store %arg12[%swap3A_1694], %swap3A_1697 {strides = array<i32>} : memref<2048xf32, #tpu.memory_space<vmem>>, vector<16xf32>,
    %add3A_1698 = arith.constant 1408 : i32
    %add3A_1699 = arith.addi %add3A_1698, %squeeze3A_1670 : i32
    %get3A_1700 = arith.index_cast %add3A_1699 : i32 to index
    %get3A_1701 = tpu.vector_load %arg11[%get3A_1700] {strides = array<i32>} : memref<2176xf32, #tpu.memory_space<vmem>>, vector<16xf32>,
    %get3A_1702 = vector.shape_cast %get3A_1701 : vector<16xf32> to vector<16xf32>
    %swap3A_1703 = arith.constant 1328 : index
    %swap3A_1704 = tpu.vector_load %arg12[%swap3A_1703] {strides = array<i32>} : memref<2048xf32, #tpu.memory_space<vmem>>, vector<16xf32>,
    %swap3A_1705 = vector.shape_cast %swap3A_1704 : vector<16xf32> to vector<16xf32>
    %swap3A_1706 = vector.shape_cast %get3A_1702 : vector<16xf32> to vector<16xf32>
    tpu.vector_store %arg12[%swap3A_1703], %swap3A_1706 {strides = array<i32>} : memref<2048xf32, #tpu.memory_space<vmem>>, vector<16xf32>,
    %add3A_1707 = arith.constant 1424 : i32
    %add3A_1708 = arith.addi %add3A_1707, %squeeze3A_1670 : i32
    %get3A_1709 = arith.index_cast %add3A_1708 : i32 to index
    %get3A_1710 = tpu.vector_load %arg11[%get3A_1709] {strides = array<i32>} : memref<2176xf32, #tpu.memory_space<vmem>>, vector<16xf32>,
    %get3A_1711 = vector.shape_cast %get3A_1710 : vector<16xf32> to vector<16xf32>
    %swap3A_1712 = arith.constant 1344 : index
    %swap3A_1713 = tpu.vector_load %arg12[%swap3A_1712] {strides = array<i32>} : memref<2048xf32, #tpu.memory_space<vmem>>, vector<16xf32>,
    %swap3A_1714 = vector.shape_cast %swap3A_1713 : vector<16xf32> to vector<16xf32>
    %swap3A_1715 = vector.shape_cast %get3A_1711 : vector<16xf32> to vector<16xf32>
    tpu.vector_store %arg12[%swap3A_1712], %swap3A_1715 {strides = array<i32>} : memref<2048xf32, #tpu.memory_space<vmem>>, vector<16xf32>,
    %add3A_1716 = arith.constant 1440 : i32
    %add3A_1717 = arith.addi %add3A_1716, %squeeze3A_1670 : i32
    %get3A_1718 = arith.index_cast %add3A_1717 : i32 to index
    %get3A_1719 = tpu.vector_load %arg11[%get3A_1718] {strides = array<i32>} : memref<2176xf32, #tpu.memory_space<vmem>>, vector<16xf32>,
    %get3A_1720 = vector.shape_cast %get3A_1719 : vector<16xf32> to vector<16xf32>
    %swap3A_1721 = arith.constant 1360 : index
    %swap3A_1722 = tpu.vector_load %arg12[%swap3A_1721] {strides = array<i32>} : memref<2048xf32, #tpu.memory_space<vmem>>, vector<16xf32>,
    %swap3A_1723 = vector.shape_cast %swap3A_1722 : vector<16xf32> to vector<16xf32>
    %swap3A_1724 = vector.shape_cast %get3A_1720 : vector<16xf32> to vector<16xf32>
    tpu.vector_store %arg12[%swap3A_1721], %swap3A_1724 {strides = array<i32>} : memref<2048xf32, #tpu.memory_space<vmem>>, vector<16xf32>,
    %add3A_1725 = arith.constant 1456 : i32
    %add3A_1726 = arith.addi %add3A_1725, %squeeze3A_1670 : i32
    %get3A_1727 = arith.index_cast %add3A_1726 : i32 to index
    %get3A_1728 = tpu.vector_load %arg11[%get3A_1727] {strides = array<i32>} : memref<2176xf32, #tpu.memory_space<vmem>>, vector<16xf32>,
    %get3A_1729 = vector.shape_cast %get3A_1728 : vector<16xf32> to vector<16xf32>
    %swap3A_1730 = arith.constant 1376 : index
    %swap3A_1731 = tpu.vector_load %arg12[%swap3A_1730] {strides = array<i32>} : memref<2048xf32, #tpu.memory_space<vmem>>, vector<16xf32>,
    %swap3A_1732 = vector.shape_cast %swap3A_1731 : vector<16xf32> to vector<16xf32>
    %swap3A_1733 = vector.shape_cast %get3A_1729 : vector<16xf32> to vector<16xf32>
    tpu.vector_store %arg12[%swap3A_1730], %swap3A_1733 {strides = array<i32>} : memref<2048xf32, #tpu.memory_space<vmem>>, vector<16xf32>,
    %add3A_1734 = arith.constant 1472 : i32
    %add3A_1735 = arith.addi %add3A_1734, %squeeze3A_1670 : i32
    %get3A_1736 = arith.index_cast %add3A_1735 : i32 to index
    %get3A_1737 = tpu.vector_load %arg11[%get3A_1736] {strides = array<i32>} : memref<2176xf32, #tpu.memory_space<vmem>>, vector<16xf32>,
    %get3A_1738 = vector.shape_cast %get3A_1737 : vector<16xf32> to vector<16xf32>
    %swap3A_1739 = arith.constant 1392 : index
    %swap3A_1740 = tpu.vector_load %arg12[%swap3A_1739] {strides = array<i32>} : memref<2048xf32, #tpu.memory_space<vmem>>, vector<16xf32>,
    %swap3A_1741 = vector.shape_cast %swap3A_1740 : vector<16xf32> to vector<16xf32>
    %swap3A_1742 = vector.shape_cast %get3A_1738 : vector<16xf32> to vector<16xf32>
    tpu.vector_store %arg12[%swap3A_1739], %swap3A_1742 {strides = array<i32>} : memref<2048xf32, #tpu.memory_space<vmem>>, vector<16xf32>,
    %add3A_1743 = arith.constant 1488 : i32
    %add3A_1744 = arith.addi %add3A_1743, %squeeze3A_1670 : i32
    %get3A_1745 = arith.index_cast %add3A_1744 : i32 to index
    %get3A_1746 = tpu.vector_load %arg11[%get3A_1745] {strides = array<i32>} : memref<2176xf32, #tpu.memory_space<vmem>>, vector<16xf32>,
    %get3A_1747 = vector.shape_cast %get3A_1746 : vector<16xf32> to vector<16xf32>
    %swap3A_1748 = arith.constant 1408 : index
    %swap3A_1749 = tpu.vector_load %arg12[%swap3A_1748] {strides = array<i32>} : memref<2048xf32, #tpu.memory_space<vmem>>, vector<16xf32>,
    %swap3A_1750 = vector.shape_cast %swap3A_1749 : vector<16xf32> to vector<16xf32>
    %swap3A_1751 = vector.shape_cast %get3A_1747 : vector<16xf32> to vector<16xf32>
    tpu.vector_store %arg12[%swap3A_1748], %swap3A_1751 {strides = array<i32>} : memref<2048xf32, #tpu.memory_space<vmem>>, vector<16xf32>,
    %add3A_1752 = arith.constant 1504 : i32
    %add3A_1753 = arith.addi %add3A_1752, %squeeze3A_1670 : i32
    %get3A_1754 = arith.index_cast %add3A_1753 : i32 to index
    %get3A_1755 = tpu.vector_load %arg11[%get3A_1754] {strides = array<i32>} : memref<2176xf32, #tpu.memory_space<vmem>>, vector<16xf32>,
    %get3A_1756 = vector.shape_cast %get3A_1755 : vector<16xf32> to vector<16xf32>
    %swap3A_1757 = arith.constant 1424 : index
    %swap3A_1758 = tpu.vector_load %arg12[%swap3A_1757] {strides = array<i32>} : memref<2048xf32, #tpu.memory_space<vmem>>, vector<16xf32>,
    %swap3A_1759 = vector.shape_cast %swap3A_1758 : vector<16xf32> to vector<16xf32>
    %swap3A_1760 = vector.shape_cast %get3A_1756 : vector<16xf32> to vector<16xf32>
    tpu.vector_store %arg12[%swap3A_1757], %swap3A_1760 {strides = array<i32>} : memref<2048xf32, #tpu.memory_space<vmem>>, vector<16xf32>,
    %add3A_1761 = arith.constant 1520 : i32
    %add3A_1762 = arith.addi %add3A_1761, %squeeze3A_1670 : i32
    %get3A_1763 = arith.index_cast %add3A_1762 : i32 to index
    %get3A_1764 = tpu.vector_load %arg11[%get3A_1763] {strides = array<i32>} : memref<2176xf32, #tpu.memory_space<vmem>>, vector<16xf32>,
    %get3A_1765 = vector.shape_cast %get3A_1764 : vector<16xf32> to vector<16xf32>
    %swap3A_1766 = arith.constant 1440 : index
    %swap3A_1767 = tpu.vector_load %arg12[%swap3A_1766] {strides = array<i32>} : memref<2048xf32, #tpu.memory_space<vmem>>, vector<16xf32>,
    %swap3A_1768 = vector.shape_cast %swap3A_1767 : vector<16xf32> to vector<16xf32>
    %swap3A_1769 = vector.shape_cast %get3A_1765 : vector<16xf32> to vector<16xf32>
    tpu.vector_store %arg12[%swap3A_1766], %swap3A_1769 {strides = array<i32>} : memref<2048xf32, #tpu.memory_space<vmem>>, vector<16xf32>,
    %add3A_1770 = arith.constant 1536 : i32
    %add3A_1771 = arith.addi %add3A_1770, %squeeze3A_1670 : i32
    %get3A_1772 = arith.index_cast %add3A_1771 : i32 to index
    %get3A_1773 = tpu.vector_load %arg11[%get3A_1772] {strides = array<i32>} : memref<2176xf32, #tpu.memory_space<vmem>>, vector<16xf32>,
    %get3A_1774 = vector.shape_cast %get3A_1773 : vector<16xf32> to vector<16xf32>
    %swap3A_1775 = arith.constant 1456 : index
    %swap3A_1776 = tpu.vector_load %arg12[%swap3A_1775] {strides = array<i32>} : memref<2048xf32, #tpu.memory_space<vmem>>, vector<16xf32>,
    %swap3A_1777 = vector.shape_cast %swap3A_1776 : vector<16xf32> to vector<16xf32>
    %swap3A_1778 = vector.shape_cast %get3A_1774 : vector<16xf32> to vector<16xf32>
    tpu.vector_store %arg12[%swap3A_1775], %swap3A_1778 {strides = array<i32>} : memref<2048xf32, #tpu.memory_space<vmem>>, vector<16xf32>,
    %add3A_1779 = arith.constant 1552 : i32
    %add3A_1780 = arith.addi %add3A_1779, %squeeze3A_1670 : i32
    %get3A_1781 = arith.index_cast %add3A_1780 : i32 to index
    %get3A_1782 = tpu.vector_load %arg11[%get3A_1781] {strides = array<i32>} : memref<2176xf32, #tpu.memory_space<vmem>>, vector<16xf32>,
    %get3A_1783 = vector.shape_cast %get3A_1782 : vector<16xf32> to vector<16xf32>
    %swap3A_1784 = arith.constant 1472 : index
    %swap3A_1785 = tpu.vector_load %arg12[%swap3A_1784] {strides = array<i32>} : memref<2048xf32, #tpu.memory_space<vmem>>, vector<16xf32>,
    %swap3A_1786 = vector.shape_cast %swap3A_1785 : vector<16xf32> to vector<16xf32>
    %swap3A_1787 = vector.shape_cast %get3A_1783 : vector<16xf32> to vector<16xf32>
    tpu.vector_store %arg12[%swap3A_1784], %swap3A_1787 {strides = array<i32>} : memref<2048xf32, #tpu.memory_space<vmem>>, vector<16xf32>,
    %add3A_1788 = arith.constant 1568 : i32
    %add3A_1789 = arith.addi %add3A_1788, %squeeze3A_1670 : i32
    %get3A_1790 = arith.index_cast %add3A_1789 : i32 to index
    %get3A_1791 = tpu.vector_load %arg11[%get3A_1790] {strides = array<i32>} : memref<2176xf32, #tpu.memory_space<vmem>>, vector<16xf32>,
    %get3A_1792 = vector.shape_cast %get3A_1791 : vector<16xf32> to vector<16xf32>
    %swap3A_1793 = arith.constant 1488 : index
    %swap3A_1794 = tpu.vector_load %arg12[%swap3A_1793] {strides = array<i32>} : memref<2048xf32, #tpu.memory_space<vmem>>, vector<16xf32>,
    %swap3A_1795 = vector.shape_cast %swap3A_1794 : vector<16xf32> to vector<16xf32>
    %swap3A_1796 = vector.shape_cast %get3A_1792 : vector<16xf32> to vector<16xf32>
    tpu.vector_store %arg12[%swap3A_1793], %swap3A_1796 {strides = array<i32>} : memref<2048xf32, #tpu.memory_space<vmem>>, vector<16xf32>,
    %add3A_1797 = arith.constant 1584 : i32
    %add3A_1798 = arith.addi %add3A_1797, %squeeze3A_1670 : i32
    %get3A_1799 = arith.index_cast %add3A_1798 : i32 to index
    %get3A_1800 = tpu.vector_load %arg11[%get3A_1799] {strides = array<i32>} : memref<2176xf32, #tpu.memory_space<vmem>>, vector<16xf32>,
    %get3A_1801 = vector.shape_cast %get3A_1800 : vector<16xf32> to vector<16xf32>
    %swap3A_1802 = arith.constant 1504 : index
    %swap3A_1803 = tpu.vector_load %arg12[%swap3A_1802] {strides = array<i32>} : memref<2048xf32, #tpu.memory_space<vmem>>, vector<16xf32>,
    %swap3A_1804 = vector.shape_cast %swap3A_1803 : vector<16xf32> to vector<16xf32>
    %swap3A_1805 = vector.shape_cast %get3A_1801 : vector<16xf32> to vector<16xf32>
    tpu.vector_store %arg12[%swap3A_1802], %swap3A_1805 {strides = array<i32>} : memref<2048xf32, #tpu.memory_space<vmem>>, vector<16xf32>,
    %add3A_1806 = arith.constant 1600 : i32
    %add3A_1807 = arith.addi %add3A_1806, %squeeze3A_1670 : i32
    %get3A_1808 = arith.index_cast %add3A_1807 : i32 to index
    %get3A_1809 = tpu.vector_load %arg11[%get3A_1808] {strides = array<i32>} : memref<2176xf32, #tpu.memory_space<vmem>>, vector<16xf32>,
    %get3A_1810 = vector.shape_cast %get3A_1809 : vector<16xf32> to vector<16xf32>
    %swap3A_1811 = arith.constant 1520 : index
    %swap3A_1812 = tpu.vector_load %arg12[%swap3A_1811] {strides = array<i32>} : memref<2048xf32, #tpu.memory_space<vmem>>, vector<16xf32>,
    %swap3A_1813 = vector.shape_cast %swap3A_1812 : vector<16xf32> to vector<16xf32>
    %swap3A_1814 = vector.shape_cast %get3A_1810 : vector<16xf32> to vector<16xf32>
    tpu.vector_store %arg12[%swap3A_1811], %swap3A_1814 {strides = array<i32>} : memref<2048xf32, #tpu.memory_space<vmem>>, vector<16xf32>,
    %slice3A_1815 = vector.extract_strided_slice %sub3A {offsets = [6], sizes = [1], strides = [1]} : vector<16xi32> to vector<1xi32>
    %squeeze3A_1816 = vector.extract %slice3A_1815[0] : i32 from vector<1xi32>
    %add3A_1817 = arith.constant 1632 : i32
    %add3A_1818 = arith.addi %add3A_1817, %squeeze3A_1816 : i32
    %get3A_1819 = arith.index_cast %add3A_1818 : i32 to index
    %get3A_1820 = tpu.vector_load %arg11[%get3A_1819] {strides = array<i32>} : memref<2176xf32, #tpu.memory_space<vmem>>, vector<16xf32>,
    %get3A_1821 = vector.shape_cast %get3A_1820 : vector<16xf32> to vector<16xf32>
    %swap3A_1822 = arith.constant 1536 : index
    %swap3A_1823 = tpu.vector_load %arg12[%swap3A_1822] {strides = array<i32>} : memref<2048xf32, #tpu.memory_space<vmem>>, vector<16xf32>,
    %swap3A_1824 = vector.shape_cast %swap3A_1823 : vector<16xf32> to vector<16xf32>
    %swap3A_1825 = vector.shape_cast %get3A_1821 : vector<16xf32> to vector<16xf32>
    tpu.vector_store %arg12[%swap3A_1822], %swap3A_1825 {strides = array<i32>} : memref<2048xf32, #tpu.memory_space<vmem>>, vector<16xf32>,
    %add3A_1826 = arith.constant 1648 : i32
    %add3A_1827 = arith.addi %add3A_1826, %squeeze3A_1816 : i32
    %get3A_1828 = arith.index_cast %add3A_1827 : i32 to index
    %get3A_1829 = tpu.vector_load %arg11[%get3A_1828] {strides = array<i32>} : memref<2176xf32, #tpu.memory_space<vmem>>, vector<16xf32>,
    %get3A_1830 = vector.shape_cast %get3A_1829 : vector<16xf32> to vector<16xf32>
    %swap3A_1831 = arith.constant 1552 : index
    %swap3A_1832 = tpu.vector_load %arg12[%swap3A_1831] {strides = array<i32>} : memref<2048xf32, #tpu.memory_space<vmem>>, vector<16xf32>,
    %swap3A_1833 = vector.shape_cast %swap3A_1832 : vector<16xf32> to vector<16xf32>
    %swap3A_1834 = vector.shape_cast %get3A_1830 : vector<16xf32> to vector<16xf32>
    tpu.vector_store %arg12[%swap3A_1831], %swap3A_1834 {strides = array<i32>} : memref<2048xf32, #tpu.memory_space<vmem>>, vector<16xf32>,
    %add3A_1835 = arith.constant 1664 : i32
    %add3A_1836 = arith.addi %add3A_1835, %squeeze3A_1816 : i32
    %get3A_1837 = arith.index_cast %add3A_1836 : i32 to index
    %get3A_1838 = tpu.vector_load %arg11[%get3A_1837] {strides = array<i32>} : memref<2176xf32, #tpu.memory_space<vmem>>, vector<16xf32>,
    %get3A_1839 = vector.shape_cast %get3A_1838 : vector<16xf32> to vector<16xf32>
    %swap3A_1840 = arith.constant 1568 : index
    %swap3A_1841 = tpu.vector_load %arg12[%swap3A_1840] {strides = array<i32>} : memref<2048xf32, #tpu.memory_space<vmem>>, vector<16xf32>,
    %swap3A_1842 = vector.shape_cast %swap3A_1841 : vector<16xf32> to vector<16xf32>
    %swap3A_1843 = vector.shape_cast %get3A_1839 : vector<16xf32> to vector<16xf32>
    tpu.vector_store %arg12[%swap3A_1840], %swap3A_1843 {strides = array<i32>} : memref<2048xf32, #tpu.memory_space<vmem>>, vector<16xf32>,
    %add3A_1844 = arith.constant 1680 : i32
    %add3A_1845 = arith.addi %add3A_1844, %squeeze3A_1816 : i32
    %get3A_1846 = arith.index_cast %add3A_1845 : i32 to index
    %get3A_1847 = tpu.vector_load %arg11[%get3A_1846] {strides = array<i32>} : memref<2176xf32, #tpu.memory_space<vmem>>, vector<16xf32>,
    %get3A_1848 = vector.shape_cast %get3A_1847 : vector<16xf32> to vector<16xf32>
    %swap3A_1849 = arith.constant 1584 : index
    %swap3A_1850 = tpu.vector_load %arg12[%swap3A_1849] {strides = array<i32>} : memref<2048xf32, #tpu.memory_space<vmem>>, vector<16xf32>,
    %swap3A_1851 = vector.shape_cast %swap3A_1850 : vector<16xf32> to vector<16xf32>
    %swap3A_1852 = vector.shape_cast %get3A_1848 : vector<16xf32> to vector<16xf32>
    tpu.vector_store %arg12[%swap3A_1849], %swap3A_1852 {strides = array<i32>} : memref<2048xf32, #tpu.memory_space<vmem>>, vector<16xf32>,
    %add3A_1853 = arith.constant 1696 : i32
    %add3A_1854 = arith.addi %add3A_1853, %squeeze3A_1816 : i32
    %get3A_1855 = arith.index_cast %add3A_1854 : i32 to index
    %get3A_1856 = tpu.vector_load %arg11[%get3A_1855] {strides = array<i32>} : memref<2176xf32, #tpu.memory_space<vmem>>, vector<16xf32>,
    %get3A_1857 = vector.shape_cast %get3A_1856 : vector<16xf32> to vector<16xf32>
    %swap3A_1858 = arith.constant 1600 : index
    %swap3A_1859 = tpu.vector_load %arg12[%swap3A_1858] {strides = array<i32>} : memref<2048xf32, #tpu.memory_space<vmem>>, vector<16xf32>,
    %swap3A_1860 = vector.shape_cast %swap3A_1859 : vector<16xf32> to vector<16xf32>
    %swap3A_1861 = vector.shape_cast %get3A_1857 : vector<16xf32> to vector<16xf32>
    tpu.vector_store %arg12[%swap3A_1858], %swap3A_1861 {strides = array<i32>} : memref<2048xf32, #tpu.memory_space<vmem>>, vector<16xf32>,
    %add3A_1862 = arith.constant 1712 : i32
    %add3A_1863 = arith.addi %add3A_1862, %squeeze3A_1816 : i32
    %get3A_1864 = arith.index_cast %add3A_1863 : i32 to index
    %get3A_1865 = tpu.vector_load %arg11[%get3A_1864] {strides = array<i32>} : memref<2176xf32, #tpu.memory_space<vmem>>, vector<16xf32>,
    %get3A_1866 = vector.shape_cast %get3A_1865 : vector<16xf32> to vector<16xf32>
    %swap3A_1867 = arith.constant 1616 : index
    %swap3A_1868 = tpu.vector_load %arg12[%swap3A_1867] {strides = array<i32>} : memref<2048xf32, #tpu.memory_space<vmem>>, vector<16xf32>,
    %swap3A_1869 = vector.shape_cast %swap3A_1868 : vector<16xf32> to vector<16xf32>
    %swap3A_1870 = vector.shape_cast %get3A_1866 : vector<16xf32> to vector<16xf32>
    tpu.vector_store %arg12[%swap3A_1867], %swap3A_1870 {strides = array<i32>} : memref<2048xf32, #tpu.memory_space<vmem>>, vector<16xf32>,
    %add3A_1871 = arith.constant 1728 : i32
    %add3A_1872 = arith.addi %add3A_1871, %squeeze3A_1816 : i32
    %get3A_1873 = arith.index_cast %add3A_1872 : i32 to index
    %get3A_1874 = tpu.vector_load %arg11[%get3A_1873] {strides = array<i32>} : memref<2176xf32, #tpu.memory_space<vmem>>, vector<16xf32>,
    %get3A_1875 = vector.shape_cast %get3A_1874 : vector<16xf32> to vector<16xf32>
    %swap3A_1876 = arith.constant 1632 : index
    %swap3A_1877 = tpu.vector_load %arg12[%swap3A_1876] {strides = array<i32>} : memref<2048xf32, #tpu.memory_space<vmem>>, vector<16xf32>,
    %swap3A_1878 = vector.shape_cast %swap3A_1877 : vector<16xf32> to vector<16xf32>
    %swap3A_1879 = vector.shape_cast %get3A_1875 : vector<16xf32> to vector<16xf32>
    tpu.vector_store %arg12[%swap3A_1876], %swap3A_1879 {strides = array<i32>} : memref<2048xf32, #tpu.memory_space<vmem>>, vector<16xf32>,
    %add3A_1880 = arith.constant 1744 : i32
    %add3A_1881 = arith.addi %add3A_1880, %squeeze3A_1816 : i32
    %get3A_1882 = arith.index_cast %add3A_1881 : i32 to index
    %get3A_1883 = tpu.vector_load %arg11[%get3A_1882] {strides = array<i32>} : memref<2176xf32, #tpu.memory_space<vmem>>, vector<16xf32>,
    %get3A_1884 = vector.shape_cast %get3A_1883 : vector<16xf32> to vector<16xf32>
    %swap3A_1885 = arith.constant 1648 : index
    %swap3A_1886 = tpu.vector_load %arg12[%swap3A_1885] {strides = array<i32>} : memref<2048xf32, #tpu.memory_space<vmem>>, vector<16xf32>,
    %swap3A_1887 = vector.shape_cast %swap3A_1886 : vector<16xf32> to vector<16xf32>
    %swap3A_1888 = vector.shape_cast %get3A_1884 : vector<16xf32> to vector<16xf32>
    tpu.vector_store %arg12[%swap3A_1885], %swap3A_1888 {strides = array<i32>} : memref<2048xf32, #tpu.memory_space<vmem>>, vector<16xf32>,
    %add3A_1889 = arith.constant 1760 : i32
    %add3A_1890 = arith.addi %add3A_1889, %squeeze3A_1816 : i32
    %get3A_1891 = arith.index_cast %add3A_1890 : i32 to index
    %get3A_1892 = tpu.vector_load %arg11[%get3A_1891] {strides = array<i32>} : memref<2176xf32, #tpu.memory_space<vmem>>, vector<16xf32>,
    %get3A_1893 = vector.shape_cast %get3A_1892 : vector<16xf32> to vector<16xf32>
    %swap3A_1894 = arith.constant 1664 : index
    %swap3A_1895 = tpu.vector_load %arg12[%swap3A_1894] {strides = array<i32>} : memref<2048xf32, #tpu.memory_space<vmem>>, vector<16xf32>,
    %swap3A_1896 = vector.shape_cast %swap3A_1895 : vector<16xf32> to vector<16xf32>
    %swap3A_1897 = vector.shape_cast %get3A_1893 : vector<16xf32> to vector<16xf32>
    tpu.vector_store %arg12[%swap3A_1894], %swap3A_1897 {strides = array<i32>} : memref<2048xf32, #tpu.memory_space<vmem>>, vector<16xf32>,
    %add3A_1898 = arith.constant 1776 : i32
    %add3A_1899 = arith.addi %add3A_1898, %squeeze3A_1816 : i32
    %get3A_1900 = arith.index_cast %add3A_1899 : i32 to index
    %get3A_1901 = tpu.vector_load %arg11[%get3A_1900] {strides = array<i32>} : memref<2176xf32, #tpu.memory_space<vmem>>, vector<16xf32>,
    %get3A_1902 = vector.shape_cast %get3A_1901 : vector<16xf32> to vector<16xf32>
    %swap3A_1903 = arith.constant 1680 : index
    %swap3A_1904 = tpu.vector_load %arg12[%swap3A_1903] {strides = array<i32>} : memref<2048xf32, #tpu.memory_space<vmem>>, vector<16xf32>,
    %swap3A_1905 = vector.shape_cast %swap3A_1904 : vector<16xf32> to vector<16xf32>
    %swap3A_1906 = vector.shape_cast %get3A_1902 : vector<16xf32> to vector<16xf32>
    tpu.vector_store %arg12[%swap3A_1903], %swap3A_1906 {strides = array<i32>} : memref<2048xf32, #tpu.memory_space<vmem>>, vector<16xf32>,
    %add3A_1907 = arith.constant 1792 : i32
    %add3A_1908 = arith.addi %add3A_1907, %squeeze3A_1816 : i32
    %get3A_1909 = arith.index_cast %add3A_1908 : i32 to index
    %get3A_1910 = tpu.vector_load %arg11[%get3A_1909] {strides = array<i32>} : memref<2176xf32, #tpu.memory_space<vmem>>, vector<16xf32>,
    %get3A_1911 = vector.shape_cast %get3A_1910 : vector<16xf32> to vector<16xf32>
    %swap3A_1912 = arith.constant 1696 : index
    %swap3A_1913 = tpu.vector_load %arg12[%swap3A_1912] {strides = array<i32>} : memref<2048xf32, #tpu.memory_space<vmem>>, vector<16xf32>,
    %swap3A_1914 = vector.shape_cast %swap3A_1913 : vector<16xf32> to vector<16xf32>
    %swap3A_1915 = vector.shape_cast %get3A_1911 : vector<16xf32> to vector<16xf32>
    tpu.vector_store %arg12[%swap3A_1912], %swap3A_1915 {strides = array<i32>} : memref<2048xf32, #tpu.memory_space<vmem>>, vector<16xf32>,
    %add3A_1916 = arith.constant 1808 : i32
    %add3A_1917 = arith.addi %add3A_1916, %squeeze3A_1816 : i32
    %get3A_1918 = arith.index_cast %add3A_1917 : i32 to index
    %get3A_1919 = tpu.vector_load %arg11[%get3A_1918] {strides = array<i32>} : memref<2176xf32, #tpu.memory_space<vmem>>, vector<16xf32>,
    %get3A_1920 = vector.shape_cast %get3A_1919 : vector<16xf32> to vector<16xf32>
    %swap3A_1921 = arith.constant 1712 : index
    %swap3A_1922 = tpu.vector_load %arg12[%swap3A_1921] {strides = array<i32>} : memref<2048xf32, #tpu.memory_space<vmem>>, vector<16xf32>,
    %swap3A_1923 = vector.shape_cast %swap3A_1922 : vector<16xf32> to vector<16xf32>
    %swap3A_1924 = vector.shape_cast %get3A_1920 : vector<16xf32> to vector<16xf32>
    tpu.vector_store %arg12[%swap3A_1921], %swap3A_1924 {strides = array<i32>} : memref<2048xf32, #tpu.memory_space<vmem>>, vector<16xf32>,
    %add3A_1925 = arith.constant 1824 : i32
    %add3A_1926 = arith.addi %add3A_1925, %squeeze3A_1816 : i32
    %get3A_1927 = arith.index_cast %add3A_1926 : i32 to index
    %get3A_1928 = tpu.vector_load %arg11[%get3A_1927] {strides = array<i32>} : memref<2176xf32, #tpu.memory_space<vmem>>, vector<16xf32>,
    %get3A_1929 = vector.shape_cast %get3A_1928 : vector<16xf32> to vector<16xf32>
    %swap3A_1930 = arith.constant 1728 : index
    %swap3A_1931 = tpu.vector_load %arg12[%swap3A_1930] {strides = array<i32>} : memref<2048xf32, #tpu.memory_space<vmem>>, vector<16xf32>,
    %swap3A_1932 = vector.shape_cast %swap3A_1931 : vector<16xf32> to vector<16xf32>
    %swap3A_1933 = vector.shape_cast %get3A_1929 : vector<16xf32> to vector<16xf32>
    tpu.vector_store %arg12[%swap3A_1930], %swap3A_1933 {strides = array<i32>} : memref<2048xf32, #tpu.memory_space<vmem>>, vector<16xf32>,
    %add3A_1934 = arith.constant 1840 : i32
    %add3A_1935 = arith.addi %add3A_1934, %squeeze3A_1816 : i32
    %get3A_1936 = arith.index_cast %add3A_1935 : i32 to index
    %get3A_1937 = tpu.vector_load %arg11[%get3A_1936] {strides = array<i32>} : memref<2176xf32, #tpu.memory_space<vmem>>, vector<16xf32>,
    %get3A_1938 = vector.shape_cast %get3A_1937 : vector<16xf32> to vector<16xf32>
    %swap3A_1939 = arith.constant 1744 : index
    %swap3A_1940 = tpu.vector_load %arg12[%swap3A_1939] {strides = array<i32>} : memref<2048xf32, #tpu.memory_space<vmem>>, vector<16xf32>,
    %swap3A_1941 = vector.shape_cast %swap3A_1940 : vector<16xf32> to vector<16xf32>
    %swap3A_1942 = vector.shape_cast %get3A_1938 : vector<16xf32> to vector<16xf32>
    tpu.vector_store %arg12[%swap3A_1939], %swap3A_1942 {strides = array<i32>} : memref<2048xf32, #tpu.memory_space<vmem>>, vector<16xf32>,
    %add3A_1943 = arith.constant 1856 : i32
    %add3A_1944 = arith.addi %add3A_1943, %squeeze3A_1816 : i32
    %get3A_1945 = arith.index_cast %add3A_1944 : i32 to index
    %get3A_1946 = tpu.vector_load %arg11[%get3A_1945] {strides = array<i32>} : memref<2176xf32, #tpu.memory_space<vmem>>, vector<16xf32>,
    %get3A_1947 = vector.shape_cast %get3A_1946 : vector<16xf32> to vector<16xf32>
    %swap3A_1948 = arith.constant 1760 : index
    %swap3A_1949 = tpu.vector_load %arg12[%swap3A_1948] {strides = array<i32>} : memref<2048xf32, #tpu.memory_space<vmem>>, vector<16xf32>,
    %swap3A_1950 = vector.shape_cast %swap3A_1949 : vector<16xf32> to vector<16xf32>
    %swap3A_1951 = vector.shape_cast %get3A_1947 : vector<16xf32> to vector<16xf32>
    tpu.vector_store %arg12[%swap3A_1948], %swap3A_1951 {strides = array<i32>} : memref<2048xf32, #tpu.memory_space<vmem>>, vector<16xf32>,
    %add3A_1952 = arith.constant 1872 : i32
    %add3A_1953 = arith.addi %add3A_1952, %squeeze3A_1816 : i32
    %get3A_1954 = arith.index_cast %add3A_1953 : i32 to index
    %get3A_1955 = tpu.vector_load %arg11[%get3A_1954] {strides = array<i32>} : memref<2176xf32, #tpu.memory_space<vmem>>, vector<16xf32>,
    %get3A_1956 = vector.shape_cast %get3A_1955 : vector<16xf32> to vector<16xf32>
    %swap3A_1957 = arith.constant 1776 : index
    %swap3A_1958 = tpu.vector_load %arg12[%swap3A_1957] {strides = array<i32>} : memref<2048xf32, #tpu.memory_space<vmem>>, vector<16xf32>,
    %swap3A_1959 = vector.shape_cast %swap3A_1958 : vector<16xf32> to vector<16xf32>
    %swap3A_1960 = vector.shape_cast %get3A_1956 : vector<16xf32> to vector<16xf32>
    tpu.vector_store %arg12[%swap3A_1957], %swap3A_1960 {strides = array<i32>} : memref<2048xf32, #tpu.memory_space<vmem>>, vector<16xf32>,
    %slice3A_1961 = vector.extract_strided_slice %sub3A {offsets = [7], sizes = [1], strides = [1]} : vector<16xi32> to vector<1xi32>
    %squeeze3A_1962 = vector.extract %slice3A_1961[0] : i32 from vector<1xi32>
    %add3A_1963 = arith.constant 1904 : i32
    %add3A_1964 = arith.addi %add3A_1963, %squeeze3A_1962 : i32
    %get3A_1965 = arith.index_cast %add3A_1964 : i32 to index
    %get3A_1966 = tpu.vector_load %arg11[%get3A_1965] {strides = array<i32>} : memref<2176xf32, #tpu.memory_space<vmem>>, vector<16xf32>,
    %get3A_1967 = vector.shape_cast %get3A_1966 : vector<16xf32> to vector<16xf32>
    %swap3A_1968 = arith.constant 1792 : index
    %swap3A_1969 = tpu.vector_load %arg12[%swap3A_1968] {strides = array<i32>} : memref<2048xf32, #tpu.memory_space<vmem>>, vector<16xf32>,
    %swap3A_1970 = vector.shape_cast %swap3A_1969 : vector<16xf32> to vector<16xf32>
    %swap3A_1971 = vector.shape_cast %get3A_1967 : vector<16xf32> to vector<16xf32>
    tpu.vector_store %arg12[%swap3A_1968], %swap3A_1971 {strides = array<i32>} : memref<2048xf32, #tpu.memory_space<vmem>>, vector<16xf32>,
    %add3A_1972 = arith.constant 1920 : i32
    %add3A_1973 = arith.addi %add3A_1972, %squeeze3A_1962 : i32
    %get3A_1974 = arith.index_cast %add3A_1973 : i32 to index
    %get3A_1975 = tpu.vector_load %arg11[%get3A_1974] {strides = array<i32>} : memref<2176xf32, #tpu.memory_space<vmem>>, vector<16xf32>,
    %get3A_1976 = vector.shape_cast %get3A_1975 : vector<16xf32> to vector<16xf32>
    %swap3A_1977 = arith.constant 1808 : index
    %swap3A_1978 = tpu.vector_load %arg12[%swap3A_1977] {strides = array<i32>} : memref<2048xf32, #tpu.memory_space<vmem>>, vector<16xf32>,
    %swap3A_1979 = vector.shape_cast %swap3A_1978 : vector<16xf32> to vector<16xf32>
    %swap3A_1980 = vector.shape_cast %get3A_1976 : vector<16xf32> to vector<16xf32>
    tpu.vector_store %arg12[%swap3A_1977], %swap3A_1980 {strides = array<i32>} : memref<2048xf32, #tpu.memory_space<vmem>>, vector<16xf32>,
    %add3A_1981 = arith.constant 1936 : i32
    %add3A_1982 = arith.addi %add3A_1981, %squeeze3A_1962 : i32
    %get3A_1983 = arith.index_cast %add3A_1982 : i32 to index
    %get3A_1984 = tpu.vector_load %arg11[%get3A_1983] {strides = array<i32>} : memref<2176xf32, #tpu.memory_space<vmem>>, vector<16xf32>,
    %get3A_1985 = vector.shape_cast %get3A_1984 : vector<16xf32> to vector<16xf32>
    %swap3A_1986 = arith.constant 1824 : index
    %swap3A_1987 = tpu.vector_load %arg12[%swap3A_1986] {strides = array<i32>} : memref<2048xf32, #tpu.memory_space<vmem>>, vector<16xf32>,
    %swap3A_1988 = vector.shape_cast %swap3A_1987 : vector<16xf32> to vector<16xf32>
    %swap3A_1989 = vector.shape_cast %get3A_1985 : vector<16xf32> to vector<16xf32>
    tpu.vector_store %arg12[%swap3A_1986], %swap3A_1989 {strides = array<i32>} : memref<2048xf32, #tpu.memory_space<vmem>>, vector<16xf32>,
    %add3A_1990 = arith.constant 1952 : i32
    %add3A_1991 = arith.addi %add3A_1990, %squeeze3A_1962 : i32
    %get3A_1992 = arith.index_cast %add3A_1991 : i32 to index
    %get3A_1993 = tpu.vector_load %arg11[%get3A_1992] {strides = array<i32>} : memref<2176xf32, #tpu.memory_space<vmem>>, vector<16xf32>,
    %get3A_1994 = vector.shape_cast %get3A_1993 : vector<16xf32> to vector<16xf32>
    %swap3A_1995 = arith.constant 1840 : index
    %swap3A_1996 = tpu.vector_load %arg12[%swap3A_1995] {strides = array<i32>} : memref<2048xf32, #tpu.memory_space<vmem>>, vector<16xf32>,
    %swap3A_1997 = vector.shape_cast %swap3A_1996 : vector<16xf32> to vector<16xf32>
    %swap3A_1998 = vector.shape_cast %get3A_1994 : vector<16xf32> to vector<16xf32>
    tpu.vector_store %arg12[%swap3A_1995], %swap3A_1998 {strides = array<i32>} : memref<2048xf32, #tpu.memory_space<vmem>>, vector<16xf32>,
    %add3A_1999 = arith.constant 1968 : i32
    %add3A_2000 = arith.addi %add3A_1999, %squeeze3A_1962 : i32
    %get3A_2001 = arith.index_cast %add3A_2000 : i32 to index
    %get3A_2002 = tpu.vector_load %arg11[%get3A_2001] {strides = array<i32>} : memref<2176xf32, #tpu.memory_space<vmem>>, vector<16xf32>,
    %get3A_2003 = vector.shape_cast %get3A_2002 : vector<16xf32> to vector<16xf32>
    %swap3A_2004 = arith.constant 1856 : index
    %swap3A_2005 = tpu.vector_load %arg12[%swap3A_2004] {strides = array<i32>} : memref<2048xf32, #tpu.memory_space<vmem>>, vector<16xf32>,
    %swap3A_2006 = vector.shape_cast %swap3A_2005 : vector<16xf32> to vector<16xf32>
    %swap3A_2007 = vector.shape_cast %get3A_2003 : vector<16xf32> to vector<16xf32>
    tpu.vector_store %arg12[%swap3A_2004], %swap3A_2007 {strides = array<i32>} : memref<2048xf32, #tpu.memory_space<vmem>>, vector<16xf32>,
    %add3A_2008 = arith.constant 1984 : i32
    %add3A_2009 = arith.addi %add3A_2008, %squeeze3A_1962 : i32
    %get3A_2010 = arith.index_cast %add3A_2009 : i32 to index
    %get3A_2011 = tpu.vector_load %arg11[%get3A_2010] {strides = array<i32>} : memref<2176xf32, #tpu.memory_space<vmem>>, vector<16xf32>,
    %get3A_2012 = vector.shape_cast %get3A_2011 : vector<16xf32> to vector<16xf32>
    %swap3A_2013 = arith.constant 1872 : index
    %swap3A_2014 = tpu.vector_load %arg12[%swap3A_2013] {strides = array<i32>} : memref<2048xf32, #tpu.memory_space<vmem>>, vector<16xf32>,
    %swap3A_2015 = vector.shape_cast %swap3A_2014 : vector<16xf32> to vector<16xf32>
    %swap3A_2016 = vector.shape_cast %get3A_2012 : vector<16xf32> to vector<16xf32>
    tpu.vector_store %arg12[%swap3A_2013], %swap3A_2016 {strides = array<i32>} : memref<2048xf32, #tpu.memory_space<vmem>>, vector<16xf32>,
    %add3A_2017 = arith.constant 2000 : i32
    %add3A_2018 = arith.addi %add3A_2017, %squeeze3A_1962 : i32
    %get3A_2019 = arith.index_cast %add3A_2018 : i32 to index
    %get3A_2020 = tpu.vector_load %arg11[%get3A_2019] {strides = array<i32>} : memref<2176xf32, #tpu.memory_space<vmem>>, vector<16xf32>,
    %get3A_2021 = vector.shape_cast %get3A_2020 : vector<16xf32> to vector<16xf32>
    %swap3A_2022 = arith.constant 1888 : index
    %swap3A_2023 = tpu.vector_load %arg12[%swap3A_2022] {strides = array<i32>} : memref<2048xf32, #tpu.memory_space<vmem>>, vector<16xf32>,
    %swap3A_2024 = vector.shape_cast %swap3A_2023 : vector<16xf32> to vector<16xf32>
    %swap3A_2025 = vector.shape_cast %get3A_2021 : vector<16xf32> to vector<16xf32>
    tpu.vector_store %arg12[%swap3A_2022], %swap3A_2025 {strides = array<i32>} : memref<2048xf32, #tpu.memory_space<vmem>>, vector<16xf32>,
    %add3A_2026 = arith.constant 2016 : i32
    %add3A_2027 = arith.addi %add3A_2026, %squeeze3A_1962 : i32
    %get3A_2028 = arith.index_cast %add3A_2027 : i32 to index
    %get3A_2029 = tpu.vector_load %arg11[%get3A_2028] {strides = array<i32>} : memref<2176xf32, #tpu.memory_space<vmem>>, vector<16xf32>,
    %get3A_2030 = vector.shape_cast %get3A_2029 : vector<16xf32> to vector<16xf32>
    %swap3A_2031 = arith.constant 1904 : index
    %swap3A_2032 = tpu.vector_load %arg12[%swap3A_2031] {strides = array<i32>} : memref<2048xf32, #tpu.memory_space<vmem>>, vector<16xf32>,
    %swap3A_2033 = vector.shape_cast %swap3A_2032 : vector<16xf32> to vector<16xf32>
    %swap3A_2034 = vector.shape_cast %get3A_2030 : vector<16xf32> to vector<16xf32>
    tpu.vector_store %arg12[%swap3A_2031], %swap3A_2034 {strides = array<i32>} : memref<2048xf32, #tpu.memory_space<vmem>>, vector<16xf32>,
    %add3A_2035 = arith.constant 2032 : i32
    %add3A_2036 = arith.addi %add3A_2035, %squeeze3A_1962 : i32
    %get3A_2037 = arith.index_cast %add3A_2036 : i32 to index
    %get3A_2038 = tpu.vector_load %arg11[%get3A_2037] {strides = array<i32>} : memref<2176xf32, #tpu.memory_space<vmem>>, vector<16xf32>,
    %get3A_2039 = vector.shape_cast %get3A_2038 : vector<16xf32> to vector<16xf32>
    %swap3A_2040 = arith.constant 1920 : index
    %swap3A_2041 = tpu.vector_load %arg12[%swap3A_2040] {strides = array<i32>} : memref<2048xf32, #tpu.memory_space<vmem>>, vector<16xf32>,
    %swap3A_2042 = vector.shape_cast %swap3A_2041 : vector<16xf32> to vector<16xf32>
    %swap3A_2043 = vector.shape_cast %get3A_2039 : vector<16xf32> to vector<16xf32>
    tpu.vector_store %arg12[%swap3A_2040], %swap3A_2043 {strides = array<i32>} : memref<2048xf32, #tpu.memory_space<vmem>>, vector<16xf32>,
    %add3A_2044 = arith.constant 2048 : i32
    %add3A_2045 = arith.addi %add3A_2044, %squeeze3A_1962 : i32
    %get3A_2046 = arith.index_cast %add3A_2045 : i32 to index
    %get3A_2047 = tpu.vector_load %arg11[%get3A_2046] {strides = array<i32>} : memref<2176xf32, #tpu.memory_space<vmem>>, vector<16xf32>,
    %get3A_2048 = vector.shape_cast %get3A_2047 : vector<16xf32> to vector<16xf32>
    %swap3A_2049 = arith.constant 1936 : index
    %swap3A_2050 = tpu.vector_load %arg12[%swap3A_2049] {strides = array<i32>} : memref<2048xf32, #tpu.memory_space<vmem>>, vector<16xf32>,
    %swap3A_2051 = vector.shape_cast %swap3A_2050 : vector<16xf32> to vector<16xf32>
    %swap3A_2052 = vector.shape_cast %get3A_2048 : vector<16xf32> to vector<16xf32>
    tpu.vector_store %arg12[%swap3A_2049], %swap3A_2052 {strides = array<i32>} : memref<2048xf32, #tpu.memory_space<vmem>>, vector<16xf32>,
    %add3A_2053 = arith.constant 2064 : i32
    %add3A_2054 = arith.addi %add3A_2053, %squeeze3A_1962 : i32
    %get3A_2055 = arith.index_cast %add3A_2054 : i32 to index
    %get3A_2056 = tpu.vector_load %arg11[%get3A_2055] {strides = array<i32>} : memref<2176xf32, #tpu.memory_space<vmem>>, vector<16xf32>,
    %get3A_2057 = vector.shape_cast %get3A_2056 : vector<16xf32> to vector<16xf32>
    %swap3A_2058 = arith.constant 1952 : index
    %swap3A_2059 = tpu.vector_load %arg12[%swap3A_2058] {strides = array<i32>} : memref<2048xf32, #tpu.memory_space<vmem>>, vector<16xf32>,
    %swap3A_2060 = vector.shape_cast %swap3A_2059 : vector<16xf32> to vector<16xf32>
    %swap3A_2061 = vector.shape_cast %get3A_2057 : vector<16xf32> to vector<16xf32>
    tpu.vector_store %arg12[%swap3A_2058], %swap3A_2061 {strides = array<i32>} : memref<2048xf32, #tpu.memory_space<vmem>>, vector<16xf32>,
    %add3A_2062 = arith.constant 2080 : i32
    %add3A_2063 = arith.addi %add3A_2062, %squeeze3A_1962 : i32
    %get3A_2064 = arith.index_cast %add3A_2063 : i32 to index
    %get3A_2065 = tpu.vector_load %arg11[%get3A_2064] {strides = array<i32>} : memref<2176xf32, #tpu.memory_space<vmem>>, vector<16xf32>,
    %get3A_2066 = vector.shape_cast %get3A_2065 : vector<16xf32> to vector<16xf32>
    %swap3A_2067 = arith.constant 1968 : index
    %swap3A_2068 = tpu.vector_load %arg12[%swap3A_2067] {strides = array<i32>} : memref<2048xf32, #tpu.memory_space<vmem>>, vector<16xf32>,
    %swap3A_2069 = vector.shape_cast %swap3A_2068 : vector<16xf32> to vector<16xf32>
    %swap3A_2070 = vector.shape_cast %get3A_2066 : vector<16xf32> to vector<16xf32>
    tpu.vector_store %arg12[%swap3A_2067], %swap3A_2070 {strides = array<i32>} : memref<2048xf32, #tpu.memory_space<vmem>>, vector<16xf32>,
    %add3A_2071 = arith.constant 2096 : i32
    %add3A_2072 = arith.addi %add3A_2071, %squeeze3A_1962 : i32
    %get3A_2073 = arith.index_cast %add3A_2072 : i32 to index
    %get3A_2074 = tpu.vector_load %arg11[%get3A_2073] {strides = array<i32>} : memref<2176xf32, #tpu.memory_space<vmem>>, vector<16xf32>,
    %get3A_2075 = vector.shape_cast %get3A_2074 : vector<16xf32> to vector<16xf32>
    %swap3A_2076 = arith.constant 1984 : index
    %swap3A_2077 = tpu.vector_load %arg12[%swap3A_2076] {strides = array<i32>} : memref<2048xf32, #tpu.memory_space<vmem>>, vector<16xf32>,
    %swap3A_2078 = vector.shape_cast %swap3A_2077 : vector<16xf32> to vector<16xf32>
    %swap3A_2079 = vector.shape_cast %get3A_2075 : vector<16xf32> to vector<16xf32>
    tpu.vector_store %arg12[%swap3A_2076], %swap3A_2079 {strides = array<i32>} : memref<2048xf32, #tpu.memory_space<vmem>>, vector<16xf32>,
    %add3A_2080 = arith.constant 2112 : i32
    %add3A_2081 = arith.addi %add3A_2080, %squeeze3A_1962 : i32
    %get3A_2082 = arith.index_cast %add3A_2081 : i32 to index
    %get3A_2083 = tpu.vector_load %arg11[%get3A_2082] {strides = array<i32>} : memref<2176xf32, #tpu.memory_space<vmem>>, vector<16xf32>,
    %get3A_2084 = vector.shape_cast %get3A_2083 : vector<16xf32> to vector<16xf32>
    %swap3A_2085 = arith.constant 2000 : index
    %swap3A_2086 = tpu.vector_load %arg12[%swap3A_2085] {strides = array<i32>} : memref<2048xf32, #tpu.memory_space<vmem>>, vector<16xf32>,
    %swap3A_2087 = vector.shape_cast %swap3A_2086 : vector<16xf32> to vector<16xf32>
    %swap3A_2088 = vector.shape_cast %get3A_2084 : vector<16xf32> to vector<16xf32>
    tpu.vector_store %arg12[%swap3A_2085], %swap3A_2088 {strides = array<i32>} : memref<2048xf32, #tpu.memory_space<vmem>>, vector<16xf32>,
    %add3A_2089 = arith.constant 2128 : i32
    %add3A_2090 = arith.addi %add3A_2089, %squeeze3A_1962 : i32
    %get3A_2091 = arith.index_cast %add3A_2090 : i32 to index
    %get3A_2092 = tpu.vector_load %arg11[%get3A_2091] {strides = array<i32>} : memref<2176xf32, #tpu.memory_space<vmem>>, vector<16xf32>,
    %get3A_2093 = vector.shape_cast %get3A_2092 : vector<16xf32> to vector<16xf32>
    %swap3A_2094 = arith.constant 2016 : index
    %swap3A_2095 = tpu.vector_load %arg12[%swap3A_2094] {strides = array<i32>} : memref<2048xf32, #tpu.memory_space<vmem>>, vector<16xf32>,
    %swap3A_2096 = vector.shape_cast %swap3A_2095 : vector<16xf32> to vector<16xf32>
    %swap3A_2097 = vector.shape_cast %get3A_2093 : vector<16xf32> to vector<16xf32>
    tpu.vector_store %arg12[%swap3A_2094], %swap3A_2097 {strides = array<i32>} : memref<2048xf32, #tpu.memory_space<vmem>>, vector<16xf32>,
    %add3A_2098 = arith.constant 2144 : i32
    %add3A_2099 = arith.addi %add3A_2098, %squeeze3A_1962 : i32
    %get3A_2100 = arith.index_cast %add3A_2099 : i32 to index
    %get3A_2101 = tpu.vector_load %arg11[%get3A_2100] {strides = array<i32>} : memref<2176xf32, #tpu.memory_space<vmem>>, vector<16xf32>,
    %get3A_2102 = vector.shape_cast %get3A_2101 : vector<16xf32> to vector<16xf32>
    %swap3A_2103 = arith.constant 2032 : index
    %swap3A_2104 = tpu.vector_load %arg12[%swap3A_2103] {strides = array<i32>} : memref<2048xf32, #tpu.memory_space<vmem>>, vector<16xf32>,
    %swap3A_2105 = vector.shape_cast %swap3A_2104 : vector<16xf32> to vector<16xf32>
    %swap3A_2106 = vector.shape_cast %get3A_2102 : vector<16xf32> to vector<16xf32>
    tpu.vector_store %arg12[%swap3A_2103], %swap3A_2106 {strides = array<i32>} : memref<2048xf32, #tpu.memory_space<vmem>>, vector<16xf32>,
    %mul3A_2107 = arith.constant 8 : i32
    %mul3A_2108 = arith.muli %add3A, %mul3A_2107 : i32
    %mul3A_2109 = arith.constant 256 : i32
    %mul3A_2110 = arith.muli %mul3A_2108, %mul3A_2109 : i32
    %dma_start3A_2111 = tpu.memref_slice %arg7[%mul3A_2110] : memref<65536xf32, #tpu.memory_space<hbm>> -> memref<2048xf32, #tpu.memory_space<hbm>>
    %dma_start3A_2112 = tpu.memref_slice %arg7[%mul3A_2110] : memref<65536xf32, #tpu.memory_space<hbm>> -> memref<2048xf32, #tpu.memory_space<hbm>>
    tpu.enqueue_dma source(%arg12 : memref<2048xf32, #tpu.memory_space<vmem>>) target(%dma_start3A_2112 : memref<2048xf32, #tpu.memory_space<hbm>>) target_semaphore(%arg15 : memref<!tpu.dma_semaphore, #tpu.memory_space<semaphore_mem>>)
    %mul3A_2113 = arith.constant 128 : i32
    %mul3A_2114 = arith.muli %mul3A_2, %mul3A_2113 : i32
    %add3A_2115 = arith.constant 1536 : i32
    %add3A_2116 = arith.addi %mul3A_2114, %add3A_2115 : i32
    %dma_wait3A_2117 = arith.constant 5 : i32
    %dma_wait3A_2118 = arith.constant 0 : i32
    %dma_wait3A_2119 = arith.constant 0 : i32
    %dma_wait3A_2120 = tpu.memref_slice %arg10[%dma_wait3A_2117, %dma_wait3A_2118, %dma_wait3A_2119] : memref<7x128x128xf32, #tpu.memory_space<vmem>> -> memref<1x128x128xf32, #tpu.memory_space<vmem>>
    %dma_wait3A_2121 = tpu.memref_squeeze %dma_wait3A_2120 : memref<1x128x128xf32, #tpu.memory_space<vmem>> -> memref<128x128xf32, #tpu.memory_space<vmem>>
    %dma_wait3A_2122 = arith.constant 0 : i32
    %dma_wait3A_2123 = tpu.memref_slice %arg6[%add3A_2116, %dma_wait3A_2122] : memref<65536x128xf32, #tpu.memory_space<hbm>> -> memref<128x128xf32, #tpu.memory_space<hbm>>
    %dma_wait3A_2124 = arith.constant 0 : i32
    %dma_wait3A_2125 = tpu.memref_slice %arg6[%add3A_2116, %dma_wait3A_2124] : memref<65536x128xf32, #tpu.memory_space<hbm>> -> memref<128x128xf32, #tpu.memory_space<hbm>>
    %dma_wait3A_2126 = arith.constant 0 : i32
    %dma_wait3A_2127 = arith.constant 0 : i32
    %dma_wait3A_2128 = tpu.memref_slice %arg10[%dma_wait3A_2117, %dma_wait3A_2126, %dma_wait3A_2127] : memref<7x128x128xf32, #tpu.memory_space<vmem>> -> memref<1x128x128xf32, #tpu.memory_space<vmem>>
    %dma_wait3A_2129 = tpu.memref_squeeze %dma_wait3A_2128 : memref<1x128x128xf32, #tpu.memory_space<vmem>> -> memref<128x128xf32, #tpu.memory_space<vmem>>
    tpu.wait_dma2 semaphore(%arg14 : memref<!tpu.dma_semaphore, #tpu.memory_space<semaphore_mem>>) src(%dma_wait3A_2129 : memref<128x128xf32, #tpu.memory_space<vmem>>) dst(%dma_wait3A_2125 : memref<128x128xf32, #tpu.memory_space<hbm>>)
    %mul3A_2130 = arith.constant 128 : i32
    %mul3A_2131 = arith.muli %mul3A_2, %mul3A_2130 : i32
    %add3A_2132 = arith.constant 1664 : i32
    %add3A_2133 = arith.addi %mul3A_2131, %add3A_2132 : i32
    %dma_wait3A_2134 = arith.constant 6 : i32
    %dma_wait3A_2135 = arith.constant 0 : i32
    %dma_wait3A_2136 = arith.constant 0 : i32
    %dma_wait3A_2137 = tpu.memref_slice %arg10[%dma_wait3A_2134, %dma_wait3A_2135, %dma_wait3A_2136] : memref<7x128x128xf32, #tpu.memory_space<vmem>> -> memref<1x128x128xf32, #tpu.memory_space<vmem>>
    %dma_wait3A_2138 = tpu.memref_squeeze %dma_wait3A_2137 : memref<1x128x128xf32, #tpu.memory_space<vmem>> -> memref<128x128xf32, #tpu.memory_space<vmem>>
    %dma_wait3A_2139 = arith.constant 0 : i32
    %dma_wait3A_2140 = tpu.memref_slice %arg6[%add3A_2133, %dma_wait3A_2139] : memref<65536x128xf32, #tpu.memory_space<hbm>> -> memref<128x128xf32, #tpu.memory_space<hbm>>
    %dma_wait3A_2141 = arith.constant 0 : i32
    %dma_wait3A_2142 = tpu.memref_slice %arg6[%add3A_2133, %dma_wait3A_2141] : memref<65536x128xf32, #tpu.memory_space<hbm>> -> memref<128x128xf32, #tpu.memory_space<hbm>>
    %dma_wait3A_2143 = arith.constant 0 : i32
    %dma_wait3A_2144 = arith.constant 0 : i32
    %dma_wait3A_2145 = tpu.memref_slice %arg10[%dma_wait3A_2134, %dma_wait3A_2143, %dma_wait3A_2144] : memref<7x128x128xf32, #tpu.memory_space<vmem>> -> memref<1x128x128xf32, #tpu.memory_space<vmem>>
    %dma_wait3A_2146 = tpu.memref_squeeze %dma_wait3A_2145 : memref<1x128x128xf32, #tpu.memory_space<vmem>> -> memref<128x128xf32, #tpu.memory_space<vmem>>
    tpu.wait_dma2 semaphore(%arg14 : memref<!tpu.dma_semaphore, #tpu.memory_space<semaphore_mem>>) src(%dma_wait3A_2146 : memref<128x128xf32, #tpu.memory_space<vmem>>) dst(%dma_wait3A_2142 : memref<128x128xf32, #tpu.memory_space<hbm>>)
    %mul3A_2147 = arith.constant 128 : i32
    %mul3A_2148 = arith.muli %mul3A_2, %mul3A_2147 : i32
    %add3A_2149 = arith.constant 1792 : i32
    %add3A_2150 = arith.addi %mul3A_2148, %add3A_2149 : i32
    %dma_wait3A_2151 = arith.constant 0 : i32
    %dma_wait3A_2152 = arith.constant 0 : i32
    %dma_wait3A_2153 = arith.constant 0 : i32
    %dma_wait3A_2154 = tpu.memref_slice %arg10[%dma_wait3A_2151, %dma_wait3A_2152, %dma_wait3A_2153] : memref<7x128x128xf32, #tpu.memory_space<vmem>> -> memref<1x128x128xf32, #tpu.memory_space<vmem>>
    %dma_wait3A_2155 = tpu.memref_squeeze %dma_wait3A_2154 : memref<1x128x128xf32, #tpu.memory_space<vmem>> -> memref<128x128xf32, #tpu.memory_space<vmem>>
    %dma_wait3A_2156 = arith.constant 0 : i32
    %dma_wait3A_2157 = tpu.memref_slice %arg6[%add3A_2150, %dma_wait3A_2156] : memref<65536x128xf32, #tpu.memory_space<hbm>> -> memref<128x128xf32, #tpu.memory_space<hbm>>
    %dma_wait3A_2158 = arith.constant 0 : i32
    %dma_wait3A_2159 = tpu.memref_slice %arg6[%add3A_2150, %dma_wait3A_2158] : memref<65536x128xf32, #tpu.memory_space<hbm>> -> memref<128x128xf32, #tpu.memory_space<hbm>>
    %dma_wait3A_2160 = arith.constant 0 : i32
    %dma_wait3A_2161 = arith.constant 0 : i32
    %dma_wait3A_2162 = tpu.memref_slice %arg10[%dma_wait3A_2151, %dma_wait3A_2160, %dma_wait3A_2161] : memref<7x128x128xf32, #tpu.memory_space<vmem>> -> memref<1x128x128xf32, #tpu.memory_space<vmem>>
    %dma_wait3A_2163 = tpu.memref_squeeze %dma_wait3A_2162 : memref<1x128x128xf32, #tpu.memory_space<vmem>> -> memref<128x128xf32, #tpu.memory_space<vmem>>
    tpu.wait_dma2 semaphore(%arg14 : memref<!tpu.dma_semaphore, #tpu.memory_space<semaphore_mem>>) src(%dma_wait3A_2163 : memref<128x128xf32, #tpu.memory_space<vmem>>) dst(%dma_wait3A_2159 : memref<128x128xf32, #tpu.memory_space<hbm>>)
    %mul3A_2164 = arith.constant 128 : i32
    %mul3A_2165 = arith.muli %mul3A_2, %mul3A_2164 : i32
    %add3A_2166 = arith.constant 1920 : i32
    %add3A_2167 = arith.addi %mul3A_2165, %add3A_2166 : i32
    %dma_wait3A_2168 = arith.constant 1 : i32
    %dma_wait3A_2169 = arith.constant 0 : i32
    %dma_wait3A_2170 = arith.constant 0 : i32
    %dma_wait3A_2171 = tpu.memref_slice %arg10[%dma_wait3A_2168, %dma_wait3A_2169, %dma_wait3A_2170] : memref<7x128x128xf32, #tpu.memory_space<vmem>> -> memref<1x128x128xf32, #tpu.memory_space<vmem>>
    %dma_wait3A_2172 = tpu.memref_squeeze %dma_wait3A_2171 : memref<1x128x128xf32, #tpu.memory_space<vmem>> -> memref<128x128xf32, #tpu.memory_space<vmem>>
    %dma_wait3A_2173 = arith.constant 0 : i32
    %dma_wait3A_2174 = tpu.memref_slice %arg6[%add3A_2167, %dma_wait3A_2173] : memref<65536x128xf32, #tpu.memory_space<hbm>> -> memref<128x128xf32, #tpu.memory_space<hbm>>
    %dma_wait3A_2175 = arith.constant 0 : i32
    %dma_wait3A_2176 = tpu.memref_slice %arg6[%add3A_2167, %dma_wait3A_2175] : memref<65536x128xf32, #tpu.memory_space<hbm>> -> memref<128x128xf32, #tpu.memory_space<hbm>>
    %dma_wait3A_2177 = arith.constant 0 : i32
    %dma_wait3A_2178 = arith.constant 0 : i32
    %dma_wait3A_2179 = tpu.memref_slice %arg10[%dma_wait3A_2168, %dma_wait3A_2177, %dma_wait3A_2178] : memref<7x128x128xf32, #tpu.memory_space<vmem>> -> memref<1x128x128xf32, #tpu.memory_space<vmem>>
    %dma_wait3A_2180 = tpu.memref_squeeze %dma_wait3A_2179 : memref<1x128x128xf32, #tpu.memory_space<vmem>> -> memref<128x128xf32, #tpu.memory_space<vmem>>
    tpu.wait_dma2 semaphore(%arg14 : memref<!tpu.dma_semaphore, #tpu.memory_space<semaphore_mem>>) src(%dma_wait3A_2180 : memref<128x128xf32, #tpu.memory_space<vmem>>) dst(%dma_wait3A_2176 : memref<128x128xf32, #tpu.memory_space<hbm>>)
    %dma_wait3A_2181 = tpu.memref_slice %arg7[%mul3A_2110] : memref<65536xf32, #tpu.memory_space<hbm>> -> memref<2048xf32, #tpu.memory_space<hbm>>
    %dma_wait3A_2182 = tpu.memref_slice %arg7[%mul3A_2110] : memref<65536xf32, #tpu.memory_space<hbm>> -> memref<2048xf32, #tpu.memory_space<hbm>>
    tpu.wait_dma2 semaphore(%arg15 : memref<!tpu.dma_semaphore, #tpu.memory_space<semaphore_mem>>) src(%arg12 : memref<2048xf32, #tpu.memory_space<vmem>>) dst(%dma_wait3A_2182 : memref<2048xf32, #tpu.memory_space<hbm>>)
    return
  }
}

</mosaic_0001>

<sc_bundles>
// kernel: kernel.3.cloned.1.call-start
scs
__scs_entry_jumppad:
0x0: {  	(pc) =	sbr.rel $0x88, $3  }
0x1: {  	(tag) =	ssettag $0x0;
	lr =	simm.s32 $0x1  }
0x2: {  	[smem:$0x3F9F] =	sst lr;
	_ =	strace $0xD0000000  }
0x3: {  	_ = 	snop  }
0x4: {  	_ = 	snop  }
0x5: {  	_ = 	snop  }
0x6: {  	_ = 	snop  }
0x7: {  	_ = 	snop  }
__scs_overlays_trampoline_lowered:
0x8: {  	[smem:$0x3FAE] =	sst s0  }
0x9: {  	[smem:$0x3FAF] =	sst s1  }
0xa: {  	[smem:$0x3FB0] =	sst s2  }
0xb: {  	[smem:$0x3FB1] =	sst s3  }
0xc: {  	[smem:$0x3FB2] =	sst s4  }
0xd: {  	[smem:$0x3FB3] =	sst s5  }
0xe: {  	[smem:$0x3FB4] =	sst s6  }
0xf: {  	[smem:$0x3FB5] =	sst s7  }
0x10: {  	[smem:$0x3FB6] =	sst s8  }
0x11: {  	[smem:$0x3FB7] =	sst s9;
	s0 =	simm.s32 @!p0 $0x0  }
0x12: {  	s1 =	sld [smem:$0x3F9D];
	s0 =	simm.s32 @p0 $0x1  }
0x13: {  	[smem:$0x3FB8] =	sst s0;
	s0 =	simm.s32 @!p1 $0x0  }
0x14: {  	s2 =	sld [smem:$0x3F9C];
	s0 =	simm.s32 @p1 $0x1  }
0x15: {  	[smem:$0x3FB9] =	sst s0;
	s0 =	simm.s32 @!p2 $0x0  }
0x16: {  	s3 =	sld [smem:$0x3FDB];
	s0 =	simm.s32 @p2 $0x1  }
0x17: {  	s4 =	simm.s32 $0x1BF5;
	[smem:$0x3FBB] =	sst s0  }
0x18: {  	s0 =	sld [smem:$0x3F9E];
	_ =	swait.ge [sflag:s4], $0x0  }
0x19: {  	s7 =	sld [smem:$0x3F9F]  }
0x1a: {  	s8 =	sadd.s32 $0xFFFFE003, lr  }
0x1b: {  	s9 =	sadd.s32 $0xFFFFFEF7, lr;
	s5 =	simm.s32 $0xFFFFFFFF;
	p2 =	slt.u32 s8, $0xFFFFF086  }
0x1c: {  	p1 =	slt.u32 s9, $0xF7A;
	s5 =	simm.s32 @!p2 $0x0  }
0x1d: {  	s5 =	simm.s32 @p1 $0x1;
	p0 =	seq.s32 s7, s2  }
0x1e: {  	s7 =	smul.u32 @!p0 $0xF7A, s2;
	p2 =	seq.s32 @!p0 s5, $0x0  }
0x1f: {  	s9 =	smul.u32 $0xF7A, s1;
	s8 =	simm.s32 @!p0 $0x1BF5;
	p2 =	por !p2, p0  }
0x20: {  	[sflag:s8] =	ssyncset.s32 @!p0 $0xFFFFF086;
	s6 =	sadd.s32 @!p0 s3, s7;
	s7 =	simm.s32 @!p0 $0x108  }
0x21: {  	s3 =	sadd.s32 s3, s9;
	s6 =	sadd.s32 @!p0 $0x88, s6;
	s7 =	simm.s32 @p2 $0x1082  }
0x22: {  	[simem:s7], [sflag:s8] =	dma.local @!p0 [hbm:s6], $0xF7A  }
0x23: {  	s9 =	sor.u32 $0xD0000000, s2;
	s6 =	simm.s32 $0x108;
	_ =	swait.ge @!p0 [sflag:s8], $0x0  }
0x24: {  	s3 =	sadd.s32 $0x88, s3;
	s6 =	simm.s32 @!p1 $0x1082;
	[sflag:s4] =	ssyncset.s32 $0xFFFFF086  }
0x25: {  	[simem:s6], [sflag:s4] =	dma.local [hbm:s3], $0xF7A  }
0x26: {  	[smem:$0x3F9F] =	sst s1;
	(tag) =	ssettag s2;
	_ =	strace s9  }
0x27: {  	s1 =	sld [smem:$0x3FAF]  }
0x28: {  	s2 =	sld [smem:$0x3FB0]  }
0x29: {  	s4 =	sld [smem:$0x3FB2]  }
0x2a: {  	p0 =	seq.s32 s5, $0x0;
	s5 =	sld [smem:$0x3FB3]  }
0x2b: {  	s6 =	sld [smem:$0x3FB4]  }
0x2c: {  	s7 =	sld [smem:$0x3FB5]  }
0x2d: {  	s3 =	simm.s32 $0x108;
	s8 =	sld [smem:$0x3FB6]  }
0x2e: {  	s3 =	simm.s32 @!p0 $0x1082;
	s9 =	sld [smem:$0x3FB7]  }
0x2f: {  	lr =	sadd.s32 s0, s3;
	s0 =	sld [smem:$0x3FAE]  }
0x30: {  	s3 =	sld [smem:$0x3FB1]  }
0x31: {  	[smem:$0x3FBA] =	sst s10  }
0x32: {  	s10 =	sld [smem:$0x3FB8];
	_ =	sdelay $0x3  }
0x33: {  	p0 =	seq.s32 s10, $0x1;
	s10 =	sld [smem:$0x3FBA];
	_ =	sdelay $0x3  }
0x34: {  	[smem:$0x3FBA] =	sst s10  }
0x35: {  	s10 =	sld [smem:$0x3FB9];
	_ =	sdelay $0x3  }
0x36: {  	p1 =	seq.s32 s10, $0x1;
	s10 =	sld [smem:$0x3FBA];
	_ =	sdelay $0x3  }
0x37: {  	[smem:$0x3FBA] =	sst s10  }
0x38: {  	s10 =	sld [smem:$0x3FBB]  }
0x39: {  	_ = 	snop;
	(pc) =	sbr.ind lr, $3  }
0x3a: {  	_ = 	snop  }
0x3b: {  	_ = 	snop  }
0x3c: {  	p2 =	seq.s32 s10, $0x1;
	s10 =	sld [smem:$0x3FBA]  }
0x3d: {  	_ =	shalt  }
0x3e: {  	_ =	shalt  }
0x3f: {  	_ =	shalt  }
0x40: {  	_ =	shalt  }
0x41: {  	_ =	shalt  }
0x42: {  	_ =	shalt  }
0x43: {  	_ =	shalt  }
0x44: {  	_ =	shalt  }
0x45: {  	_ =	shalt  }
0x46: {  	_ =	shalt  }
0x47: {  	_ =	shalt  }
0x48: {  	_ =	shalt  }
0x49: {  	_ =	shalt  }
0x4a: {  	_ =	shalt  }
0x4b: {  	_ =	shalt  }
0x4c: {  	_ =	shalt  }
0x4d: {  	_ =	shalt  }
0x4e: {  	_ =	shalt  }
0x4f: {  	_ =	shalt  }
0x50: {  	_ =	shalt  }
0x51: {  	_ =	shalt  }
0x52: {  	_ =	shalt  }
0x53: {  	_ =	shalt  }
0x54: {  	_ =	shalt  }
0x55: {  	_ =	shalt  }
0x56: {  	_ =	shalt  }
0x57: {  	_ =	shalt  }
0x58: {  	_ =	shalt  }
0x59: {  	_ =	shalt  }
0x5a: {  	_ =	shalt  }
0x5b: {  	_ =	shalt  }
0x5c: {  	_ =	shalt  }
0x5d: {  	_ =	shalt  }
0x5e: {  	_ =	shalt  }
0x5f: {  	_ =	shalt  }
0x60: {  	_ =	shalt  }
0x61: {  	_ =	shalt  }
0x62: {  	_ =	shalt  }
0x63: {  	_ =	shalt  }
0x64: {  	_ =	shalt  }
0x65: {  	_ =	shalt  }
0x66: {  	_ =	shalt  }
0x67: {  	_ =	shalt  }
0x68: {  	_ =	shalt  }
0x69: {  	_ =	shalt  }
0x6a: {  	_ =	shalt  }
0x6b: {  	_ =	shalt  }
0x6c: {  	_ =	shalt  }
0x6d: {  	_ =	shalt  }
0x6e: {  	_ =	shalt  }
0x6f: {  	_ =	shalt  }
0x70: {  	_ =	shalt  }
0x71: {  	_ =	shalt  }
0x72: {  	_ =	shalt  }
0x73: {  	_ =	shalt  }
0x74: {  	_ =	shalt  }
0x75: {  	_ =	shalt  }
0x76: {  	_ =	shalt  }
0x77: {  	_ =	shalt  }
0x78: {  	_ =	shalt  }
0x79: {  	_ =	shalt  }
0x7a: {  	_ =	shalt  }
0x7b: {  	_ =	shalt  }
0x7c: {  	_ =	shalt  }
0x7d: {  	_ =	shalt  }
0x7e: {  	_ =	shalt  }
0x7f: {  	_ =	shalt  }
0x80: {  	_ =	shalt  }
0x81: {  	_ =	shalt  }
0x82: {  	_ =	shalt  }
0x83: {  	_ =	shalt  }
0x84: {  	_ =	shalt  }
0x85: {  	_ =	shalt  }
0x86: {  	_ =	shalt  }
0x87: {  	_ =	shalt  }
.Lfunc_end0:
.L_simem_size_0:
called_computation_lowered:
.L_overlay_start_0:
0x88: {  	s2 =	sld [smem:$0x3FD9]  }
0x89: {  	s3 =	sld [smem:$0x3FFE];
	_ =	sdelay $0x1  }
0x8a: {  	s1 =	srdreg.scid  }
0x8b: {  	s0 =	sand.u32 $0x1, s1  }
0x8c: {  	s14 =	sshll.u32 s0, $0xA;
	s2 =	sadd.s32 s3, s2  }
0x8d: {  	s2 =	sadd.s32 s2, s14  }
0x8e: {  	[smem:$0x3FC6] =	sst s2  }
0x8f: {  	_ = 	snop  }
0x90: {  	s2 =	sld [smem:$0x3FD0];
	_ =	sdelay $0x2  }
0x91: {  	s4 =	simm.s32 $0xA;
	s5 =	simm.s32 $0x10;
	s15 =	sld [smem:$0x3FC9]  }
0x92: {  	[smem:s5], [sflag:s4] =	dma.local [hbm:s2], $0x1  }
0x93: {  	_ =	swait.eq [sflag:s4], $0x1  }
0x94: {  	[sflag:s4] =	ssyncset.done $0x0  }
0x95: {  	s16 =	sld [smem:$0x10];
	[sflag:s4] =	ssyncadd.s32 $0xFFFFFFFF  }
0x96: {  	s17 =	sld [smem:$0x11];
	(tm) =	ssettm $0x1  }
0x97: {  	s18 =	sld [smem:$0x3FFB];
	_ =	sdelay $0x3  }
0x98: {  	_ =	strace s18  }
0x99: {  	s5 =	sld [smem:$0x3FFC];
	_ =	sdelay $0x3  }
0x9a: {  	_ =	strace s5  }
0x9b: {  	s5 =	sld [smem:$0x3FFD];
	_ =	sdelay $0x3  }
0x9c: {  	_ =	strace s5  }
0x9d: {  	_ =	strace $0x8FFFFFFF  }
0x9e: {  	s19 =	sld [smem:$0x3FDB];
	_ =	sdelay $0x1  }
0x9f: {  	s6 =	simm.s32 $_scs_section_size  }
0xa0: {  	s7 =	simm.s32 $_size__tile_overlayer_lowered;
	s8 =	simm.s32 $_tile_overlayer_lowered  }
0xa1: {  	s22 =	simm.s32 $0x1BFF;
	s21 =	sshll.u32 s8, $0x1;
	s5 =	sadd.s32 s6, s19  }
0xa2: {  	s9 =	simm.s32 $0x0;
	s20 =	sshll.u32 s7, $0x1;
	s7 =	sadd.s32 s21, s5  }
0xa3: {  	[timem:s9], [sflag:s22] =	dma.local [hbm:s7], s20  }
0xa4: {  	_ =	swait.ge [sflag:s22], s20  }
0xa5: {  	s6 =	ssub.s32 $0x0, s20;
	[sflag:s22] =	ssyncset.done $0x0  }
0xa6: {  	[sflag:s22] =	ssyncadd.s32 s6;
	_ =	sdelay $0x1  }
0xa7: {  	s23 =	simm.s32 $0x1B8B  }
0xa8: {  	_ =	swait.ge [sflag:s23], $0x1  }
0xa9: {  	[sflag:s23] =	ssyncset.done $0x0  }
0xaa: {  	s25 =	simm.s32 $0x1B8E;
	s24 =	sld [smem:$0x3FFE];
	[sflag:s23] =	ssyncadd.s32 $0xFFFFFFFF  }
0xab: {  	s26 =	simm.s32 $execute0_lowered;
	[smem:$0x3FD2] =	sst s25  }
0xac: {  	s7 =	sshll.u32 s26, $0x1;
	_ =	strace $0x80000046;
	[dreg:$0x1] =	wrdreg $0xFFFFFFFF  }
0xad: {  	s28 =	simm.s32 $_size_execute0_lowered;
	s5 =	sadd.s32 s5, s7;
	[dreg:$0x0] =	wrdreg $0x0  }
0xae: {  	s7 =	sshll.u32 s28, $0x1;
	[dreg:$0x2] =	wrdreg s5  }
0xaf: {  	[dreg:$0x3] =	wrdreg s7  }
0xb0: {  	[dreg:$0x4] =	wrdreg $0xC0  }
0xb1: {  	_ =	task [dreg:s9], $0x5FFFF  }
0xb2: {  	[dreg:$0x1] =	wrdreg $0xFFFFFFFF  }
0xb3: {  	[dreg:$0x0] =	wrdreg $0x60  }
0xb4: {  	[dreg:$0x2] =	wrdreg s15  }
0xb5: {  	[dreg:$0x3] =	wrdreg s24  }
0xb6: {  	[dreg:$0x4] =	wrdreg s17  }
0xb7: {  	[dreg:$0x5] =	wrdreg s16  }
0xb8: {  	[dreg:$0x6] =	wrdreg $0x9  }
0xb9: {  	_ =	task.clear_ibuf [dreg:s9], $0x7FFFF;
	_ =	strace $0x90000046  }
0xba: {  	s29 =	simm.s32 $0x9;
	_ =	strace $0x80000048  }
0xbb: {  	_ =	swait.ge [sflag:s29], $0x1  }
0xbc: {  	[sflag:s29] =	ssyncadd.s32 $0xFFFFFFFF  }
0xbd: {  	_ =	strace $0x90000048  }
0xbe: {  	_ =	sfence  }
0xbf: {  	s30 =	sld [smem:$0x0];
	_ =	sdelay $0x2  }
0xc0: {  	s31 =	sshll.u32 s1, $0xD;
	s1 =	sshrl.u32 s1, $0x2  }
0xc1: {  	s3 =	sand.u32 $0x4000, s31;
	s1 =	sadd.s32 s1, s30  }
0xc2: {  	s0 =	sor.u32 s3, s0;
	s1 =	sshll.u32 s1, $0x11  }
0xc3: {  	s0 =	sor.u32 s1, s0  }
0xc4: {  	s0 =	sadd.s32 $0x8F2B, s0  }
0xc5: {  	[sflag:s0] =	ssyncadd.remote.s32 $0x1  }
0xc6: {  	_ =	sfence.sel $0xFFFF  }
0xc7: {  	[dreg:$0x0] =	wrdreg $0xFFFFFFFF;
	(pc) =	sbr.abs _section_cstart, $3  }
0xc8: {  	[dreg:$0x1] =	wrdreg $0xFFFFFFFF  }
0xc9: {  	_ =	task.clear_ibuf [dreg:s9], $0x2FFFF;
	_ =	strace $0x9FFFFFFF  }
0xca: {  	(tm) =	ssettm $0x7FFFFFFF  }
0xcb: {  	_ =	shalt  }
tec
execute0_lowered:
.L_overlay_start_1:
0x0: {  	(tag) =	ssettag $0x1  }
0x1: {  	s1 =	rddreg [dreg:$0x0]  }
0x2: {  	s6 =	rddreg [dreg:$0x1]  }
0x3: {  	s4 =	rddreg [dreg:$0x2]  }
0x4: {  	s7 =	rddreg [dreg:$0x3]  }
0x5: {  	s0 =	rddreg [dreg:$0x4];
	s3 =	simm.s32 $0x0  }
0x6: {  	[smem:$0x7FF] =	sst s3;
	s9 =	sadd.s32 $0x800, s6  }
0x7: {  	s14 =	simm.s32 $0x800;
	_ =	strace $0x80000047;
	[dreg:$0x5] =	wrdreg s9  }
0x8: {  	s15 =	simm.s32 $0x100;
	[dreg:$0x18] =	wrdreg s14  }
0x9: {  	s16 =	simm.s32 $0x1C880;
	[dreg:$0x19] =	wrdreg s15  }
0xa: {  	s17 =	simm.s32 $0x1C990;
	[dreg:$0x1a] =	wrdreg s16  }
0xb: {  	s5 =	srdreg.scid;
	s18 =	simm.s32 $0x1CAA0;
	[dreg:$0x1b] =	wrdreg s17  }
0xc: {  	s2 =	stileid.u32;
	s19 =	simm.s32 $0x1CBB0;
	[dreg:$0x1c] =	wrdreg s18  }
0xd: {  	s20 =	simm.s32 $0x1CCC0;
	s5 =	sand.u32 $0x1, s5;
	[dreg:$0x1d] =	wrdreg s19  }
0xe: {  	s8 =	sshll.u32 s2, $0x1;
	[dreg:$0x1e] =	wrdreg s20;
	s14 =	simm.s32 $0x580  }
0xf: {  	s8 =	sor.u32 s5, s8;
	s15 =	simm.s32 $0x600;
	[smem:$0x7F9] =	sst s14  }
0x10: {  	s16 =	simm.s32 $0x680;
	s17 =	simm.s32 $0x700;
	[smem:$0x7FA] =	sst s15  }
0x11: {  	s21 =	sshll.u32 s8, $0x4;
	s10 =	sshll.u32 s8, $0x8;
	[smem:$0x7FB] =	sst s16  }
0x12: {  	s8 =	sshll.u32 s8, $0xF;
	[smem:$0x7FC] =	sst s17;
	s4 =	sadd.s32 s4, s10  }
0x13: {  	s9 =	sadd.s32 s21, s6;
	s21 =	simm.s32 $0x1CDD0;
	[dreg:$0x6] =	wrdreg s4  }
0x14: {  	s6 =	sadd.s32 s10, s6;
	s9 =	sadd.s32 $0x1800, s9;
	[dreg:$0x1f] =	wrdreg s21  }
0x15: {  	s4 =	sadd.s32 s7, s8;
	s6 =	sadd.s32 $0x1A00, s6;
	[dreg:$0x7] =	wrdreg s9  }
0x16: {  	s7 =	sadd.s32 $0x800, s4;
	[dreg:$0x17] =	wrdreg s6  }
0x17: {  	s22 =	sadd.s32 $0x1000, s4;
	[dreg:$0x8] =	wrdreg s7  }
0x18: {  	s23 =	sadd.s32 $0x1800, s4;
	[dreg:$0x9] =	wrdreg s22  }
0x19: {  	s24 =	sadd.s32 $0x2000, s4;
	[dreg:$0xa] =	wrdreg s23  }
0x1a: {  	s25 =	sadd.s32 $0x2800, s4;
	[dreg:$0xb] =	wrdreg s24  }
0x1b: {  	s26 =	sadd.s32 $0x3000, s4;
	[dreg:$0xc] =	wrdreg s25  }
0x1c: {  	s28 =	sadd.s32 $0x3800, s4;
	[dreg:$0xd] =	wrdreg s26  }
0x1d: {  	s29 =	sadd.s32 $0x4000, s4;
	[dreg:$0xe] =	wrdreg s28  }
0x1e: {  	s30 =	sadd.s32 $0x4800, s4;
	[dreg:$0xf] =	wrdreg s29  }
0x1f: {  	s31 =	sadd.s32 $0x5000, s4;
	[dreg:$0x10] =	wrdreg s30  }
0x20: {  	s8 =	sadd.s32 $0x5800, s4;
	[dreg:$0x11] =	wrdreg s31  }
0x21: {  	s5 =	ssub.s32 $0x2, s5;
	s9 =	sadd.s32 $0x6000, s4;
	[dreg:$0x12] =	wrdreg s8  }
0x22: {  	s18 =	simm.s32 $0x1D100;
	s11 =	sadd.s32 $0x6800, s4;
	[dreg:$0x13] =	wrdreg s9  }
0x23: {  	s14 =	simm.s32 $0x14880;
	s12 =	sadd.s32 $0x7000, s4;
	[dreg:$0x14] =	wrdreg s11  }
0x24: {  	s15 =	simm.s32 $0x18880;
	s13 =	sadd.s32 $0x7800, s4;
	[dreg:$0x15] =	wrdreg s12  }
0x25: {  	s16 =	simm.s32 $0x2;
	[dreg:$0x16] =	wrdreg s13;
	s22 =	simm.s32 $0x1CEE0  }
0x26: {  	s17 =	simm.s32 $0x3;
	s24 =	simm.s32 $0x1CFF0;
	[smem:$0x7EF] =	sst s22  }
0x27: {  	s10 =	simm.s32 $0x8880;
	s25 =	simm.s32 $0x180;
	[smem:$0x7F0] =	sst s24  }
0x28: {  	s6 =	simm.s32 $0x4;
	s26 =	simm.s32 $0x200;
	[smem:$0x7F1] =	sst s25  }
0x29: {  	s23 =	sshrl.u32 s5, $0x1;
	s28 =	simm.s32 $0x280;
	[smem:$0x7F2] =	sst s26  }
0x2a: {  	s7 =	simm.s32 $0x80;
	s29 =	simm.s32 $0x300;
	[smem:$0x7F3] =	sst s28  }
0x2b: {  	s8 =	simm.s32 $0x880;
	s30 =	simm.s32 $0x380;
	[smem:$0x7F4] =	sst s29  }
0x2c: {  	s9 =	simm.s32 $0x4880;
	s11 =	simm.s32 $0x400;
	[smem:$0x7F5] =	sst s30  }
0x2d: {  	s12 =	simm.s32 $0x480;
	s13 =	simm.s32 $0x500;
	[smem:$0x7F6] =	sst s11  }
0x2e: {  	s31 =	simm.s32 $0x780;
	s5 =	ssub.s32 s5, s23;
	[smem:$0x7F7] =	sst s12  }
0x2f: {  	s11 =	simm.s32 $0x1;
	s12 =	simm.s32 $0xC880;
	[smem:$0x7F8] =	sst s13  }
0x30: {  	s13 =	simm.s32 $0x10880;
	[smem:$0x7FD] =	sst s31;
	s5 =	smax.u32 s5, $0x1  }
.LBB2_1:
0x31: {  	s19 =	rddreg [dreg:$0x6]  }
0x32: {  	[tilespmem:s3], [sflag:$0x4] =	stream.linear.gather [hbm4b:s19+s3], $0x800, $0x38;
	[tilespmem:$0x1D900] =	vst v63  }
0x33: {  	_ =	swait.ge [sflag:s6], $0x800  }
0x34: {  	s28 =	rddreg [dreg:$0x7];
	[sflag:s6] =	ssyncset.done $0x0  }
0x35: {  	s20 =	rddreg [dreg:$0x18];
	[sflag:s6] =	ssyncadd.s32 $0xFFFFF800  }
0x36: {  	[tilespmem:s20], [sflag:$0x4] =	stream.linear.gather [hbm4b:s28+s3], $0x80, $0x38;
	[tilespmem:$0x1D900] =	vst v63  }
0x37: {  	_ =	swait.ge [sflag:s6], $0x80  }
0x38: {  	[sflag:s6] =	ssyncset.done $0x0  }
0x39: {  	[sflag:s6] =	ssyncadd.s32 $0xFFFFFF80  }
0x3a: {  	v0 =	vld [tilespmem:$0x800];
	_ =	sdelay $0x4  }
0x3b: {  	s29 =	rddreg [dreg:$0x5];
	v1 =	vshrl.u32 v0, $0x3  }
0x3c: {  	v1 =	vadd.s32 s29, v1  }
0x3d: {  	(v2sf) =	vpush v1, $0x0;
	_ =	sdelay $0x1  }
0x3e: {  	(v2sf) =	vpush v1, $0x1;
	_ =	sdelay $0x1  }
0x3f: {  	(v2sf) =	vpush v1, $0x2;
	_ =	sdelay $0x1  }
0x40: {  	(v2sf) =	vpush v1, $0x3;
	_ =	sdelay $0x1  }
0x41: {  	(v2sf) =	vpush v1, $0x4;
	_ =	sdelay $0x1  }
0x42: {  	[tilespmem:s8], [sflag:$0x1] =	stream.indirect.gather [hbm4b:s1+s7], $0x80, s3, s7, $0xb8;
	(v2sf) =	vpush v1, $0x5;
	[tilespmem:$0x1D900] =	vst v63  }
0x43: {  	s30 =	rddreg [dreg:$0x19]  }
0x44: {  	[tilespmem:s9], [sflag:$0x1] =	stream.indirect.gather [hbm4b:s1+s7], $0x80, s7, s7, $0xb8;
	(v2sf) =	vpush v1, $0x6;
	[tilespmem:$0x1D900] =	vst v63  }
0x45: {  	s31 =	rddreg [dreg:$0x1a]  }
0x46: {  	[tilespmem:s10], [sflag:$0x1] =	stream.indirect.gather [hbm4b:s1+s7], $0x80, s30, s7, $0xb8;
	(v2sf) =	vpush v1, $0x7;
	[tilespmem:$0x1D900] =	vst v63  }
0x47: {  	s21 =	rddreg [dreg:$0x1b];
	s22 =	spop (v2sf)  }
0x48: {  	[tilespmem:s31], [sflag:$0x3] =	stream.linear.gather [hbm4b:s22+s3], $0x110, $0x38;
	[tilespmem:$0x1D900] =	vst v63  }
0x49: {  	s24 =	rddreg [dreg:$0x1c];
	s23 =	spop (v2sf)  }
0x4a: {  	[tilespmem:s21], [sflag:$0x3] =	stream.linear.gather [hbm4b:s23+s3], $0x110, $0x38;
	[tilespmem:$0x1D900] =	vst v63  }
0x4b: {  	s26 =	rddreg [dreg:$0x1d];
	s25 =	spop (v2sf)  }
0x4c: {  	[tilespmem:s24], [sflag:$0x3] =	stream.linear.gather [hbm4b:s25+s3], $0x110, $0x38;
	[tilespmem:$0x1D900] =	vst v63  }
0x4d: {  	s29 =	rddreg [dreg:$0x1e];
	s28 =	spop (v2sf)  }
0x4e: {  	[tilespmem:s26], [sflag:$0x3] =	stream.linear.gather [hbm4b:s28+s3], $0x110, $0x38;
	[tilespmem:$0x1D900] =	vst v63  }
0x4f: {  	s31 =	rddreg [dreg:$0x1f];
	s30 =	spop (v2sf)  }
0x50: {  	[tilespmem:s29], [sflag:$0x3] =	stream.linear.gather [hbm4b:s30+s3], $0x110, $0x38;
	[tilespmem:$0x1D900] =	vst v63  }
0x51: {  	s22 =	sld [smem:$0x7EF];
	s20 =	spop (v2sf)  }
0x52: {  	[tilespmem:s31], [sflag:$0x3] =	stream.linear.gather [hbm4b:s20+s3], $0x110, $0x38;
	[tilespmem:$0x1D900] =	vst v63  }
0x53: {  	s24 =	sld [smem:$0x7F0];
	s23 =	spop (v2sf)  }
0x54: {  	[tilespmem:s22], [sflag:$0x3] =	stream.linear.gather [hbm4b:s23+s3], $0x110, $0x38;
	[tilespmem:$0x1D900] =	vst v63  }
0x55: {  	s25 =	spop (v2sf)  }
0x56: {  	[tilespmem:s24], [sflag:$0x3] =	stream.linear.gather [hbm4b:s25+s3], $0x110, $0x38;
	[tilespmem:$0x1D900] =	vst v63  }
0x57: {  	_ =	swait.ge [sflag:s11], $0x4000  }
0x58: {  	[sflag:s11] =	ssyncset.done $0x0  }
0x59: {  	s26 =	sld [smem:$0x7F1];
	[sflag:s11] =	ssyncadd.s32 $0xFFFFC000  }
0x5a: {  	[hbm4b:s4+s3] =	stream.linear.scatter [tilespmem:s8], [sflag:$0x2], $0x4000, $0x38;
	[tilespmem:$0x1D900] =	vst v63  }
0x5b: {  	_ = 	snop  }
0x5c: {  	[tilespmem:s12], [sflag:$0x1] =	stream.indirect.gather [hbm4b:s1+s7], $0x80, s26, s7, $0xb8;
	[tilespmem:$0x1D900] =	vst v63  }
0x5d: {  	_ =	swait.ge [sflag:s11], $0x4000  }
0x5e: {  	s28 =	rddreg [dreg:$0x8];
	[sflag:s11] =	ssyncset.done $0x0  }
0x5f: {  	s29 =	sld [smem:$0x7F2];
	[sflag:s11] =	ssyncadd.s32 $0xFFFFC000  }
0x60: {  	[hbm4b:s28+s3] =	stream.linear.scatter [tilespmem:s9], [sflag:$0x2], $0x4000, $0x38;
	[tilespmem:$0x1D900] =	vst v63  }
0x61: {  	_ = 	snop  }
0x62: {  	[tilespmem:s13], [sflag:$0x1] =	stream.indirect.gather [hbm4b:s1+s7], $0x80, s29, s7, $0xb8;
	[tilespmem:$0x1D900] =	vst v63  }
0x63: {  	_ =	swait.ge [sflag:s11], $0x4000  }
0x64: {  	s30 =	rddreg [dreg:$0x9];
	[sflag:s11] =	ssyncset.done $0x0  }
0x65: {  	s31 =	sld [smem:$0x7F3];
	[sflag:s11] =	ssyncadd.s32 $0xFFFFC000  }
0x66: {  	[hbm4b:s30+s3] =	stream.linear.scatter [tilespmem:s10], [sflag:$0x2], $0x4000, $0x38;
	[tilespmem:$0x1D900] =	vst v63  }
0x67: {  	_ = 	snop  }
0x68: {  	[tilespmem:s14], [sflag:$0x1] =	stream.indirect.gather [hbm4b:s1+s7], $0x80, s31, s7, $0xb8;
	[tilespmem:$0x1D900] =	vst v63  }
0x69: {  	_ =	swait.ge [sflag:s11], $0x4000  }
0x6a: {  	s21 =	rddreg [dreg:$0xa];
	[sflag:s11] =	ssyncset.done $0x0  }
0x6b: {  	s22 =	sld [smem:$0x7F4];
	[sflag:s11] =	ssyncadd.s32 $0xFFFFC000  }
0x6c: {  	[hbm4b:s21+s3] =	stream.linear.scatter [tilespmem:s12], [sflag:$0x2], $0x4000, $0x38;
	[tilespmem:$0x1D900] =	vst v63  }
0x6d: {  	_ = 	snop  }
0x6e: {  	[tilespmem:s15], [sflag:$0x1] =	stream.indirect.gather [hbm4b:s1+s7], $0x80, s22, s7, $0xb8;
	[tilespmem:$0x1D900] =	vst v63  }
0x6f: {  	_ =	swait.ge [sflag:s11], $0x4000  }
0x70: {  	[sflag:s11] =	ssyncset.done $0x0  }
0x71: {  	s23 =	rddreg [dreg:$0xb];
	[sflag:s11] =	ssyncadd.s32 $0xFFFFC000  }
0x72: {  	[hbm4b:s23+s3] =	stream.linear.scatter [tilespmem:s13], [sflag:$0x2], $0x4000, $0x38;
	[tilespmem:$0x1D900] =	vst v63  }
0x73: {  	_ =	swait.ge [sflag:s16], $0x4000  }
0x74: {  	s24 =	sld [smem:$0x7F5]  }
0x75: {  	[sflag:s16] =	ssyncset.done $0x0  }
0x76: {  	[sflag:s16] =	ssyncadd.s32 $0xFFFFC000  }
0x77: {  	[tilespmem:s8], [sflag:$0x1] =	stream.indirect.gather [hbm4b:s1+s7], $0x80, s24, s7, $0xb8;
	[tilespmem:$0x1D900] =	vst v63  }
0x78: {  	_ =	swait.ge [sflag:s11], $0x4000  }
0x79: {  	[sflag:s11] =	ssyncset.done $0x0  }
0x7a: {  	s25 =	rddreg [dreg:$0xc];
	[sflag:s11] =	ssyncadd.s32 $0xFFFFC000  }
0x7b: {  	[hbm4b:s25+s3] =	stream.linear.scatter [tilespmem:s14], [sflag:$0x2], $0x4000, $0x38;
	[tilespmem:$0x1D900] =	vst v63  }
0x7c: {  	_ =	swait.ge [sflag:s16], $0x4000  }
0x7d: {  	s26 =	sld [smem:$0x7F6]  }
0x7e: {  	[sflag:s16] =	ssyncset.done $0x0  }
0x7f: {  	[sflag:s16] =	ssyncadd.s32 $0xFFFFC000  }
0x80: {  	[tilespmem:s9], [sflag:$0x1] =	stream.indirect.gather [hbm4b:s1+s7], $0x80, s26, s7, $0xb8;
	[tilespmem:$0x1D900] =	vst v63  }
0x81: {  	_ =	swait.ge [sflag:s11], $0x4000  }
0x82: {  	[sflag:s11] =	ssyncset.done $0x0  }
0x83: {  	s28 =	rddreg [dreg:$0xd];
	[sflag:s11] =	ssyncadd.s32 $0xFFFFC000  }
0x84: {  	[hbm4b:s28+s3] =	stream.linear.scatter [tilespmem:s15], [sflag:$0x2], $0x4000, $0x38;
	[tilespmem:$0x1D900] =	vst v63  }
0x85: {  	_ =	swait.ge [sflag:s16], $0x4000  }
0x86: {  	s29 =	sld [smem:$0x7F7]  }
0x87: {  	[sflag:s16] =	ssyncset.done $0x0  }
0x88: {  	[sflag:s16] =	ssyncadd.s32 $0xFFFFC000  }
0x89: {  	[tilespmem:s10], [sflag:$0x1] =	stream.indirect.gather [hbm4b:s1+s7], $0x80, s29, s7, $0xb8;
	[tilespmem:$0x1D900] =	vst v63  }
0x8a: {  	_ =	swait.ge [sflag:s11], $0x4000  }
0x8b: {  	[sflag:s11] =	ssyncset.done $0x0  }
0x8c: {  	s30 =	rddreg [dreg:$0xe];
	[sflag:s11] =	ssyncadd.s32 $0xFFFFC000  }
0x8d: {  	[hbm4b:s30+s3] =	stream.linear.scatter [tilespmem:s8], [sflag:$0x2], $0x4000, $0x38;
	[tilespmem:$0x1D900] =	vst v63  }
0x8e: {  	_ =	swait.ge [sflag:s16], $0x4000  }
0x8f: {  	s31 =	sld [smem:$0x7F8]  }
0x90: {  	[sflag:s16] =	ssyncset.done $0x0  }
0x91: {  	[sflag:s16] =	ssyncadd.s32 $0xFFFFC000  }
0x92: {  	[tilespmem:s12], [sflag:$0x1] =	stream.indirect.gather [hbm4b:s1+s7], $0x80, s31, s7, $0xb8;
	[tilespmem:$0x1D900] =	vst v63  }
0x93: {  	_ =	swait.ge [sflag:s11], $0x4000  }
0x94: {  	[sflag:s11] =	ssyncset.done $0x0  }
0x95: {  	s20 =	rddreg [dreg:$0xf];
	[sflag:s11] =	ssyncadd.s32 $0xFFFFC000  }
0x96: {  	[hbm4b:s20+s3] =	stream.linear.scatter [tilespmem:s9], [sflag:$0x2], $0x4000, $0x38;
	[tilespmem:$0x1D900] =	vst v63  }
0x97: {  	_ =	swait.ge [sflag:s16], $0x4000  }
0x98: {  	s21 =	sld [smem:$0x7F9]  }
0x99: {  	[sflag:s16] =	ssyncset.done $0x0  }
0x9a: {  	[sflag:s16] =	ssyncadd.s32 $0xFFFFC000  }
0x9b: {  	[tilespmem:s13], [sflag:$0x1] =	stream.indirect.gather [hbm4b:s1+s7], $0x80, s21, s7, $0xb8;
	[tilespmem:$0x1D900] =	vst v63  }
0x9c: {  	_ =	swait.ge [sflag:s11], $0x4000  }
0x9d: {  	[sflag:s11] =	ssyncset.done $0x0  }
0x9e: {  	s22 =	rddreg [dreg:$0x10];
	[sflag:s11] =	ssyncadd.s32 $0xFFFFC000  }
0x9f: {  	[hbm4b:s22+s3] =	stream.linear.scatter [tilespmem:s10], [sflag:$0x2], $0x4000, $0x38;
	[tilespmem:$0x1D900] =	vst v63  }
0xa0: {  	_ =	swait.ge [sflag:s16], $0x4000  }
0xa1: {  	s23 =	sld [smem:$0x7FA]  }
0xa2: {  	[sflag:s16] =	ssyncset.done $0x0  }
0xa3: {  	[sflag:s16] =	ssyncadd.s32 $0xFFFFC000  }
0xa4: {  	[tilespmem:s14], [sflag:$0x1] =	stream.indirect.gather [hbm4b:s1+s7], $0x80, s23, s7, $0xb8;
	[tilespmem:$0x1D900] =	vst v63  }
0xa5: {  	_ =	swait.ge [sflag:s11], $0x4000  }
0xa6: {  	[sflag:s11] =	ssyncset.done $0x0  }
0xa7: {  	s24 =	rddreg [dreg:$0x11];
	[sflag:s11] =	ssyncadd.s32 $0xFFFFC000  }
0xa8: {  	[hbm4b:s24+s3] =	stream.linear.scatter [tilespmem:s12], [sflag:$0x2], $0x4000, $0x38;
	[tilespmem:$0x1D900] =	vst v63  }
0xa9: {  	_ =	swait.ge [sflag:s16], $0x4000  }
0xaa: {  	s25 =	sld [smem:$0x7FB]  }
0xab: {  	[sflag:s16] =	ssyncset.done $0x0  }
0xac: {  	[sflag:s16] =	ssyncadd.s32 $0xFFFFC000  }
0xad: {  	[tilespmem:s15], [sflag:$0x1] =	stream.indirect.gather [hbm4b:s1+s7], $0x80, s25, s7, $0xb8;
	[tilespmem:$0x1D900] =	vst v63  }
0xae: {  	_ =	swait.ge [sflag:s11], $0x4000  }
0xaf: {  	[sflag:s11] =	ssyncset.done $0x0  }
0xb0: {  	s26 =	rddreg [dreg:$0x12];
	[sflag:s11] =	ssyncadd.s32 $0xFFFFC000  }
0xb1: {  	[hbm4b:s26+s3] =	stream.linear.scatter [tilespmem:s13], [sflag:$0x2], $0x4000, $0x38;
	[tilespmem:$0x1D900] =	vst v63  }
0xb2: {  	_ =	swait.ge [sflag:s16], $0x4000  }
0xb3: {  	s28 =	sld [smem:$0x7FC]  }
0xb4: {  	[sflag:s16] =	ssyncset.done $0x0  }
0xb5: {  	[sflag:s16] =	ssyncadd.s32 $0xFFFFC000  }
0xb6: {  	[tilespmem:s8], [sflag:$0x1] =	stream.indirect.gather [hbm4b:s1+s7], $0x80, s28, s7, $0xb8;
	[tilespmem:$0x1D900] =	vst v63  }
0xb7: {  	_ =	swait.ge [sflag:s11], $0x4000  }
0xb8: {  	[sflag:s11] =	ssyncset.done $0x0  }
0xb9: {  	s29 =	rddreg [dreg:$0x13];
	[sflag:s11] =	ssyncadd.s32 $0xFFFFC000  }
0xba: {  	[hbm4b:s29+s3] =	stream.linear.scatter [tilespmem:s14], [sflag:$0x2], $0x4000, $0x38;
	[tilespmem:$0x1D900] =	vst v63  }
0xbb: {  	_ =	swait.ge [sflag:s16], $0x4000  }
0xbc: {  	s30 =	sld [smem:$0x7FD]  }
0xbd: {  	[sflag:s16] =	ssyncset.done $0x0  }
0xbe: {  	[sflag:s16] =	ssyncadd.s32 $0xFFFFC000  }
0xbf: {  	[tilespmem:s9], [sflag:$0x1] =	stream.indirect.gather [hbm4b:s1+s7], $0x80, s30, s7, $0xb8;
	[tilespmem:$0x1D900] =	vst v63  }
0xc0: {  	_ =	swait.ge [sflag:s11], $0x4000  }
0xc1: {  	[sflag:s11] =	ssyncset.done $0x0  }
0xc2: {  	s31 =	rddreg [dreg:$0x14];
	[sflag:s11] =	ssyncadd.s32 $0xFFFFC000  }
0xc3: {  	[hbm4b:s31+s3] =	stream.linear.scatter [tilespmem:s15], [sflag:$0x2], $0x4000, $0x38;
	[tilespmem:$0x1D900] =	vst v63  }
0xc4: {  	_ =	swait.ge [sflag:s16], $0x4000  }
0xc5: {  	[sflag:s16] =	ssyncset.done $0x0  }
0xc6: {  	[sflag:s16] =	ssyncadd.s32 $0xFFFFC000  }
0xc7: {  	_ =	swait.ge [sflag:s11], $0x4000  }
0xc8: {  	[sflag:s11] =	ssyncset.done $0x0  }
0xc9: {  	s20 =	rddreg [dreg:$0x15];
	[sflag:s11] =	ssyncadd.s32 $0xFFFFC000  }
0xca: {  	[hbm4b:s20+s3] =	stream.linear.scatter [tilespmem:s8], [sflag:$0x2], $0x4000, $0x38;
	[tilespmem:$0x1D900] =	vst v63  }
0xcb: {  	_ =	swait.ge [sflag:s16], $0x4000  }
0xcc: {  	[sflag:s16] =	ssyncset.done $0x0  }
0xcd: {  	[sflag:s16] =	ssyncadd.s32 $0xFFFFC000  }
0xce: {  	_ =	swait.ge [sflag:s11], $0x4000  }
0xcf: {  	[sflag:s11] =	ssyncset.done $0x0  }
0xd0: {  	s21 =	rddreg [dreg:$0x16];
	[sflag:s11] =	ssyncadd.s32 $0xFFFFC000  }
0xd1: {  	[hbm4b:s21+s3] =	stream.linear.scatter [tilespmem:s9], [sflag:$0x2], $0x4000, $0x38;
	[tilespmem:$0x1D900] =	vst v63  }
0xd2: {  	_ =	swait.ge [sflag:s16], $0x4000  }
0xd3: {  	[sflag:s16] =	ssyncset.done $0x0  }
0xd4: {  	[sflag:s16] =	ssyncadd.s32 $0xFFFFC000  }
0xd5: {  	v0 =	vand.u32 $0x7, v0;
	_ =	swait.ge [sflag:s17], $0x880  }
0xd6: {  	(v2sf) =	vpush v0, $0x0;
	_ =	sdelay $0xd  }
0xd7: {  	[sflag:s17] =	ssyncset.done $0x0  }
0xd8: {  	[sflag:s17] =	ssyncadd.s32 $0xFFFFF780;
	s22 =	spop (v2sf)  }
0xd9: {  	v62 =	vld [tilespmem:s22+$0x1C880];
	_ =	sdelay $0x4  }
0xda: {  	[tilespmem:$0x1D100] =	vst v62  }
0xdb: {  	v1 =	vld [tilespmem:s22+$0x1C890];
	_ =	sdelay $0x4  }
0xdc: {  	[tilespmem:$0x1D110] =	vst v1  }
0xdd: {  	v1 =	vld [tilespmem:s22+$0x1C8A0];
	_ =	sdelay $0x4  }
0xde: {  	[tilespmem:$0x1D120] =	vst v1  }
0xdf: {  	v1 =	vld [tilespmem:s22+$0x1C8B0];
	_ =	sdelay $0x4  }
0xe0: {  	[tilespmem:$0x1D130] =	vst v1  }
0xe1: {  	v1 =	vld [tilespmem:s22+$0x1C8C0];
	_ =	sdelay $0x4  }
0xe2: {  	[tilespmem:$0x1D140] =	vst v1  }
0xe3: {  	v1 =	vld [tilespmem:s22+$0x1C8D0];
	_ =	sdelay $0x4  }
0xe4: {  	[tilespmem:$0x1D150] =	vst v1  }
0xe5: {  	v1 =	vld [tilespmem:s22+$0x1C8E0];
	_ =	sdelay $0x4  }
0xe6: {  	[tilespmem:$0x1D160] =	vst v1  }
0xe7: {  	v1 =	vld [tilespmem:s22+$0x1C8F0];
	_ =	sdelay $0x4  }
0xe8: {  	[tilespmem:$0x1D170] =	vst v1  }
0xe9: {  	v1 =	vld [tilespmem:s22+$0x1C900];
	_ =	sdelay $0x4  }
0xea: {  	[tilespmem:$0x1D180] =	vst v1  }
0xeb: {  	v1 =	vld [tilespmem:s22+$0x1C910];
	_ =	sdelay $0x4  }
0xec: {  	[tilespmem:$0x1D190] =	vst v1  }
0xed: {  	v1 =	vld [tilespmem:s22+$0x1C920];
	_ =	sdelay $0x4  }
0xee: {  	[tilespmem:$0x1D1A0] =	vst v1  }
0xef: {  	v1 =	vld [tilespmem:s22+$0x1C930];
	_ =	sdelay $0x4  }
0xf0: {  	[tilespmem:$0x1D1B0] =	vst v1  }
0xf1: {  	v1 =	vld [tilespmem:s22+$0x1C940];
	_ =	sdelay $0x4  }
0xf2: {  	[tilespmem:$0x1D1C0] =	vst v1  }
0xf3: {  	v1 =	vld [tilespmem:s22+$0x1C950];
	_ =	sdelay $0x1  }
0xf4: {  	(v2sf) =	vpush v0, $0x1;
	_ =	sdelay $0x2  }
0xf5: {  	[tilespmem:$0x1D1D0] =	vst v1  }
0xf6: {  	v1 =	vld [tilespmem:s22+$0x1C960];
	_ =	sdelay $0x4  }
0xf7: {  	[tilespmem:$0x1D1E0] =	vst v1  }
0xf8: {  	v1 =	vld [tilespmem:s22+$0x1C970];
	_ =	sdelay $0x4  }
0xf9: {  	s23 =	spop (v2sf);
	[tilespmem:$0x1D1F0] =	vst v1  }
0xfa: {  	v1 =	vld [tilespmem:s23+$0x1C990];
	_ =	sdelay $0x4  }
0xfb: {  	[tilespmem:$0x1D200] =	vst v1  }
0xfc: {  	v1 =	vld [tilespmem:s23+$0x1C9A0];
	_ =	sdelay $0x4  }
0xfd: {  	[tilespmem:$0x1D210] =	vst v1  }
0xfe: {  	v1 =	vld [tilespmem:s23+$0x1C9B0];
	_ =	sdelay $0x4  }
0xff: {  	[tilespmem:$0x1D220] =	vst v1  }
0x100: {  	v1 =	vld [tilespmem:s23+$0x1C9C0];
	_ =	sdelay $0x4  }
0x101: {  	[tilespmem:$0x1D230] =	vst v1  }
0x102: {  	v1 =	vld [tilespmem:s23+$0x1C9D0];
	_ =	sdelay $0x4  }
0x103: {  	[tilespmem:$0x1D240] =	vst v1  }
0x104: {  	v1 =	vld [tilespmem:s23+$0x1C9E0];
	_ =	sdelay $0x4  }
0x105: {  	[tilespmem:$0x1D250] =	vst v1  }
0x106: {  	v1 =	vld [tilespmem:s23+$0x1C9F0];
	_ =	sdelay $0x4  }
0x107: {  	[tilespmem:$0x1D260] =	vst v1  }
0x108: {  	v1 =	vld [tilespmem:s23+$0x1CA00];
	_ =	sdelay $0x4  }
0x109: {  	[tilespmem:$0x1D270] =	vst v1  }
0x10a: {  	v1 =	vld [tilespmem:s23+$0x1CA10];
	_ =	sdelay $0x4  }
0x10b: {  	[tilespmem:$0x1D280] =	vst v1  }
0x10c: {  	v1 =	vld [tilespmem:s23+$0x1CA20];
	_ =	sdelay $0x4  }
0x10d: {  	[tilespmem:$0x1D290] =	vst v1  }
0x10e: {  	v1 =	vld [tilespmem:s23+$0x1CA30];
	_ =	sdelay $0x4  }
0x10f: {  	[tilespmem:$0x1D2A0] =	vst v1  }
0x110: {  	v1 =	vld [tilespmem:s23+$0x1CA40];
	_ =	sdelay $0x4  }
0x111: {  	[tilespmem:$0x1D2B0] =	vst v1  }
0x112: {  	v1 =	vld [tilespmem:s23+$0x1CA50];
	_ =	sdelay $0x4  }
0x113: {  	[tilespmem:$0x1D2C0] =	vst v1  }
0x114: {  	v1 =	vld [tilespmem:s23+$0x1CA60];
	_ =	sdelay $0x1  }
0x115: {  	(v2sf) =	vpush v0, $0x2;
	_ =	sdelay $0x2  }
0x116: {  	[tilespmem:$0x1D2D0] =	vst v1  }
0x117: {  	v1 =	vld [tilespmem:s23+$0x1CA70];
	_ =	sdelay $0x4  }
0x118: {  	[tilespmem:$0x1D2E0] =	vst v1  }
0x119: {  	v1 =	vld [tilespmem:s23+$0x1CA80];
	_ =	sdelay $0x4  }
0x11a: {  	s24 =	spop (v2sf);
	[tilespmem:$0x1D2F0] =	vst v1  }
0x11b: {  	v1 =	vld [tilespmem:s24+$0x1CAA0];
	_ =	sdelay $0x4  }
0x11c: {  	[tilespmem:$0x1D300] =	vst v1  }
0x11d: {  	v1 =	vld [tilespmem:s24+$0x1CAB0];
	_ =	sdelay $0x4  }
0x11e: {  	[tilespmem:$0x1D310] =	vst v1  }
0x11f: {  	v1 =	vld [tilespmem:s24+$0x1CAC0];
	_ =	sdelay $0x4  }
0x120: {  	[tilespmem:$0x1D320] =	vst v1  }
0x121: {  	v1 =	vld [tilespmem:s24+$0x1CAD0];
	_ =	sdelay $0x4  }
0x122: {  	[tilespmem:$0x1D330] =	vst v1  }
0x123: {  	v1 =	vld [tilespmem:s24+$0x1CAE0];
	_ =	sdelay $0x4  }
0x124: {  	[tilespmem:$0x1D340] =	vst v1  }
0x125: {  	v1 =	vld [tilespmem:s24+$0x1CAF0];
	_ =	sdelay $0x4  }
0x126: {  	[tilespmem:$0x1D350] =	vst v1  }
0x127: {  	v1 =	vld [tilespmem:s24+$0x1CB00];
	_ =	sdelay $0x4  }
0x128: {  	[tilespmem:$0x1D360] =	vst v1  }
0x129: {  	v1 =	vld [tilespmem:s24+$0x1CB10];
	_ =	sdelay $0x4  }
0x12a: {  	[tilespmem:$0x1D370] =	vst v1  }
0x12b: {  	v1 =	vld [tilespmem:s24+$0x1CB20];
	_ =	sdelay $0x4  }
0x12c: {  	[tilespmem:$0x1D380] =	vst v1  }
0x12d: {  	v1 =	vld [tilespmem:s24+$0x1CB30];
	_ =	sdelay $0x4  }
0x12e: {  	[tilespmem:$0x1D390] =	vst v1  }
0x12f: {  	v1 =	vld [tilespmem:s24+$0x1CB40];
	_ =	sdelay $0x4  }
0x130: {  	[tilespmem:$0x1D3A0] =	vst v1  }
0x131: {  	v1 =	vld [tilespmem:s24+$0x1CB50];
	_ =	sdelay $0x4  }
0x132: {  	[tilespmem:$0x1D3B0] =	vst v1  }
0x133: {  	v1 =	vld [tilespmem:s24+$0x1CB60];
	_ =	sdelay $0x4  }
0x134: {  	[tilespmem:$0x1D3C0] =	vst v1  }
0x135: {  	v1 =	vld [tilespmem:s24+$0x1CB70];
	_ =	sdelay $0x1  }
0x136: {  	(v2sf) =	vpush v0, $0x3;
	_ =	sdelay $0x2  }
0x137: {  	[tilespmem:$0x1D3D0] =	vst v1  }
0x138: {  	v1 =	vld [tilespmem:s24+$0x1CB80];
	_ =	sdelay $0x4  }
0x139: {  	[tilespmem:$0x1D3E0] =	vst v1  }
0x13a: {  	v1 =	vld [tilespmem:s24+$0x1CB90];
	_ =	sdelay $0x4  }
0x13b: {  	s25 =	spop (v2sf);
	[tilespmem:$0x1D3F0] =	vst v1  }
0x13c: {  	v1 =	vld [tilespmem:s25+$0x1CBB0];
	_ =	sdelay $0x4  }
0x13d: {  	[tilespmem:$0x1D400] =	vst v1  }
0x13e: {  	v1 =	vld [tilespmem:s25+$0x1CBC0];
	_ =	sdelay $0x4  }
0x13f: {  	[tilespmem:$0x1D410] =	vst v1  }
0x140: {  	v1 =	vld [tilespmem:s25+$0x1CBD0];
	_ =	sdelay $0x4  }
0x141: {  	[tilespmem:$0x1D420] =	vst v1  }
0x142: {  	v1 =	vld [tilespmem:s25+$0x1CBE0];
	_ =	sdelay $0x4  }
0x143: {  	[tilespmem:$0x1D430] =	vst v1  }
0x144: {  	v1 =	vld [tilespmem:s25+$0x1CBF0];
	_ =	sdelay $0x4  }
0x145: {  	[tilespmem:$0x1D440] =	vst v1  }
0x146: {  	v1 =	vld [tilespmem:s25+$0x1CC00];
	_ =	sdelay $0x4  }
0x147: {  	[tilespmem:$0x1D450] =	vst v1  }
0x148: {  	v1 =	vld [tilespmem:s25+$0x1CC10];
	_ =	sdelay $0x4  }
0x149: {  	[tilespmem:$0x1D460] =	vst v1  }
0x14a: {  	v1 =	vld [tilespmem:s25+$0x1CC20];
	_ =	sdelay $0x4  }
0x14b: {  	[tilespmem:$0x1D470] =	vst v1  }
0x14c: {  	v1 =	vld [tilespmem:s25+$0x1CC30];
	_ =	sdelay $0x4  }
0x14d: {  	[tilespmem:$0x1D480] =	vst v1  }
0x14e: {  	v1 =	vld [tilespmem:s25+$0x1CC40];
	_ =	sdelay $0x4  }
0x14f: {  	[tilespmem:$0x1D490] =	vst v1  }
0x150: {  	v1 =	vld [tilespmem:s25+$0x1CC50];
	_ =	sdelay $0x4  }
0x151: {  	[tilespmem:$0x1D4A0] =	vst v1  }
0x152: {  	v1 =	vld [tilespmem:s25+$0x1CC60];
	_ =	sdelay $0x4  }
0x153: {  	[tilespmem:$0x1D4B0] =	vst v1  }
0x154: {  	v1 =	vld [tilespmem:s25+$0x1CC70];
	_ =	sdelay $0x4  }
0x155: {  	[tilespmem:$0x1D4C0] =	vst v1  }
0x156: {  	v1 =	vld [tilespmem:s25+$0x1CC80];
	_ =	sdelay $0x1  }
0x157: {  	(v2sf) =	vpush v0, $0x4;
	_ =	sdelay $0x2  }
0x158: {  	[tilespmem:$0x1D4D0] =	vst v1  }
0x159: {  	v1 =	vld [tilespmem:s25+$0x1CC90];
	_ =	sdelay $0x4  }
0x15a: {  	[tilespmem:$0x1D4E0] =	vst v1  }
0x15b: {  	v1 =	vld [tilespmem:s25+$0x1CCA0];
	_ =	sdelay $0x4  }
0x15c: {  	s26 =	spop (v2sf);
	[tilespmem:$0x1D4F0] =	vst v1  }
0x15d: {  	v1 =	vld [tilespmem:s26+$0x1CCC0];
	_ =	sdelay $0x4  }
0x15e: {  	[tilespmem:$0x1D500] =	vst v1  }
0x15f: {  	v1 =	vld [tilespmem:s26+$0x1CCD0];
	_ =	sdelay $0x4  }
0x160: {  	[tilespmem:$0x1D510] =	vst v1  }
0x161: {  	v1 =	vld [tilespmem:s26+$0x1CCE0];
	_ =	sdelay $0x4  }
0x162: {  	[tilespmem:$0x1D520] =	vst v1  }
0x163: {  	v1 =	vld [tilespmem:s26+$0x1CCF0];
	_ =	sdelay $0x4  }
0x164: {  	[tilespmem:$0x1D530] =	vst v1  }
0x165: {  	v1 =	vld [tilespmem:s26+$0x1CD00];
	_ =	sdelay $0x4  }
0x166: {  	[tilespmem:$0x1D540] =	vst v1  }
0x167: {  	v1 =	vld [tilespmem:s26+$0x1CD10];
	_ =	sdelay $0x4  }
0x168: {  	[tilespmem:$0x1D550] =	vst v1  }
0x169: {  	v1 =	vld [tilespmem:s26+$0x1CD20];
	_ =	sdelay $0x4  }
0x16a: {  	[tilespmem:$0x1D560] =	vst v1  }
0x16b: {  	v1 =	vld [tilespmem:s26+$0x1CD30];
	_ =	sdelay $0x4  }
0x16c: {  	[tilespmem:$0x1D570] =	vst v1  }
0x16d: {  	v1 =	vld [tilespmem:s26+$0x1CD40];
	_ =	sdelay $0x4  }
0x16e: {  	[tilespmem:$0x1D580] =	vst v1  }
0x16f: {  	v1 =	vld [tilespmem:s26+$0x1CD50];
	_ =	sdelay $0x4  }
0x170: {  	[tilespmem:$0x1D590] =	vst v1  }
0x171: {  	v1 =	vld [tilespmem:s26+$0x1CD60];
	_ =	sdelay $0x4  }
0x172: {  	[tilespmem:$0x1D5A0] =	vst v1  }
0x173: {  	v1 =	vld [tilespmem:s26+$0x1CD70];
	_ =	sdelay $0x4  }
0x174: {  	[tilespmem:$0x1D5B0] =	vst v1  }
0x175: {  	v1 =	vld [tilespmem:s26+$0x1CD80];
	_ =	sdelay $0x4  }
0x176: {  	[tilespmem:$0x1D5C0] =	vst v1  }
0x177: {  	v1 =	vld [tilespmem:s26+$0x1CD90];
	_ =	sdelay $0x1  }
0x178: {  	(v2sf) =	vpush v0, $0x5;
	_ =	sdelay $0x2  }
0x179: {  	[tilespmem:$0x1D5D0] =	vst v1  }
0x17a: {  	v1 =	vld [tilespmem:s26+$0x1CDA0];
	_ =	sdelay $0x4  }
0x17b: {  	[tilespmem:$0x1D5E0] =	vst v1  }
0x17c: {  	v1 =	vld [tilespmem:s26+$0x1CDB0];
	_ =	sdelay $0x4  }
0x17d: {  	s28 =	spop (v2sf);
	[tilespmem:$0x1D5F0] =	vst v1  }
0x17e: {  	v1 =	vld [tilespmem:s28+$0x1CDD0];
	_ =	sdelay $0x4  }
0x17f: {  	[tilespmem:$0x1D600] =	vst v1  }
0x180: {  	v1 =	vld [tilespmem:s28+$0x1CDE0];
	_ =	sdelay $0x4  }
0x181: {  	[tilespmem:$0x1D610] =	vst v1  }
0x182: {  	v1 =	vld [tilespmem:s28+$0x1CDF0];
	_ =	sdelay $0x4  }
0x183: {  	[tilespmem:$0x1D620] =	vst v1  }
0x184: {  	v1 =	vld [tilespmem:s28+$0x1CE00];
	_ =	sdelay $0x4  }
0x185: {  	[tilespmem:$0x1D630] =	vst v1  }
0x186: {  	v1 =	vld [tilespmem:s28+$0x1CE10];
	_ =	sdelay $0x4  }
0x187: {  	[tilespmem:$0x1D640] =	vst v1  }
0x188: {  	v1 =	vld [tilespmem:s28+$0x1CE20];
	_ =	sdelay $0x4  }
0x189: {  	[tilespmem:$0x1D650] =	vst v1  }
0x18a: {  	v1 =	vld [tilespmem:s28+$0x1CE30];
	_ =	sdelay $0x4  }
0x18b: {  	[tilespmem:$0x1D660] =	vst v1  }
0x18c: {  	v1 =	vld [tilespmem:s28+$0x1CE40];
	_ =	sdelay $0x4  }
0x18d: {  	[tilespmem:$0x1D670] =	vst v1  }
0x18e: {  	v1 =	vld [tilespmem:s28+$0x1CE50];
	_ =	sdelay $0x4  }
0x18f: {  	[tilespmem:$0x1D680] =	vst v1  }
0x190: {  	v1 =	vld [tilespmem:s28+$0x1CE60];
	_ =	sdelay $0x4  }
0x191: {  	[tilespmem:$0x1D690] =	vst v1  }
0x192: {  	v1 =	vld [tilespmem:s28+$0x1CE70];
	_ =	sdelay $0x4  }
0x193: {  	[tilespmem:$0x1D6A0] =	vst v1  }
0x194: {  	v1 =	vld [tilespmem:s28+$0x1CE80];
	_ =	sdelay $0x4  }
0x195: {  	[tilespmem:$0x1D6B0] =	vst v1  }
0x196: {  	v1 =	vld [tilespmem:s28+$0x1CE90];
	_ =	sdelay $0x4  }
0x197: {  	[tilespmem:$0x1D6C0] =	vst v1  }
0x198: {  	v1 =	vld [tilespmem:s28+$0x1CEA0];
	_ =	sdelay $0x1  }
0x199: {  	(v2sf) =	vpush v0, $0x6;
	_ =	sdelay $0x2  }
0x19a: {  	[tilespmem:$0x1D6D0] =	vst v1  }
0x19b: {  	v1 =	vld [tilespmem:s28+$0x1CEB0];
	_ =	sdelay $0x4  }
0x19c: {  	[tilespmem:$0x1D6E0] =	vst v1  }
0x19d: {  	v1 =	vld [tilespmem:s28+$0x1CEC0];
	_ =	sdelay $0x4  }
0x19e: {  	s29 =	spop (v2sf);
	[tilespmem:$0x1D6F0] =	vst v1  }
0x19f: {  	v1 =	vld [tilespmem:s29+$0x1CEE0];
	_ =	sdelay $0x4  }
0x1a0: {  	[tilespmem:$0x1D700] =	vst v1  }
0x1a1: {  	v1 =	vld [tilespmem:s29+$0x1CEF0];
	_ =	sdelay $0x4  }
0x1a2: {  	[tilespmem:$0x1D710] =	vst v1  }
0x1a3: {  	v1 =	vld [tilespmem:s29+$0x1CF00];
	_ =	sdelay $0x4  }
0x1a4: {  	[tilespmem:$0x1D720] =	vst v1  }
0x1a5: {  	v1 =	vld [tilespmem:s29+$0x1CF10];
	_ =	sdelay $0x4  }
0x1a6: {  	[tilespmem:$0x1D730] =	vst v1  }
0x1a7: {  	v1 =	vld [tilespmem:s29+$0x1CF20];
	_ =	sdelay $0x4  }
0x1a8: {  	[tilespmem:$0x1D740] =	vst v1  }
0x1a9: {  	v1 =	vld [tilespmem:s29+$0x1CF30];
	_ =	sdelay $0x4  }
0x1aa: {  	[tilespmem:$0x1D750] =	vst v1  }
0x1ab: {  	v1 =	vld [tilespmem:s29+$0x1CF40];
	_ =	sdelay $0x4  }
0x1ac: {  	[tilespmem:$0x1D760] =	vst v1  }
0x1ad: {  	v1 =	vld [tilespmem:s29+$0x1CF50];
	_ =	sdelay $0x4  }
0x1ae: {  	[tilespmem:$0x1D770] =	vst v1  }
0x1af: {  	v1 =	vld [tilespmem:s29+$0x1CF60];
	_ =	sdelay $0x4  }
0x1b0: {  	[tilespmem:$0x1D780] =	vst v1  }
0x1b1: {  	v1 =	vld [tilespmem:s29+$0x1CF70];
	_ =	sdelay $0x4  }
0x1b2: {  	[tilespmem:$0x1D790] =	vst v1  }
0x1b3: {  	v1 =	vld [tilespmem:s29+$0x1CF80];
	_ =	sdelay $0x4  }
0x1b4: {  	[tilespmem:$0x1D7A0] =	vst v1  }
0x1b5: {  	v1 =	vld [tilespmem:s29+$0x1CF90];
	_ =	sdelay $0x4  }
0x1b6: {  	[tilespmem:$0x1D7B0] =	vst v1  }
0x1b7: {  	v1 =	vld [tilespmem:s29+$0x1CFA0];
	_ =	sdelay $0x4  }
0x1b8: {  	[tilespmem:$0x1D7C0] =	vst v1  }
0x1b9: {  	v1 =	vld [tilespmem:s29+$0x1CFB0];
	_ =	sdelay $0x1  }
0x1ba: {  	(v2sf) =	vpush v0, $0x7;
	_ =	sdelay $0x2  }
0x1bb: {  	[tilespmem:$0x1D7D0] =	vst v1  }
0x1bc: {  	v63 =	vld [tilespmem:s29+$0x1CFC0];
	_ =	sdelay $0x4  }
0x1bd: {  	[tilespmem:$0x1D7E0] =	vst v63  }
0x1be: {  	v0 =	vld [tilespmem:s29+$0x1CFD0];
	_ =	sdelay $0x4  }
0x1bf: {  	s30 =	spop (v2sf);
	[tilespmem:$0x1D7F0] =	vst v0  }
0x1c0: {  	v0 =	vld [tilespmem:s30+$0x1CFF0];
	_ =	sdelay $0x4  }
0x1c1: {  	[tilespmem:$0x1D800] =	vst v0  }
0x1c2: {  	v0 =	vld [tilespmem:s30+$0x1D000];
	_ =	sdelay $0x4  }
0x1c3: {  	[tilespmem:$0x1D810] =	vst v0  }
0x1c4: {  	v0 =	vld [tilespmem:s30+$0x1D010];
	_ =	sdelay $0x4  }
0x1c5: {  	[tilespmem:$0x1D820] =	vst v0  }
0x1c6: {  	v0 =	vld [tilespmem:s30+$0x1D020];
	_ =	sdelay $0x4  }
0x1c7: {  	[tilespmem:$0x1D830] =	vst v0  }
0x1c8: {  	v0 =	vld [tilespmem:s30+$0x1D030];
	_ =	sdelay $0x4  }
0x1c9: {  	[tilespmem:$0x1D840] =	vst v0  }
0x1ca: {  	v0 =	vld [tilespmem:s30+$0x1D040];
	_ =	sdelay $0x4  }
0x1cb: {  	[tilespmem:$0x1D850] =	vst v0  }
0x1cc: {  	v0 =	vld [tilespmem:s30+$0x1D050];
	_ =	sdelay $0x4  }
0x1cd: {  	[tilespmem:$0x1D860] =	vst v0  }
0x1ce: {  	v0 =	vld [tilespmem:s30+$0x1D060];
	_ =	sdelay $0x4  }
0x1cf: {  	[tilespmem:$0x1D870] =	vst v0  }
0x1d0: {  	v0 =	vld [tilespmem:s30+$0x1D070];
	_ =	sdelay $0x4  }
0x1d1: {  	[tilespmem:$0x1D880] =	vst v0  }
0x1d2: {  	v0 =	vld [tilespmem:s30+$0x1D080];
	_ =	sdelay $0x4  }
0x1d3: {  	[tilespmem:$0x1D890] =	vst v0  }
0x1d4: {  	v0 =	vld [tilespmem:s30+$0x1D090];
	_ =	sdelay $0x4  }
0x1d5: {  	[tilespmem:$0x1D8A0] =	vst v0  }
0x1d6: {  	v0 =	vld [tilespmem:s30+$0x1D0A0];
	_ =	sdelay $0x4  }
0x1d7: {  	[tilespmem:$0x1D8B0] =	vst v0  }
0x1d8: {  	v0 =	vld [tilespmem:s30+$0x1D0B0];
	_ =	sdelay $0x4  }
0x1d9: {  	[tilespmem:$0x1D8C0] =	vst v0  }
0x1da: {  	v0 =	vld [tilespmem:s30+$0x1D0C0];
	_ =	sdelay $0x4  }
0x1db: {  	[tilespmem:$0x1D8D0] =	vst v0  }
0x1dc: {  	v0 =	vld [tilespmem:s30+$0x1D0D0];
	_ =	sdelay $0x4  }
0x1dd: {  	[tilespmem:$0x1D8E0] =	vst v0  }
0x1de: {  	v0 =	vld [tilespmem:s30+$0x1D0E0];
	_ =	sdelay $0x4  }
0x1df: {  	s31 =	rddreg [dreg:$0x17];
	[tilespmem:$0x1D8F0] =	vst v0  }
0x1e0: {  	[hbm4b:s31+s3] =	stream.linear.scatter [tilespmem:s18], [sflag:$0x3], $0x800, $0x38;
	[tilespmem:$0x1D900] =	vst v63  }
0x1e1: {  	_ =	swait.ge [sflag:s16], $0x4000  }
0x1e2: {  	[sflag:s16] =	ssyncset.done $0x0  }
0x1e3: {  	[sflag:s16] =	ssyncadd.s32 $0xFFFFC000  }
0x1e4: {  	_ =	swait.ge [sflag:s16], $0x4000  }
0x1e5: {  	[sflag:s16] =	ssyncset.done $0x0  }
0x1e6: {  	[sflag:s16] =	ssyncadd.s32 $0xFFFFC000  }
0x1e7: {  	_ =	swait.ge [sflag:s16], $0x4000  }
0x1e8: {  	[sflag:s16] =	ssyncset.done $0x0  }
0x1e9: {  	[sflag:s16] =	ssyncadd.s32 $0xFFFFC000  }
0x1ea: {  	p0 =	sne.s32 s5, $0x1;
	_ =	swait.ge [sflag:s16], $0x4000  }
.Ltmp0:
0x1eb: {  	[sflag:s16] =	ssyncset.done $0x0;
	(pc) =	sbr.rel @p0 .LBB2_1-.Ltmp0, $4  }
0x1ec: {  	[sflag:s16] =	ssyncadd.s32 $0xFFFFC000  }
0x1ed: {  	_ =	swait.ge [sflag:s17], $0x800  }
0x1ee: {  	[sflag:s17] =	ssyncset.done $0x0  }
0x1ef: {  	s5 =	sadd.s32 $0xFFFFFFFF, s5;
	[sflag:s17] =	ssyncadd.s32 $0xFFFFF800  }
0x1f0: {  	_ =	sfence.sel $0x180000  }
0x1f1: {  	[bflag:$0x0] =	sbarrier.arrive $0xFFFF  }
0x1f2: {  	p0 =	sne.s32 s2, $0x0;
	_ =	strace $0x90000047  }
0x1f3: {  	s0 =	sadd.s32 @!p0 $0x100000, s0;
	[bflag:$0x2] =	sbarrier.arrive $0xFFFF  }
0x1f4: {  	[sflag:s0] =	ssyncadd.tile.s32 @!p0 $0x1;
	_ =	shalt  }
.Lfunc_end2:
_tile_overlayer_lowered:
.L_overlay_start_2:
0x1f5: {  	(tag) =	ssettag $0x2  }
0x1f6: {  	s0 =	rddreg [dreg:$0x0];
	s2 =	stileid.u32  }
0x1f7: {  	s1 =	rddreg [dreg:$0x1];
	p0 =	sne.s32 s2, $0x0  }
0x1f8: {  	s3 =	rddreg [dreg:$0x2];
	[bflag:$0x3] =	sbarrier.arrive $0xFFFF;
	s2 =	simm.s32 @!p0 $0x1C04  }
0x1f9: {  	[timem:s3], [sflag:s2] =	dma.local @!p0 [hbm:s0], s1  }
0x1fa: {  	s0 =	simm.s32 @!p0 $0x4  }
0x1fb: {  	_ =	swait.ge @!p0 [sflag:s0], s1  }
0x1fc: {  	s1 =	ssub.s32 @!p0 $0x0, s1;
	[sflag:s0] =	ssyncset.done @!p0 $0x0  }
0x1fd: {  	[sflag:s0] =	ssyncadd.s32 @!p0 s1  }
0x1fe: {  	[bflag:$0x3] =	sbarrier.arrive $0xFFFF  }
0x1ff: {  	_ =	shalt  }

</sc_bundles>
